<compile_context>
chip_gen: v7x
topology: tpu7x:2x2x1
jax: 0.10.2.dev20260603
libtpu: 0.0.44.dev20260713+nightly
codegen_flags: <defaults>
</compile_context>

<pallas_src>
import functools

import jax
import jax.numpy as jnp
from jax import lax
from jax.experimental import pallas as pl
from jax.experimental.pallas import tpu as pltpu
from jax.experimental.pallas import tpu_sc as plsc

_DP = 64


def _gather_updates(x_pad, src):
    E = src.shape[0]
    NW = 32
    per_w = E // NW
    sub = 1000
    nsub = per_w // sub
    mesh = plsc.VectorSubcoreMesh(core_axis_name="c", subcore_axis_name="s")

    @functools.partial(
        pl.kernel,
        out_type=jax.ShapeDtypeStruct((E, _DP), jnp.float32),
        mesh=mesh,
        scratch_types=[
            pltpu.VMEM((sub,), jnp.int32),
            pltpu.VMEM((sub, _DP), jnp.float32),
            pltpu.SemaphoreType.DMA,
        ],
        compiler_params=pltpu.CompilerParams(use_tc_tiling_on_sc=False),
    )
    def k(src_hbm, table_hbm, out_hbm, idx_v, rows_v, sem):
        wid = lax.axis_index("s") * 2 + lax.axis_index("c")
        base = wid * per_w

        def body(j, carry):
            off = base + j * sub
            pltpu.sync_copy(src_hbm.at[pl.ds(off, sub)], idx_v)
            pltpu.async_copy(table_hbm.at[idx_v], rows_v, sem).wait()
            pltpu.sync_copy(rows_v, out_hbm.at[pl.ds(off, sub)])
            return carry

        lax.fori_loop(0, nsub, body, 0)

    return k(src, x_pad)


def _dense_chain_kernel(acc_ref, x_ref, bid_ref, W_rel_ref, W_root_ref,
                        b_conv_ref, lin1_W_ref, lin1_b_ref, lin2_W_ref,
                        lin2_b_ref, q_ref, *, R, B, D):
    i = pl.program_id(0)

    @pl.when(i == 0)
    def _():
        q_ref[...] = jnp.zeros_like(q_ref)

    acc = acc_ref[...]
    inv = 1.0 / jnp.clip(acc[:, :, D], 1.0, None)
    x = x_ref[...]
    agg = x @ W_root_ref[...]
    for r in range(R):
        scaled = acc[:, r, :] * inv[:, r][:, None]
        agg = agg + scaled @ W_rel_ref[r]
    h = jax.nn.relu(agg + b_conv_ref[...])
    h = jax.nn.relu(h @ lin1_W_ref[...] + lin1_b_ref[...])
    h = h @ lin2_W_ref[...] + lin2_b_ref[...]

    bid = bid_ref[:, 0]
    bn = bid.shape[0]
    onehot = jnp.where(
        bid[:, None] == jax.lax.broadcasted_iota(jnp.int32, (bn, B), 1),
        1.0, 0.0)
    q_ref[...] += jax.lax.dot_general(
        onehot, h, (((0,), (0,)), ((), ())),
        preferred_element_type=jnp.float32)


def _score_kernel(q_ref, a_ref, c_ref, loss_ref, g_ref, c_out_ref):
    q = q_ref[...]
    a = a_ref[...]
    c = c_ref[...]
    qn = jnp.sqrt(jnp.sum(q * q, axis=1, keepdims=True))
    golden = jnp.sum(q * a, axis=1, keepdims=True) / (
        qn * jnp.sqrt(jnp.sum(a * a, axis=1, keepdims=True)))
    corrupt = jnp.sum(q * c, axis=1, keepdims=True) / (
        qn * jnp.sqrt(jnp.sum(c * c, axis=1, keepdims=True)))
    g_ref[...] = golden
    c_out_ref[...] = corrupt
    loss_ref[...] = jnp.maximum(0.0, -(golden - corrupt) + 1.0)


def kernel(node_ids, edge_index, edge_type, batch_id, answers, corrupted,
           ent_table, W_rel, W_root, b_conv, lin1_W, lin1_b, lin2_W, lin2_b):
    N = node_ids.shape[0]
    R, D, H = W_rel.shape
    B = answers.shape[0]

    x = jnp.take(ent_table, node_ids, axis=0)
    x_pad = jnp.zeros((N, _DP), jnp.float32)
    x_pad = x_pad.at[:, :D].set(x).at[:, D].set(1.0)
    src, dst = edge_index[0], edge_index[1]
    g = dst * R + edge_type

    upd = _gather_updates(x_pad, src.astype(jnp.int32))
    acc = jnp.zeros((N * R, _DP), jnp.float32).at[g].add(upd)
    acc3 = acc.reshape(N, R, _DP)

    W_rel_pad = jnp.zeros((R, _DP, H), jnp.float32).at[:, :D, :].set(W_rel)

    bn = 1000
    grid = N // bn
    q = pl.pallas_call(
        functools.partial(_dense_chain_kernel, R=R, B=B, D=D),
        grid=(grid,),
        in_specs=[
            pl.BlockSpec((bn, R, _DP), lambda i: (i, 0, 0)),
            pl.BlockSpec((bn, D), lambda i: (i, 0)),
            pl.BlockSpec((bn, 1), lambda i: (i, 0)),
            pl.BlockSpec((R, _DP, H), lambda i: (0, 0, 0)),
            pl.BlockSpec((D, H), lambda i: (0, 0)),
            pl.BlockSpec((1, H), lambda i: (0, 0)),
            pl.BlockSpec((H, D), lambda i: (0, 0)),
            pl.BlockSpec((1, D), lambda i: (0, 0)),
            pl.BlockSpec((D, D), lambda i: (0, 0)),
            pl.BlockSpec((1, D), lambda i: (0, 0)),
        ],
        out_specs=pl.BlockSpec((B, D), lambda i: (0, 0)),
        out_shape=jax.ShapeDtypeStruct((B, D), jnp.float32),
    )(acc3, x, batch_id.reshape(N, 1).astype(jnp.int32), W_rel_pad,
      W_root, b_conv.reshape(1, H), lin1_W, lin1_b.reshape(1, D),
      lin2_W, lin2_b.reshape(1, D))

    a_emb = jnp.take(ent_table, answers, axis=0)
    c_emb = jnp.take(ent_table, corrupted, axis=0)
    loss, golden, corrupt = pl.pallas_call(
        _score_kernel,
        out_shape=[jax.ShapeDtypeStruct((B, 1), jnp.float32)] * 3,
    )(q, a_emb, c_emb)
    return (loss.reshape(B), golden.reshape(B), corrupt.reshape(B))

# --- scband reference (transcript-rebuilt; emitter-appended) ---
"""Pipeline reference for scband-model-86311662780422 (READ-ONLY COPY).

The authoritative reference and input builder live on the scoring server;
editing this copy changes nothing except your own understanding.
"""

import jax, jax.numpy as jnp
import numpy as np

N = 50000
E = 800000
R = 16
NE = 1000000
D = 50   # emb_dim
H = 100  # conv_dims[0]
B = 1024
MARGIN = 1.0


def setup_inputs(seed: int = 0) -> dict:
    key = jax.random.key(seed)
    ks = jax.random.split(key, 12)
    node_ids = jax.random.randint(ks[0], (N,), 0, NE)
    edge_index = jax.random.randint(ks[1], (2, E), 0, N)
    edge_type = jax.random.randint(ks[2], (E,), 0, R)
    batch_id = jnp.sort(jax.random.randint(ks[3], (N,), 0, B))
    answers = jax.random.randint(ks[4], (B,), 0, NE)
    corrupted = jax.random.randint(ks[5], (B,), 0, NE)
    ent_table = jax.random.normal(ks[6], (NE, D), dtype=jnp.float32) * 0.02
    W_rel = jax.random.normal(ks[7], (R, D, H), dtype=jnp.float32) * 0.05
    W_root = jax.random.normal(ks[8], (D, H), dtype=jnp.float32) * 0.05
    b_conv = jnp.zeros((H,), dtype=jnp.float32)
    lin1_W = jax.random.normal(ks[9], (H, D), dtype=jnp.float32) * 0.05
    lin1_b = jnp.zeros((D,), dtype=jnp.float32)
    lin2_W = jax.random.normal(ks[10], (D, D), dtype=jnp.float32) * 0.05
    lin2_b = jnp.zeros((D,), dtype=jnp.float32)
    return {"node_ids": node_ids, "edge_index": edge_index, "edge_type": edge_type,
            "batch_id": batch_id, "answers": answers, "corrupted": corrupted,
            "ent_table": ent_table, "W_rel": W_rel, "W_root": W_root, "b_conv": b_conv,
            "lin1_W": lin1_W, "lin1_b": lin1_b, "lin2_W": lin2_W, "lin2_b": lin2_b}


def _score(q, a_emb):
    norm = jnp.linalg.norm(q, axis=-1) * jnp.linalg.norm(a_emb, axis=-1)
    return jnp.sum(q * a_emb, axis=-1) / norm


def reference(node_ids, edge_index, edge_type, batch_id, answers, corrupted,
              ent_table, W_rel, W_root, b_conv, lin1_W, lin1_b, lin2_W, lin2_b):
    n = node_ids.shape[0]
    # graph_embedding: entity id -> embedding (gather)
    x = jnp.take(ent_table, node_ids, axis=0)  # [N, D]
    src = edge_index[0]
    dst = edge_index[1]
    # FastRGCNConv (aggr='mean'): per (dst, relation) mean of W_r x_j, plus root transform + bias
    counts = jnp.zeros((n, R), dtype=jnp.float32).at[dst, edge_type].add(1.0)
    norm = 1.0 / jnp.clip(counts[dst, edge_type], 1.0, None)  # [E]
    xW = jnp.einsum('nd,rdh->nrh', x, W_rel)                   # [N, R, H]
    msg = xW[src, edge_type]                                   # [E, H] gather
    agg = jnp.zeros((n, H), dtype=jnp.float32).at[dst].add(norm[:, None] * msg)
    h = agg + x @ W_root + b_conv
    h = jax.nn.relu(h)
    # linear layers: 100->50 (relu), 50->50
    h = jax.nn.relu(h @ lin1_W + lin1_b)
    h = h @ lin2_W + lin2_b
    # aggregate: scatter_add over batch_id -> query embeddings
    q = jax.ops.segment_sum(h, batch_id, num_segments=B)       # [B, D]
    golden = _score(q, jnp.take(ent_table, answers, axis=0))
    corrupt = _score(q, jnp.take(ent_table, corrupted, axis=0))
    # MarginRankingLoss(target=1, reduction='none')
    loss = jnp.maximum(0.0, -(golden - corrupt) + MARGIN)
    return (loss, golden, corrupt)

if __name__ == "__main__":
    import jax
    _d = setup_inputs()
    print(jax.jit(kernel)(*tuple(_d.values())))

</pallas_src>

<mosaic_0001>
#map = affine_map<(d0, d1) -> (0)>
#map1 = affine_map<(d0, d1) -> (0, 0)>
module attributes {stable_mosaic.version = 14 : i64} {
  func.func @k(%arg0: i32, %arg1: i32, %arg2: memref<800000xi32, #tpu.memory_space<hbm>>, %arg3: memref<50000x64xf32, #tpu.memory_space<hbm>>, %arg4: memref<800000x64xf32, #tpu.memory_space<hbm>>, %arg5: memref<1000xi32, #tpu.memory_space<vmem>>, %arg6: memref<1000x64xf32, #tpu.memory_space<vmem>>, %arg7: memref<!tpu.dma_semaphore, #tpu.memory_space<semaphore_mem>>) attributes {dimension_semantics = [#tpu.dimension_semantics<core_parallel>, #tpu.dimension_semantics<subcore_parallel>], iteration_bounds = array<i64: 2, 16>, scalar_prefetch = 0 : i64, scratch_operands = 3 : i64, tpu.core_type = #tpu.core_type<sc_vector_subcore>, window_params = [{transform_indices = #map}, {transform_indices = #map1}, {transform_indices = #map1}]} {
    %mul3A = arith.constant 2 : i32
    %mul3A_0 = arith.muli %arg1, %mul3A : i32
    %add3A = arith.addi %mul3A_0, %arg0 : i32
    %mul3A_1 = arith.constant 25000 : i32
    %mul3A_2 = arith.muli %add3A, %mul3A_1 : i32
    %scan3A = arith.constant 0 : i32
    %scan3A_3 = arith.constant 0 : i32
    %scan3A_4 = arith.constant 25 : i32
    %scan3A_5 = arith.addi %scan3A_3, %scan3A_4 : i32
    %scan3A_6 = arith.constant 1 : i32
    scf.for %scan3A_8 = %scan3A_3 to %scan3A_5 step %scan3A_6  : i32 {
      %mul3A_9 = arith.constant 1000 : i32
      %mul3A_10 = arith.muli %scan3A_8, %mul3A_9 : i32
      %add3A_11 = arith.addi %mul3A_2, %mul3A_10 : i32
      "tpu.region"() ({
        %run_scoped3A = tpu.sem_alloc : memref<!tpu.dma_semaphore, #tpu.memory_space<semaphore_mem>>
        %dma_start3A_16 = tpu.memref_slice %arg2[%add3A_11] : memref<800000xi32, #tpu.memory_space<hbm>> -> memref<1000xi32, #tpu.memory_space<hbm>>
        %dma_start3A_17 = tpu.memref_slice %arg2[%add3A_11] : memref<800000xi32, #tpu.memory_space<hbm>> -> memref<1000xi32, #tpu.memory_space<hbm>>
        tpu.enqueue_dma source(%dma_start3A_17 : memref<1000xi32, #tpu.memory_space<hbm>>) target(%arg5 : memref<1000xi32, #tpu.memory_space<vmem>>) target_semaphore(%run_scoped3A : memref<!tpu.dma_semaphore, #tpu.memory_space<semaphore_mem>>)
        %dma_wait3A_18 = tpu.memref_slice %arg2[%add3A_11] : memref<800000xi32, #tpu.memory_space<hbm>> -> memref<1000xi32, #tpu.memory_space<hbm>>
        %dma_wait3A_19 = tpu.memref_slice %arg2[%add3A_11] : memref<800000xi32, #tpu.memory_space<hbm>> -> memref<1000xi32, #tpu.memory_space<hbm>>
        tpu.wait_dma2 semaphore(%run_scoped3A : memref<!tpu.dma_semaphore, #tpu.memory_space<semaphore_mem>>) src(%dma_wait3A_19 : memref<1000xi32, #tpu.memory_space<hbm>>) dst(%arg5 : memref<1000xi32, #tpu.memory_space<vmem>>)
        tpu.yield
      }) : () -> ()
      %dma_start3A = arith.constant 0 : i32
      %dma_start3A_12 = arith.constant 0 : i32
      %dma_start3A_13 = tpu.memref_slice %arg3[%dma_start3A, %dma_start3A_12] : memref<50000x64xf32, #tpu.memory_space<hbm>> -> memref<50000x64xf32, #tpu.memory_space<hbm>>
      tpu.enqueue_indirect_dma source(%dma_start3A_13 : memref<50000x64xf32, #tpu.memory_space<hbm>>) target(%arg6 : memref<1000x64xf32, #tpu.memory_space<vmem>>) offsets(%arg5 : memref<1000xi32, #tpu.memory_space<vmem>>) semaphore(%arg7 : memref<!tpu.dma_semaphore, #tpu.memory_space<semaphore_mem>>)
      %dma_wait3A = arith.constant 0 : i32
      %dma_wait3A_14 = arith.constant 0 : i32
      %dma_wait3A_15 = tpu.memref_slice %arg3[%dma_wait3A, %dma_wait3A_14] : memref<50000x64xf32, #tpu.memory_space<hbm>> -> memref<50000x64xf32, #tpu.memory_space<hbm>>
      tpu.wait_indirect_dma semaphore(%arg7 : memref<!tpu.dma_semaphore, #tpu.memory_space<semaphore_mem>>) src(%dma_wait3A_15 : memref<50000x64xf32, #tpu.memory_space<hbm>>) dst(%arg6 : memref<1000x64xf32, #tpu.memory_space<vmem>>)
      "tpu.region"() ({
        %run_scoped3A = tpu.sem_alloc : memref<!tpu.dma_semaphore, #tpu.memory_space<semaphore_mem>>
        %dma_start3A_16 = arith.constant 0 : i32
        %dma_start3A_17 = tpu.memref_slice %arg4[%add3A_11, %dma_start3A_16] : memref<800000x64xf32, #tpu.memory_space<hbm>> -> memref<1000x64xf32, #tpu.memory_space<hbm>>
        %dma_start3A_18 = arith.constant 0 : i32
        %dma_start3A_19 = tpu.memref_slice %arg4[%add3A_11, %dma_start3A_18] : memref<800000x64xf32, #tpu.memory_space<hbm>> -> memref<1000x64xf32, #tpu.memory_space<hbm>>
        tpu.enqueue_dma source(%arg6 : memref<1000x64xf32, #tpu.memory_space<vmem>>) target(%dma_start3A_19 : memref<1000x64xf32, #tpu.memory_space<hbm>>) target_semaphore(%run_scoped3A : memref<!tpu.dma_semaphore, #tpu.memory_space<semaphore_mem>>)
        %dma_wait3A_20 = arith.constant 0 : i32
        %dma_wait3A_21 = tpu.memref_slice %arg4[%add3A_11, %dma_wait3A_20] : memref<800000x64xf32, #tpu.memory_space<hbm>> -> memref<1000x64xf32, #tpu.memory_space<hbm>>
        %dma_wait3A_22 = arith.constant 0 : i32
        %dma_wait3A_23 = tpu.memref_slice %arg4[%add3A_11, %dma_wait3A_22] : memref<800000x64xf32, #tpu.memory_space<hbm>> -> memref<1000x64xf32, #tpu.memory_space<hbm>>
        tpu.wait_dma2 semaphore(%run_scoped3A : memref<!tpu.dma_semaphore, #tpu.memory_space<semaphore_mem>>) src(%arg6 : memref<1000x64xf32, #tpu.memory_space<vmem>>) dst(%dma_wait3A_23 : memref<1000x64xf32, #tpu.memory_space<hbm>>)
        tpu.yield
      }) : () -> ()
    }
    %scan3A_7 = arith.constant 25 : i32
    return
  }
}

module attributes {stable_mosaic.version = 14 : i64} {
  func.func @_dense_chain_kernel(%arg0: i32, %arg1: memref<1000x16x64xf32, #tpu.memory_space<vmem>>, %arg2: memref<1000x50xf32, #tpu.memory_space<vmem>>, %arg3: memref<1000x1xi32, #tpu.memory_space<vmem>>, %arg4: memref<16x64x100xf32, #tpu.memory_space<vmem>>, %arg5: memref<50x100xf32, #tpu.memory_space<vmem>>, %arg6: memref<1x100xf32, #tpu.memory_space<vmem>>, %arg7: memref<100x50xf32, #tpu.memory_space<vmem>>, %arg8: memref<1x50xf32, #tpu.memory_space<vmem>>, %arg9: memref<50x50xf32, #tpu.memory_space<vmem>>, %arg10: memref<1x50xf32, #tpu.memory_space<vmem>>, %arg11: memref<1024x50xf32, #tpu.memory_space<vmem>>) attributes {dimension_semantics = [#tpu.dimension_semantics<arbitrary>], iteration_bounds = array<i64: 50>, scalar_prefetch = 0 : i64, scratch_operands = 0 : i64, tpu.core_type = #tpu.core_type<tc>, window_params = [{transform_indices = @transform_0, window_bounds = array<i64: 1000, 16, 64>}, {transform_indices = @transform_1, window_bounds = array<i64: 1000, 50>}, {transform_indices = @transform_2, window_bounds = array<i64: 1000, 1>}, {pipeline_mode = #tpu.pipeline_mode<synchronous>, transform_indices = @transform_3, window_bounds = array<i64: 16, 64, 100>}, {pipeline_mode = #tpu.pipeline_mode<synchronous>, transform_indices = @transform_4, window_bounds = array<i64: 50, 100>}, {pipeline_mode = #tpu.pipeline_mode<synchronous>, transform_indices = @transform_5, window_bounds = array<i64: 1, 100>}, {pipeline_mode = #tpu.pipeline_mode<synchronous>, transform_indices = @transform_6, window_bounds = array<i64: 100, 50>}, {pipeline_mode = #tpu.pipeline_mode<synchronous>, transform_indices = @transform_7, window_bounds = array<i64: 1, 50>}, {pipeline_mode = #tpu.pipeline_mode<synchronous>, transform_indices = @transform_8, window_bounds = array<i64: 50, 50>}, {pipeline_mode = #tpu.pipeline_mode<synchronous>, transform_indices = @transform_9, window_bounds = array<i64: 1, 50>}, {pipeline_mode = #tpu.pipeline_mode<synchronous>, transform_indices = @transform_10, window_bounds = array<i64: 1024, 50>}]} {
    %eq3A = arith.constant 0 : i32
    %eq3A_0 = arith.cmpi eq, %arg0, %eq3A : i32
    %convert_element_type3A = arith.extui %eq3A_0 : i1 to i32
    %cond3A = arith.constant 0 : i32
    %cond3A_1 = arith.cmpi ne, %convert_element_type3A, %cond3A : i32
    scf.if %cond3A_1 {
      %broadcast_in_dim3A_302 = arith.constant 0.000000e+00 : f32
      %broadcast_in_dim3A_303 = vector.broadcast %broadcast_in_dim3A_302 : f32 to vector<1024x50xf32>
      %swap3A_304 = arith.constant 0 : index
      %swap3A_305 = arith.constant 0 : index
      %swap3A_306 = vector.load %arg11[%swap3A_304, %swap3A_305] : memref<1024x50xf32, #tpu.memory_space<vmem>>, vector<1024x50xf32>
      tpu.vector_store %arg11[%swap3A_304, %swap3A_305], %broadcast_in_dim3A_303 {strides = array<i32>} : memref<1024x50xf32, #tpu.memory_space<vmem>>, vector<1024x50xf32>,
    } else {
    }
    %get3A = arith.constant 0 : index
    %get3A_2 = arith.constant 0 : index
    %get3A_3 = arith.constant 0 : index
    %get3A_4 = vector.load %arg1[%get3A, %get3A_2, %get3A_3] : memref<1000x16x64xf32, #tpu.memory_space<vmem>>, vector<1000x16x64xf32>
    %slice3A = vector.extract_strided_slice %get3A_4 {offsets = [0, 0, 50], sizes = [1000, 16, 1], strides = [1, 1, 1]} : vector<1000x16x64xf32> to vector<1000x16x1xf32>
    %squeeze3A = vector.shape_cast %slice3A : vector<1000x16x1xf32> to vector<1000x16xf32>
    %jit3A = arith.constant 1.000000e+00 : f32
    %max3A = vector.broadcast %jit3A : f32 to vector<1000x16xf32>
    %max3A_5 = arith.maximumf %max3A, %squeeze3A : vector<1000x16xf32>
    %div3A = arith.constant 1.000000e+00 : f32
    %div3A_6 = vector.broadcast %div3A : f32 to vector<1000x16xf32>
    %div3A_7 = arith.divf %div3A_6, %max3A_5 : vector<1000x16xf32>
    %get3A_8 = arith.constant 0 : index
    %get3A_9 = arith.constant 0 : index
    %get3A_10 = vector.load %arg2[%get3A_8, %get3A_9] : memref<1000x50xf32, #tpu.memory_space<vmem>>, vector<1000x50xf32>
    %get3A_11 = arith.constant 0 : index
    %get3A_12 = arith.constant 0 : index
    %get3A_13 = vector.load %arg5[%get3A_11, %get3A_12] : memref<50x100xf32, #tpu.memory_space<vmem>>, vector<50x100xf32>
    %dot_general3A = arith.constant dense<0.000000e+00> : vector<1000x100xf32>
    %dot_general3A_14 = tpu.matmul %get3A_10, %get3A_13, %dot_general3A {dimension_numbers = #tpu.dot_dimension_numbers<[1], [0], [0], [1], [0, 0, 1, 1], [], []>, transpose_lhs_hint = false} : vector<1000x50xf32>, vector<50x100xf32>, vector<1000x100xf32> -> vector<1000x100xf32>
    %slice3A_15 = vector.extract_strided_slice %get3A_4 {offsets = [0, 0, 0], sizes = [1000, 1, 64], strides = [1, 1, 1]} : vector<1000x16x64xf32> to vector<1000x1x64xf32>
    %squeeze3A_16 = vector.shape_cast %slice3A_15 : vector<1000x1x64xf32> to vector<1000x64xf32>
    %slice3A_17 = vector.extract_strided_slice %div3A_7 {offsets = [0, 0], sizes = [1000, 1], strides = [1, 1]} : vector<1000x16xf32> to vector<1000x1xf32>
    %squeeze3A_18 = vector.shape_cast %slice3A_17 : vector<1000x1xf32> to vector<1000xf32>
    %broadcast_in_dim3A = vector.shape_cast %squeeze3A_18 : vector<1000xf32> to vector<1000x1xf32>
    %mul3A = vector.broadcast %broadcast_in_dim3A : vector<1000x1xf32> to vector<1000x64xf32>
    %mul3A_19 = arith.mulf %squeeze3A_16, %mul3A : vector<1000x64xf32>
    %get3A_20 = arith.constant 0 : index
    %get3A_21 = arith.constant 0 : index
    %get3A_22 = arith.constant 0 : index
    %get3A_23 = vector.load %arg4[%get3A_20, %get3A_21, %get3A_22] : memref<16x64x100xf32, #tpu.memory_space<vmem>>, vector<1x64x100xf32>
    %get3A_24 = vector.shape_cast %get3A_23 : vector<1x64x100xf32> to vector<64x100xf32>
    %dot_general3A_25 = arith.constant dense<0.000000e+00> : vector<1000x100xf32>
    %dot_general3A_26 = tpu.matmul %mul3A_19, %get3A_24, %dot_general3A_25 {dimension_numbers = #tpu.dot_dimension_numbers<[1], [0], [0], [1], [0, 0, 1, 1], [], []>, transpose_lhs_hint = false} : vector<1000x64xf32>, vector<64x100xf32>, vector<1000x100xf32> -> vector<1000x100xf32>
    %add3A = arith.addf %dot_general3A_14, %dot_general3A_26 : vector<1000x100xf32>
    %slice3A_27 = vector.extract_strided_slice %get3A_4 {offsets = [0, 1, 0], sizes = [1000, 1, 64], strides = [1, 1, 1]} : vector<1000x16x64xf32> to vector<1000x1x64xf32>
    %squeeze3A_28 = vector.shape_cast %slice3A_27 : vector<1000x1x64xf32> to vector<1000x64xf32>
    %slice3A_29 = vector.extract_strided_slice %div3A_7 {offsets = [0, 1], sizes = [1000, 1], strides = [1, 1]} : vector<1000x16xf32> to vector<1000x1xf32>
    %squeeze3A_30 = vector.shape_cast %slice3A_29 : vector<1000x1xf32> to vector<1000xf32>
    %broadcast_in_dim3A_31 = vector.shape_cast %squeeze3A_30 : vector<1000xf32> to vector<1000x1xf32>
    %mul3A_32 = vector.broadcast %broadcast_in_dim3A_31 : vector<1000x1xf32> to vector<1000x64xf32>
    %mul3A_33 = arith.mulf %squeeze3A_28, %mul3A_32 : vector<1000x64xf32>
    %get3A_34 = arith.constant 1 : index
    %get3A_35 = arith.constant 0 : index
    %get3A_36 = arith.constant 0 : index
    %get3A_37 = vector.load %arg4[%get3A_34, %get3A_35, %get3A_36] : memref<16x64x100xf32, #tpu.memory_space<vmem>>, vector<1x64x100xf32>
    %get3A_38 = vector.shape_cast %get3A_37 : vector<1x64x100xf32> to vector<64x100xf32>
    %dot_general3A_39 = arith.constant dense<0.000000e+00> : vector<1000x100xf32>
    %dot_general3A_40 = tpu.matmul %mul3A_33, %get3A_38, %dot_general3A_39 {dimension_numbers = #tpu.dot_dimension_numbers<[1], [0], [0], [1], [0, 0, 1, 1], [], []>, transpose_lhs_hint = false} : vector<1000x64xf32>, vector<64x100xf32>, vector<1000x100xf32> -> vector<1000x100xf32>
    %add3A_41 = arith.addf %add3A, %dot_general3A_40 : vector<1000x100xf32>
    %slice3A_42 = vector.extract_strided_slice %get3A_4 {offsets = [0, 2, 0], sizes = [1000, 1, 64], strides = [1, 1, 1]} : vector<1000x16x64xf32> to vector<1000x1x64xf32>
    %squeeze3A_43 = vector.shape_cast %slice3A_42 : vector<1000x1x64xf32> to vector<1000x64xf32>
    %slice3A_44 = vector.extract_strided_slice %div3A_7 {offsets = [0, 2], sizes = [1000, 1], strides = [1, 1]} : vector<1000x16xf32> to vector<1000x1xf32>
    %squeeze3A_45 = vector.shape_cast %slice3A_44 : vector<1000x1xf32> to vector<1000xf32>
    %broadcast_in_dim3A_46 = vector.shape_cast %squeeze3A_45 : vector<1000xf32> to vector<1000x1xf32>
    %mul3A_47 = vector.broadcast %broadcast_in_dim3A_46 : vector<1000x1xf32> to vector<1000x64xf32>
    %mul3A_48 = arith.mulf %squeeze3A_43, %mul3A_47 : vector<1000x64xf32>
    %get3A_49 = arith.constant 2 : index
    %get3A_50 = arith.constant 0 : index
    %get3A_51 = arith.constant 0 : index
    %get3A_52 = vector.load %arg4[%get3A_49, %get3A_50, %get3A_51] : memref<16x64x100xf32, #tpu.memory_space<vmem>>, vector<1x64x100xf32>
    %get3A_53 = vector.shape_cast %get3A_52 : vector<1x64x100xf32> to vector<64x100xf32>
    %dot_general3A_54 = arith.constant dense<0.000000e+00> : vector<1000x100xf32>
    %dot_general3A_55 = tpu.matmul %mul3A_48, %get3A_53, %dot_general3A_54 {dimension_numbers = #tpu.dot_dimension_numbers<[1], [0], [0], [1], [0, 0, 1, 1], [], []>, transpose_lhs_hint = false} : vector<1000x64xf32>, vector<64x100xf32>, vector<1000x100xf32> -> vector<1000x100xf32>
    %add3A_56 = arith.addf %add3A_41, %dot_general3A_55 : vector<1000x100xf32>
    %slice3A_57 = vector.extract_strided_slice %get3A_4 {offsets = [0, 3, 0], sizes = [1000, 1, 64], strides = [1, 1, 1]} : vector<1000x16x64xf32> to vector<1000x1x64xf32>
    %squeeze3A_58 = vector.shape_cast %slice3A_57 : vector<1000x1x64xf32> to vector<1000x64xf32>
    %slice3A_59 = vector.extract_strided_slice %div3A_7 {offsets = [0, 3], sizes = [1000, 1], strides = [1, 1]} : vector<1000x16xf32> to vector<1000x1xf32>
    %squeeze3A_60 = vector.shape_cast %slice3A_59 : vector<1000x1xf32> to vector<1000xf32>
    %broadcast_in_dim3A_61 = vector.shape_cast %squeeze3A_60 : vector<1000xf32> to vector<1000x1xf32>
    %mul3A_62 = vector.broadcast %broadcast_in_dim3A_61 : vector<1000x1xf32> to vector<1000x64xf32>
    %mul3A_63 = arith.mulf %squeeze3A_58, %mul3A_62 : vector<1000x64xf32>
    %get3A_64 = arith.constant 3 : index
    %get3A_65 = arith.constant 0 : index
    %get3A_66 = arith.constant 0 : index
    %get3A_67 = vector.load %arg4[%get3A_64, %get3A_65, %get3A_66] : memref<16x64x100xf32, #tpu.memory_space<vmem>>, vector<1x64x100xf32>
    %get3A_68 = vector.shape_cast %get3A_67 : vector<1x64x100xf32> to vector<64x100xf32>
    %dot_general3A_69 = arith.constant dense<0.000000e+00> : vector<1000x100xf32>
    %dot_general3A_70 = tpu.matmul %mul3A_63, %get3A_68, %dot_general3A_69 {dimension_numbers = #tpu.dot_dimension_numbers<[1], [0], [0], [1], [0, 0, 1, 1], [], []>, transpose_lhs_hint = false} : vector<1000x64xf32>, vector<64x100xf32>, vector<1000x100xf32> -> vector<1000x100xf32>
    %add3A_71 = arith.addf %add3A_56, %dot_general3A_70 : vector<1000x100xf32>
    %slice3A_72 = vector.extract_strided_slice %get3A_4 {offsets = [0, 4, 0], sizes = [1000, 1, 64], strides = [1, 1, 1]} : vector<1000x16x64xf32> to vector<1000x1x64xf32>
    %squeeze3A_73 = vector.shape_cast %slice3A_72 : vector<1000x1x64xf32> to vector<1000x64xf32>
    %slice3A_74 = vector.extract_strided_slice %div3A_7 {offsets = [0, 4], sizes = [1000, 1], strides = [1, 1]} : vector<1000x16xf32> to vector<1000x1xf32>
    %squeeze3A_75 = vector.shape_cast %slice3A_74 : vector<1000x1xf32> to vector<1000xf32>
    %broadcast_in_dim3A_76 = vector.shape_cast %squeeze3A_75 : vector<1000xf32> to vector<1000x1xf32>
    %mul3A_77 = vector.broadcast %broadcast_in_dim3A_76 : vector<1000x1xf32> to vector<1000x64xf32>
    %mul3A_78 = arith.mulf %squeeze3A_73, %mul3A_77 : vector<1000x64xf32>
    %get3A_79 = arith.constant 4 : index
    %get3A_80 = arith.constant 0 : index
    %get3A_81 = arith.constant 0 : index
    %get3A_82 = vector.load %arg4[%get3A_79, %get3A_80, %get3A_81] : memref<16x64x100xf32, #tpu.memory_space<vmem>>, vector<1x64x100xf32>
    %get3A_83 = vector.shape_cast %get3A_82 : vector<1x64x100xf32> to vector<64x100xf32>
    %dot_general3A_84 = arith.constant dense<0.000000e+00> : vector<1000x100xf32>
    %dot_general3A_85 = tpu.matmul %mul3A_78, %get3A_83, %dot_general3A_84 {dimension_numbers = #tpu.dot_dimension_numbers<[1], [0], [0], [1], [0, 0, 1, 1], [], []>, transpose_lhs_hint = false} : vector<1000x64xf32>, vector<64x100xf32>, vector<1000x100xf32> -> vector<1000x100xf32>
    %add3A_86 = arith.addf %add3A_71, %dot_general3A_85 : vector<1000x100xf32>
    %slice3A_87 = vector.extract_strided_slice %get3A_4 {offsets = [0, 5, 0], sizes = [1000, 1, 64], strides = [1, 1, 1]} : vector<1000x16x64xf32> to vector<1000x1x64xf32>
    %squeeze3A_88 = vector.shape_cast %slice3A_87 : vector<1000x1x64xf32> to vector<1000x64xf32>
    %slice3A_89 = vector.extract_strided_slice %div3A_7 {offsets = [0, 5], sizes = [1000, 1], strides = [1, 1]} : vector<1000x16xf32> to vector<1000x1xf32>
    %squeeze3A_90 = vector.shape_cast %slice3A_89 : vector<1000x1xf32> to vector<1000xf32>
    %broadcast_in_dim3A_91 = vector.shape_cast %squeeze3A_90 : vector<1000xf32> to vector<1000x1xf32>
    %mul3A_92 = vector.broadcast %broadcast_in_dim3A_91 : vector<1000x1xf32> to vector<1000x64xf32>
    %mul3A_93 = arith.mulf %squeeze3A_88, %mul3A_92 : vector<1000x64xf32>
    %get3A_94 = arith.constant 5 : index
    %get3A_95 = arith.constant 0 : index
    %get3A_96 = arith.constant 0 : index
    %get3A_97 = vector.load %arg4[%get3A_94, %get3A_95, %get3A_96] : memref<16x64x100xf32, #tpu.memory_space<vmem>>, vector<1x64x100xf32>
    %get3A_98 = vector.shape_cast %get3A_97 : vector<1x64x100xf32> to vector<64x100xf32>
    %dot_general3A_99 = arith.constant dense<0.000000e+00> : vector<1000x100xf32>
    %dot_general3A_100 = tpu.matmul %mul3A_93, %get3A_98, %dot_general3A_99 {dimension_numbers = #tpu.dot_dimension_numbers<[1], [0], [0], [1], [0, 0, 1, 1], [], []>, transpose_lhs_hint = false} : vector<1000x64xf32>, vector<64x100xf32>, vector<1000x100xf32> -> vector<1000x100xf32>
    %add3A_101 = arith.addf %add3A_86, %dot_general3A_100 : vector<1000x100xf32>
    %slice3A_102 = vector.extract_strided_slice %get3A_4 {offsets = [0, 6, 0], sizes = [1000, 1, 64], strides = [1, 1, 1]} : vector<1000x16x64xf32> to vector<1000x1x64xf32>
    %squeeze3A_103 = vector.shape_cast %slice3A_102 : vector<1000x1x64xf32> to vector<1000x64xf32>
    %slice3A_104 = vector.extract_strided_slice %div3A_7 {offsets = [0, 6], sizes = [1000, 1], strides = [1, 1]} : vector<1000x16xf32> to vector<1000x1xf32>
    %squeeze3A_105 = vector.shape_cast %slice3A_104 : vector<1000x1xf32> to vector<1000xf32>
    %broadcast_in_dim3A_106 = vector.shape_cast %squeeze3A_105 : vector<1000xf32> to vector<1000x1xf32>
    %mul3A_107 = vector.broadcast %broadcast_in_dim3A_106 : vector<1000x1xf32> to vector<1000x64xf32>
    %mul3A_108 = arith.mulf %squeeze3A_103, %mul3A_107 : vector<1000x64xf32>
    %get3A_109 = arith.constant 6 : index
    %get3A_110 = arith.constant 0 : index
    %get3A_111 = arith.constant 0 : index
    %get3A_112 = vector.load %arg4[%get3A_109, %get3A_110, %get3A_111] : memref<16x64x100xf32, #tpu.memory_space<vmem>>, vector<1x64x100xf32>
    %get3A_113 = vector.shape_cast %get3A_112 : vector<1x64x100xf32> to vector<64x100xf32>
    %dot_general3A_114 = arith.constant dense<0.000000e+00> : vector<1000x100xf32>
    %dot_general3A_115 = tpu.matmul %mul3A_108, %get3A_113, %dot_general3A_114 {dimension_numbers = #tpu.dot_dimension_numbers<[1], [0], [0], [1], [0, 0, 1, 1], [], []>, transpose_lhs_hint = false} : vector<1000x64xf32>, vector<64x100xf32>, vector<1000x100xf32> -> vector<1000x100xf32>
    %add3A_116 = arith.addf %add3A_101, %dot_general3A_115 : vector<1000x100xf32>
    %slice3A_117 = vector.extract_strided_slice %get3A_4 {offsets = [0, 7, 0], sizes = [1000, 1, 64], strides = [1, 1, 1]} : vector<1000x16x64xf32> to vector<1000x1x64xf32>
    %squeeze3A_118 = vector.shape_cast %slice3A_117 : vector<1000x1x64xf32> to vector<1000x64xf32>
    %slice3A_119 = vector.extract_strided_slice %div3A_7 {offsets = [0, 7], sizes = [1000, 1], strides = [1, 1]} : vector<1000x16xf32> to vector<1000x1xf32>
    %squeeze3A_120 = vector.shape_cast %slice3A_119 : vector<1000x1xf32> to vector<1000xf32>
    %broadcast_in_dim3A_121 = vector.shape_cast %squeeze3A_120 : vector<1000xf32> to vector<1000x1xf32>
    %mul3A_122 = vector.broadcast %broadcast_in_dim3A_121 : vector<1000x1xf32> to vector<1000x64xf32>
    %mul3A_123 = arith.mulf %squeeze3A_118, %mul3A_122 : vector<1000x64xf32>
    %get3A_124 = arith.constant 7 : index
    %get3A_125 = arith.constant 0 : index
    %get3A_126 = arith.constant 0 : index
    %get3A_127 = vector.load %arg4[%get3A_124, %get3A_125, %get3A_126] : memref<16x64x100xf32, #tpu.memory_space<vmem>>, vector<1x64x100xf32>
    %get3A_128 = vector.shape_cast %get3A_127 : vector<1x64x100xf32> to vector<64x100xf32>
    %dot_general3A_129 = arith.constant dense<0.000000e+00> : vector<1000x100xf32>
    %dot_general3A_130 = tpu.matmul %mul3A_123, %get3A_128, %dot_general3A_129 {dimension_numbers = #tpu.dot_dimension_numbers<[1], [0], [0], [1], [0, 0, 1, 1], [], []>, transpose_lhs_hint = false} : vector<1000x64xf32>, vector<64x100xf32>, vector<1000x100xf32> -> vector<1000x100xf32>
    %add3A_131 = arith.addf %add3A_116, %dot_general3A_130 : vector<1000x100xf32>
    %slice3A_132 = vector.extract_strided_slice %get3A_4 {offsets = [0, 8, 0], sizes = [1000, 1, 64], strides = [1, 1, 1]} : vector<1000x16x64xf32> to vector<1000x1x64xf32>
    %squeeze3A_133 = vector.shape_cast %slice3A_132 : vector<1000x1x64xf32> to vector<1000x64xf32>
    %slice3A_134 = vector.extract_strided_slice %div3A_7 {offsets = [0, 8], sizes = [1000, 1], strides = [1, 1]} : vector<1000x16xf32> to vector<1000x1xf32>
    %squeeze3A_135 = vector.shape_cast %slice3A_134 : vector<1000x1xf32> to vector<1000xf32>
    %broadcast_in_dim3A_136 = vector.shape_cast %squeeze3A_135 : vector<1000xf32> to vector<1000x1xf32>
    %mul3A_137 = vector.broadcast %broadcast_in_dim3A_136 : vector<1000x1xf32> to vector<1000x64xf32>
    %mul3A_138 = arith.mulf %squeeze3A_133, %mul3A_137 : vector<1000x64xf32>
    %get3A_139 = arith.constant 8 : index
    %get3A_140 = arith.constant 0 : index
    %get3A_141 = arith.constant 0 : index
    %get3A_142 = vector.load %arg4[%get3A_139, %get3A_140, %get3A_141] : memref<16x64x100xf32, #tpu.memory_space<vmem>>, vector<1x64x100xf32>
    %get3A_143 = vector.shape_cast %get3A_142 : vector<1x64x100xf32> to vector<64x100xf32>
    %dot_general3A_144 = arith.constant dense<0.000000e+00> : vector<1000x100xf32>
    %dot_general3A_145 = tpu.matmul %mul3A_138, %get3A_143, %dot_general3A_144 {dimension_numbers = #tpu.dot_dimension_numbers<[1], [0], [0], [1], [0, 0, 1, 1], [], []>, transpose_lhs_hint = false} : vector<1000x64xf32>, vector<64x100xf32>, vector<1000x100xf32> -> vector<1000x100xf32>
    %add3A_146 = arith.addf %add3A_131, %dot_general3A_145 : vector<1000x100xf32>
    %slice3A_147 = vector.extract_strided_slice %get3A_4 {offsets = [0, 9, 0], sizes = [1000, 1, 64], strides = [1, 1, 1]} : vector<1000x16x64xf32> to vector<1000x1x64xf32>
    %squeeze3A_148 = vector.shape_cast %slice3A_147 : vector<1000x1x64xf32> to vector<1000x64xf32>
    %slice3A_149 = vector.extract_strided_slice %div3A_7 {offsets = [0, 9], sizes = [1000, 1], strides = [1, 1]} : vector<1000x16xf32> to vector<1000x1xf32>
    %squeeze3A_150 = vector.shape_cast %slice3A_149 : vector<1000x1xf32> to vector<1000xf32>
    %broadcast_in_dim3A_151 = vector.shape_cast %squeeze3A_150 : vector<1000xf32> to vector<1000x1xf32>
    %mul3A_152 = vector.broadcast %broadcast_in_dim3A_151 : vector<1000x1xf32> to vector<1000x64xf32>
    %mul3A_153 = arith.mulf %squeeze3A_148, %mul3A_152 : vector<1000x64xf32>
    %get3A_154 = arith.constant 9 : index
    %get3A_155 = arith.constant 0 : index
    %get3A_156 = arith.constant 0 : index
    %get3A_157 = vector.load %arg4[%get3A_154, %get3A_155, %get3A_156] : memref<16x64x100xf32, #tpu.memory_space<vmem>>, vector<1x64x100xf32>
    %get3A_158 = vector.shape_cast %get3A_157 : vector<1x64x100xf32> to vector<64x100xf32>
    %dot_general3A_159 = arith.constant dense<0.000000e+00> : vector<1000x100xf32>
    %dot_general3A_160 = tpu.matmul %mul3A_153, %get3A_158, %dot_general3A_159 {dimension_numbers = #tpu.dot_dimension_numbers<[1], [0], [0], [1], [0, 0, 1, 1], [], []>, transpose_lhs_hint = false} : vector<1000x64xf32>, vector<64x100xf32>, vector<1000x100xf32> -> vector<1000x100xf32>
    %add3A_161 = arith.addf %add3A_146, %dot_general3A_160 : vector<1000x100xf32>
    %slice3A_162 = vector.extract_strided_slice %get3A_4 {offsets = [0, 10, 0], sizes = [1000, 1, 64], strides = [1, 1, 1]} : vector<1000x16x64xf32> to vector<1000x1x64xf32>
    %squeeze3A_163 = vector.shape_cast %slice3A_162 : vector<1000x1x64xf32> to vector<1000x64xf32>
    %slice3A_164 = vector.extract_strided_slice %div3A_7 {offsets = [0, 10], sizes = [1000, 1], strides = [1, 1]} : vector<1000x16xf32> to vector<1000x1xf32>
    %squeeze3A_165 = vector.shape_cast %slice3A_164 : vector<1000x1xf32> to vector<1000xf32>
    %broadcast_in_dim3A_166 = vector.shape_cast %squeeze3A_165 : vector<1000xf32> to vector<1000x1xf32>
    %mul3A_167 = vector.broadcast %broadcast_in_dim3A_166 : vector<1000x1xf32> to vector<1000x64xf32>
    %mul3A_168 = arith.mulf %squeeze3A_163, %mul3A_167 : vector<1000x64xf32>
    %get3A_169 = arith.constant 10 : index
    %get3A_170 = arith.constant 0 : index
    %get3A_171 = arith.constant 0 : index
    %get3A_172 = vector.load %arg4[%get3A_169, %get3A_170, %get3A_171] : memref<16x64x100xf32, #tpu.memory_space<vmem>>, vector<1x64x100xf32>
    %get3A_173 = vector.shape_cast %get3A_172 : vector<1x64x100xf32> to vector<64x100xf32>
    %dot_general3A_174 = arith.constant dense<0.000000e+00> : vector<1000x100xf32>
    %dot_general3A_175 = tpu.matmul %mul3A_168, %get3A_173, %dot_general3A_174 {dimension_numbers = #tpu.dot_dimension_numbers<[1], [0], [0], [1], [0, 0, 1, 1], [], []>, transpose_lhs_hint = false} : vector<1000x64xf32>, vector<64x100xf32>, vector<1000x100xf32> -> vector<1000x100xf32>
    %add3A_176 = arith.addf %add3A_161, %dot_general3A_175 : vector<1000x100xf32>
    %slice3A_177 = vector.extract_strided_slice %get3A_4 {offsets = [0, 11, 0], sizes = [1000, 1, 64], strides = [1, 1, 1]} : vector<1000x16x64xf32> to vector<1000x1x64xf32>
    %squeeze3A_178 = vector.shape_cast %slice3A_177 : vector<1000x1x64xf32> to vector<1000x64xf32>
    %slice3A_179 = vector.extract_strided_slice %div3A_7 {offsets = [0, 11], sizes = [1000, 1], strides = [1, 1]} : vector<1000x16xf32> to vector<1000x1xf32>
    %squeeze3A_180 = vector.shape_cast %slice3A_179 : vector<1000x1xf32> to vector<1000xf32>
    %broadcast_in_dim3A_181 = vector.shape_cast %squeeze3A_180 : vector<1000xf32> to vector<1000x1xf32>
    %mul3A_182 = vector.broadcast %broadcast_in_dim3A_181 : vector<1000x1xf32> to vector<1000x64xf32>
    %mul3A_183 = arith.mulf %squeeze3A_178, %mul3A_182 : vector<1000x64xf32>
    %get3A_184 = arith.constant 11 : index
    %get3A_185 = arith.constant 0 : index
    %get3A_186 = arith.constant 0 : index
    %get3A_187 = vector.load %arg4[%get3A_184, %get3A_185, %get3A_186] : memref<16x64x100xf32, #tpu.memory_space<vmem>>, vector<1x64x100xf32>
    %get3A_188 = vector.shape_cast %get3A_187 : vector<1x64x100xf32> to vector<64x100xf32>
    %dot_general3A_189 = arith.constant dense<0.000000e+00> : vector<1000x100xf32>
    %dot_general3A_190 = tpu.matmul %mul3A_183, %get3A_188, %dot_general3A_189 {dimension_numbers = #tpu.dot_dimension_numbers<[1], [0], [0], [1], [0, 0, 1, 1], [], []>, transpose_lhs_hint = false} : vector<1000x64xf32>, vector<64x100xf32>, vector<1000x100xf32> -> vector<1000x100xf32>
    %add3A_191 = arith.addf %add3A_176, %dot_general3A_190 : vector<1000x100xf32>
    %slice3A_192 = vector.extract_strided_slice %get3A_4 {offsets = [0, 12, 0], sizes = [1000, 1, 64], strides = [1, 1, 1]} : vector<1000x16x64xf32> to vector<1000x1x64xf32>
    %squeeze3A_193 = vector.shape_cast %slice3A_192 : vector<1000x1x64xf32> to vector<1000x64xf32>
    %slice3A_194 = vector.extract_strided_slice %div3A_7 {offsets = [0, 12], sizes = [1000, 1], strides = [1, 1]} : vector<1000x16xf32> to vector<1000x1xf32>
    %squeeze3A_195 = vector.shape_cast %slice3A_194 : vector<1000x1xf32> to vector<1000xf32>
    %broadcast_in_dim3A_196 = vector.shape_cast %squeeze3A_195 : vector<1000xf32> to vector<1000x1xf32>
    %mul3A_197 = vector.broadcast %broadcast_in_dim3A_196 : vector<1000x1xf32> to vector<1000x64xf32>
    %mul3A_198 = arith.mulf %squeeze3A_193, %mul3A_197 : vector<1000x64xf32>
    %get3A_199 = arith.constant 12 : index
    %get3A_200 = arith.constant 0 : index
    %get3A_201 = arith.constant 0 : index
    %get3A_202 = vector.load %arg4[%get3A_199, %get3A_200, %get3A_201] : memref<16x64x100xf32, #tpu.memory_space<vmem>>, vector<1x64x100xf32>
    %get3A_203 = vector.shape_cast %get3A_202 : vector<1x64x100xf32> to vector<64x100xf32>
    %dot_general3A_204 = arith.constant dense<0.000000e+00> : vector<1000x100xf32>
    %dot_general3A_205 = tpu.matmul %mul3A_198, %get3A_203, %dot_general3A_204 {dimension_numbers = #tpu.dot_dimension_numbers<[1], [0], [0], [1], [0, 0, 1, 1], [], []>, transpose_lhs_hint = false} : vector<1000x64xf32>, vector<64x100xf32>, vector<1000x100xf32> -> vector<1000x100xf32>
    %add3A_206 = arith.addf %add3A_191, %dot_general3A_205 : vector<1000x100xf32>
    %slice3A_207 = vector.extract_strided_slice %get3A_4 {offsets = [0, 13, 0], sizes = [1000, 1, 64], strides = [1, 1, 1]} : vector<1000x16x64xf32> to vector<1000x1x64xf32>
    %squeeze3A_208 = vector.shape_cast %slice3A_207 : vector<1000x1x64xf32> to vector<1000x64xf32>
    %slice3A_209 = vector.extract_strided_slice %div3A_7 {offsets = [0, 13], sizes = [1000, 1], strides = [1, 1]} : vector<1000x16xf32> to vector<1000x1xf32>
    %squeeze3A_210 = vector.shape_cast %slice3A_209 : vector<1000x1xf32> to vector<1000xf32>
    %broadcast_in_dim3A_211 = vector.shape_cast %squeeze3A_210 : vector<1000xf32> to vector<1000x1xf32>
    %mul3A_212 = vector.broadcast %broadcast_in_dim3A_211 : vector<1000x1xf32> to vector<1000x64xf32>
    %mul3A_213 = arith.mulf %squeeze3A_208, %mul3A_212 : vector<1000x64xf32>
    %get3A_214 = arith.constant 13 : index
    %get3A_215 = arith.constant 0 : index
    %get3A_216 = arith.constant 0 : index
    %get3A_217 = vector.load %arg4[%get3A_214, %get3A_215, %get3A_216] : memref<16x64x100xf32, #tpu.memory_space<vmem>>, vector<1x64x100xf32>
    %get3A_218 = vector.shape_cast %get3A_217 : vector<1x64x100xf32> to vector<64x100xf32>
    %dot_general3A_219 = arith.constant dense<0.000000e+00> : vector<1000x100xf32>
    %dot_general3A_220 = tpu.matmul %mul3A_213, %get3A_218, %dot_general3A_219 {dimension_numbers = #tpu.dot_dimension_numbers<[1], [0], [0], [1], [0, 0, 1, 1], [], []>, transpose_lhs_hint = false} : vector<1000x64xf32>, vector<64x100xf32>, vector<1000x100xf32> -> vector<1000x100xf32>
    %add3A_221 = arith.addf %add3A_206, %dot_general3A_220 : vector<1000x100xf32>
    %slice3A_222 = vector.extract_strided_slice %get3A_4 {offsets = [0, 14, 0], sizes = [1000, 1, 64], strides = [1, 1, 1]} : vector<1000x16x64xf32> to vector<1000x1x64xf32>
    %squeeze3A_223 = vector.shape_cast %slice3A_222 : vector<1000x1x64xf32> to vector<1000x64xf32>
    %slice3A_224 = vector.extract_strided_slice %div3A_7 {offsets = [0, 14], sizes = [1000, 1], strides = [1, 1]} : vector<1000x16xf32> to vector<1000x1xf32>
    %squeeze3A_225 = vector.shape_cast %slice3A_224 : vector<1000x1xf32> to vector<1000xf32>
    %broadcast_in_dim3A_226 = vector.shape_cast %squeeze3A_225 : vector<1000xf32> to vector<1000x1xf32>
    %mul3A_227 = vector.broadcast %broadcast_in_dim3A_226 : vector<1000x1xf32> to vector<1000x64xf32>
    %mul3A_228 = arith.mulf %squeeze3A_223, %mul3A_227 : vector<1000x64xf32>
    %get3A_229 = arith.constant 14 : index
    %get3A_230 = arith.constant 0 : index
    %get3A_231 = arith.constant 0 : index
    %get3A_232 = vector.load %arg4[%get3A_229, %get3A_230, %get3A_231] : memref<16x64x100xf32, #tpu.memory_space<vmem>>, vector<1x64x100xf32>
    %get3A_233 = vector.shape_cast %get3A_232 : vector<1x64x100xf32> to vector<64x100xf32>
    %dot_general3A_234 = arith.constant dense<0.000000e+00> : vector<1000x100xf32>
    %dot_general3A_235 = tpu.matmul %mul3A_228, %get3A_233, %dot_general3A_234 {dimension_numbers = #tpu.dot_dimension_numbers<[1], [0], [0], [1], [0, 0, 1, 1], [], []>, transpose_lhs_hint = false} : vector<1000x64xf32>, vector<64x100xf32>, vector<1000x100xf32> -> vector<1000x100xf32>
    %add3A_236 = arith.addf %add3A_221, %dot_general3A_235 : vector<1000x100xf32>
    %slice3A_237 = vector.extract_strided_slice %get3A_4 {offsets = [0, 15, 0], sizes = [1000, 1, 64], strides = [1, 1, 1]} : vector<1000x16x64xf32> to vector<1000x1x64xf32>
    %squeeze3A_238 = vector.shape_cast %slice3A_237 : vector<1000x1x64xf32> to vector<1000x64xf32>
    %slice3A_239 = vector.extract_strided_slice %div3A_7 {offsets = [0, 15], sizes = [1000, 1], strides = [1, 1]} : vector<1000x16xf32> to vector<1000x1xf32>
    %squeeze3A_240 = vector.shape_cast %slice3A_239 : vector<1000x1xf32> to vector<1000xf32>
    %broadcast_in_dim3A_241 = vector.shape_cast %squeeze3A_240 : vector<1000xf32> to vector<1000x1xf32>
    %mul3A_242 = vector.broadcast %broadcast_in_dim3A_241 : vector<1000x1xf32> to vector<1000x64xf32>
    %mul3A_243 = arith.mulf %squeeze3A_238, %mul3A_242 : vector<1000x64xf32>
    %get3A_244 = arith.constant 15 : index
    %get3A_245 = arith.constant 0 : index
    %get3A_246 = arith.constant 0 : index
    %get3A_247 = vector.load %arg4[%get3A_244, %get3A_245, %get3A_246] : memref<16x64x100xf32, #tpu.memory_space<vmem>>, vector<1x64x100xf32>
    %get3A_248 = vector.shape_cast %get3A_247 : vector<1x64x100xf32> to vector<64x100xf32>
    %dot_general3A_249 = arith.constant dense<0.000000e+00> : vector<1000x100xf32>
    %dot_general3A_250 = tpu.matmul %mul3A_243, %get3A_248, %dot_general3A_249 {dimension_numbers = #tpu.dot_dimension_numbers<[1], [0], [0], [1], [0, 0, 1, 1], [], []>, transpose_lhs_hint = false} : vector<1000x64xf32>, vector<64x100xf32>, vector<1000x100xf32> -> vector<1000x100xf32>
    %add3A_251 = arith.addf %add3A_236, %dot_general3A_250 : vector<1000x100xf32>
    %get3A_252 = arith.constant 0 : index
    %get3A_253 = arith.constant 0 : index
    %get3A_254 = vector.load %arg6[%get3A_252, %get3A_253] : memref<1x100xf32, #tpu.memory_space<vmem>>, vector<1x100xf32>
    %add3A_255 = vector.broadcast %get3A_254 : vector<1x100xf32> to vector<1000x100xf32>
    %add3A_256 = arith.addf %add3A_251, %add3A_255 : vector<1000x100xf32>
    %max3A_257 = arith.constant 0.000000e+00 : f32
    %max3A_258 = vector.broadcast %max3A_257 : f32 to vector<1000x100xf32>
    %max3A_259 = arith.maximumf %add3A_256, %max3A_258 : vector<1000x100xf32>
    %get3A_260 = arith.constant 0 : index
    %get3A_261 = arith.constant 0 : index
    %get3A_262 = vector.load %arg7[%get3A_260, %get3A_261] : memref<100x50xf32, #tpu.memory_space<vmem>>, vector<100x50xf32>
    %dot_general3A_263 = arith.constant dense<0.000000e+00> : vector<1000x50xf32>
    %dot_general3A_264 = tpu.matmul %max3A_259, %get3A_262, %dot_general3A_263 {dimension_numbers = #tpu.dot_dimension_numbers<[1], [0], [0], [1], [0, 0, 1, 1], [], []>, transpose_lhs_hint = false} : vector<1000x100xf32>, vector<100x50xf32>, vector<1000x50xf32> -> vector<1000x50xf32>
    %get3A_265 = arith.constant 0 : index
    %get3A_266 = arith.constant 0 : index
    %get3A_267 = vector.load %arg8[%get3A_265, %get3A_266] : memref<1x50xf32, #tpu.memory_space<vmem>>, vector<1x50xf32>
    %add3A_268 = vector.broadcast %get3A_267 : vector<1x50xf32> to vector<1000x50xf32>
    %add3A_269 = arith.addf %dot_general3A_264, %add3A_268 : vector<1000x50xf32>
    %max3A_270 = arith.constant 0.000000e+00 : f32
    %max3A_271 = vector.broadcast %max3A_270 : f32 to vector<1000x50xf32>
    %max3A_272 = arith.maximumf %add3A_269, %max3A_271 : vector<1000x50xf32>
    %get3A_273 = arith.constant 0 : index
    %get3A_274 = arith.constant 0 : index
    %get3A_275 = vector.load %arg9[%get3A_273, %get3A_274] : memref<50x50xf32, #tpu.memory_space<vmem>>, vector<50x50xf32>
    %dot_general3A_276 = arith.constant dense<0.000000e+00> : vector<1000x50xf32>
    %dot_general3A_277 = tpu.matmul %max3A_272, %get3A_275, %dot_general3A_276 {dimension_numbers = #tpu.dot_dimension_numbers<[1], [0], [0], [1], [0, 0, 1, 1], [], []>, transpose_lhs_hint = false} : vector<1000x50xf32>, vector<50x50xf32>, vector<1000x50xf32> -> vector<1000x50xf32>
    %get3A_278 = arith.constant 0 : index
    %get3A_279 = arith.constant 0 : index
    %get3A_280 = vector.load %arg10[%get3A_278, %get3A_279] : memref<1x50xf32, #tpu.memory_space<vmem>>, vector<1x50xf32>
    %add3A_281 = vector.broadcast %get3A_280 : vector<1x50xf32> to vector<1000x50xf32>
    %add3A_282 = arith.addf %dot_general3A_277, %add3A_281 : vector<1000x50xf32>
    %get3A_283 = arith.constant 0 : index
    %get3A_284 = arith.constant 0 : index
    %get3A_285 = vector.load %arg3[%get3A_283, %get3A_284] : memref<1000x1xi32, #tpu.memory_space<vmem>>, vector<1000x1xi32>
    %get3A_286 = vector.shape_cast %get3A_285 : vector<1000x1xi32> to vector<1000xi32>
    %broadcast_in_dim3A_287 = vector.shape_cast %get3A_286 : vector<1000xi32> to vector<1000x1xi32>
    %iota3A = tpu.iota {dimensions = array<i32: 1>} : vector<1000x1024xi32>
    %eq3A_288 = vector.broadcast %broadcast_in_dim3A_287 : vector<1000x1xi32> to vector<1000x1024xi32>
    %eq3A_289 = arith.cmpi eq, %eq3A_288, %iota3A : vector<1000x1024xi32>
    %jit3A_290 = arith.constant 1.000000e+00 : f32
    %jit3A_291 = arith.constant 0.000000e+00 : f32
    %broadcast_in_dim3A_292 = vector.broadcast %jit3A_290 : f32 to vector<1000x1024xf32>
    %broadcast_in_dim3A_293 = vector.broadcast %jit3A_291 : f32 to vector<1000x1024xf32>
    %select_n3A = arith.select %eq3A_289, %broadcast_in_dim3A_292, %broadcast_in_dim3A_293 : vector<1000x1024xi1>, vector<1000x1024xf32>
    %get3A_294 = arith.constant 0 : index
    %get3A_295 = arith.constant 0 : index
    %get3A_296 = vector.load %arg11[%get3A_294, %get3A_295] : memref<1024x50xf32, #tpu.memory_space<vmem>>, vector<1024x50xf32>
    %dot_general3A_297 = arith.constant dense<0.000000e+00> : vector<1024x50xf32>
    %dot_general3A_298 = tpu.matmul %select_n3A, %add3A_282, %dot_general3A_297 {dimension_numbers = #tpu.dot_dimension_numbers<[0], [0], [1], [1], [0, 1, 1, 1], [], []>, transpose_lhs_hint = false} : vector<1000x1024xf32>, vector<1000x50xf32>, vector<1024x50xf32> -> vector<1024x50xf32>
    %add3A_299 = arith.addf %get3A_296, %dot_general3A_298 : vector<1024x50xf32>
    %swap3A = arith.constant 0 : index
    %swap3A_300 = arith.constant 0 : index
    %swap3A_301 = vector.load %arg11[%swap3A, %swap3A_300] : memref<1024x50xf32, #tpu.memory_space<vmem>>, vector<1024x50xf32>
    tpu.vector_store %arg11[%swap3A, %swap3A_300], %add3A_299 {strides = array<i32>} : memref<1024x50xf32, #tpu.memory_space<vmem>>, vector<1024x50xf32>,
    return
  }
  func.func @transform_0(%arg0: i32) -> (i32, i32, i32) {
    %c0_i32 = arith.constant 0 : i32
    %c0_i32_0 = arith.constant 0 : i32
    %c0_i32_1 = arith.constant 0 : i32
    return %arg0, %c0_i32, %c0_i32_0 : i32, i32, i32
  }
  func.func @transform_1(%arg0: i32) -> (i32, i32) {
    %c0_i32 = arith.constant 0 : i32
    %c0_i32_0 = arith.constant 0 : i32
    return %arg0, %c0_i32 : i32, i32
  }
  func.func @transform_2(%arg0: i32) -> (i32, i32) {
    %c0_i32 = arith.constant 0 : i32
    %c0_i32_0 = arith.constant 0 : i32
    return %arg0, %c0_i32 : i32, i32
  }
  func.func @transform_3(%arg0: i32) -> (i32, i32, i32) {
    %c0_i32 = arith.constant 0 : i32
    %c0_i32_0 = arith.constant 0 : i32
    %c0_i32_1 = arith.constant 0 : i32
    %c0_i32_2 = arith.constant 0 : i32
    return %c0_i32, %c0_i32_0, %c0_i32_1 : i32, i32, i32
  }
  func.func @transform_4(%arg0: i32) -> (i32, i32) {
    %c0_i32 = arith.constant 0 : i32
    %c0_i32_0 = arith.constant 0 : i32
    %c0_i32_1 = arith.constant 0 : i32
    return %c0_i32, %c0_i32_0 : i32, i32
  }
  func.func @transform_5(%arg0: i32) -> (i32, i32) {
    %c0_i32 = arith.constant 0 : i32
    %c0_i32_0 = arith.constant 0 : i32
    %c0_i32_1 = arith.constant 0 : i32
    return %c0_i32, %c0_i32_0 : i32, i32
  }
  func.func @transform_6(%arg0: i32) -> (i32, i32) {
    %c0_i32 = arith.constant 0 : i32
    %c0_i32_0 = arith.constant 0 : i32
    %c0_i32_1 = arith.constant 0 : i32
    return %c0_i32, %c0_i32_0 : i32, i32
  }
  func.func @transform_7(%arg0: i32) -> (i32, i32) {
    %c0_i32 = arith.constant 0 : i32
    %c0_i32_0 = arith.constant 0 : i32
    %c0_i32_1 = arith.constant 0 : i32
    return %c0_i32, %c0_i32_0 : i32, i32
  }
  func.func @transform_8(%arg0: i32) -> (i32, i32) {
    %c0_i32 = arith.constant 0 : i32
    %c0_i32_0 = arith.constant 0 : i32
    %c0_i32_1 = arith.constant 0 : i32
    return %c0_i32, %c0_i32_0 : i32, i32
  }
  func.func @transform_9(%arg0: i32) -> (i32, i32) {
    %c0_i32 = arith.constant 0 : i32
    %c0_i32_0 = arith.constant 0 : i32
    %c0_i32_1 = arith.constant 0 : i32
    return %c0_i32, %c0_i32_0 : i32, i32
  }
  func.func @transform_10(%arg0: i32) -> (i32, i32) {
    %c0_i32 = arith.constant 0 : i32
    %c0_i32_0 = arith.constant 0 : i32
    %c0_i32_1 = arith.constant 0 : i32
    return %c0_i32, %c0_i32_0 : i32, i32
  }
}

module attributes {stable_mosaic.version = 14 : i64} {
  func.func @_score_kernel(%arg0: memref<1024x50xf32, #tpu.memory_space<vmem>>, %arg1: memref<1024x50xf32, #tpu.memory_space<vmem>>, %arg2: memref<1024x50xf32, #tpu.memory_space<vmem>>, %arg3: memref<1024x1xf32, #tpu.memory_space<vmem>>, %arg4: memref<1024x1xf32, #tpu.memory_space<vmem>>, %arg5: memref<1024x1xf32, #tpu.memory_space<vmem>>) attributes {dimension_semantics = [], scalar_prefetch = 0 : i64, scratch_operands = 0 : i64, tpu.core_type = #tpu.core_type<tc>} {
    %get3A = arith.constant 0 : index
    %get3A_0 = arith.constant 0 : index
    %get3A_1 = vector.load %arg0[%get3A, %get3A_0] : memref<1024x50xf32, #tpu.memory_space<vmem>>, vector<1024x50xf32>
    %get3A_2 = arith.constant 0 : index
    %get3A_3 = arith.constant 0 : index
    %get3A_4 = vector.load %arg1[%get3A_2, %get3A_3] : memref<1024x50xf32, #tpu.memory_space<vmem>>, vector<1024x50xf32>
    %get3A_5 = arith.constant 0 : index
    %get3A_6 = arith.constant 0 : index
    %get3A_7 = vector.load %arg2[%get3A_5, %get3A_6] : memref<1024x50xf32, #tpu.memory_space<vmem>>, vector<1024x50xf32>
    %mul3A = arith.mulf %get3A_1, %get3A_1 : vector<1024x50xf32>
    %reduce_sum3A = arith.constant dense<0.000000e+00> : vector<1024xf32>
    %reduce_sum3A_8 = vector.multi_reduction <add>, %mul3A, %reduce_sum3A [1] : vector<1024x50xf32> to vector<1024xf32>
    %broadcast_in_dim3A = vector.shape_cast %reduce_sum3A_8 : vector<1024xf32> to vector<1024x1xf32>
    %sqrt3A = math.sqrt %broadcast_in_dim3A : vector<1024x1xf32>
    %mul3A_9 = arith.mulf %get3A_1, %get3A_4 : vector<1024x50xf32>
    %reduce_sum3A_10 = arith.constant dense<0.000000e+00> : vector<1024xf32>
    %reduce_sum3A_11 = vector.multi_reduction <add>, %mul3A_9, %reduce_sum3A_10 [1] : vector<1024x50xf32> to vector<1024xf32>
    %broadcast_in_dim3A_12 = vector.shape_cast %reduce_sum3A_11 : vector<1024xf32> to vector<1024x1xf32>
    %mul3A_13 = arith.mulf %get3A_4, %get3A_4 : vector<1024x50xf32>
    %reduce_sum3A_14 = arith.constant dense<0.000000e+00> : vector<1024xf32>
    %reduce_sum3A_15 = vector.multi_reduction <add>, %mul3A_13, %reduce_sum3A_14 [1] : vector<1024x50xf32> to vector<1024xf32>
    %broadcast_in_dim3A_16 = vector.shape_cast %reduce_sum3A_15 : vector<1024xf32> to vector<1024x1xf32>
    %sqrt3A_17 = math.sqrt %broadcast_in_dim3A_16 : vector<1024x1xf32>
    %mul3A_18 = arith.mulf %sqrt3A, %sqrt3A_17 : vector<1024x1xf32>
    %div3A = arith.divf %broadcast_in_dim3A_12, %mul3A_18 : vector<1024x1xf32>
    %mul3A_19 = arith.mulf %get3A_1, %get3A_7 : vector<1024x50xf32>
    %reduce_sum3A_20 = arith.constant dense<0.000000e+00> : vector<1024xf32>
    %reduce_sum3A_21 = vector.multi_reduction <add>, %mul3A_19, %reduce_sum3A_20 [1] : vector<1024x50xf32> to vector<1024xf32>
    %broadcast_in_dim3A_22 = vector.shape_cast %reduce_sum3A_21 : vector<1024xf32> to vector<1024x1xf32>
    %mul3A_23 = arith.mulf %get3A_7, %get3A_7 : vector<1024x50xf32>
    %reduce_sum3A_24 = arith.constant dense<0.000000e+00> : vector<1024xf32>
    %reduce_sum3A_25 = vector.multi_reduction <add>, %mul3A_23, %reduce_sum3A_24 [1] : vector<1024x50xf32> to vector<1024xf32>
    %broadcast_in_dim3A_26 = vector.shape_cast %reduce_sum3A_25 : vector<1024xf32> to vector<1024x1xf32>
    %sqrt3A_27 = math.sqrt %broadcast_in_dim3A_26 : vector<1024x1xf32>
    %mul3A_28 = arith.mulf %sqrt3A, %sqrt3A_27 : vector<1024x1xf32>
    %div3A_29 = arith.divf %broadcast_in_dim3A_22, %mul3A_28 : vector<1024x1xf32>
    %swap3A = arith.constant 0 : index
    %swap3A_30 = arith.constant 0 : index
    %swap3A_31 = vector.load %arg4[%swap3A, %swap3A_30] : memref<1024x1xf32, #tpu.memory_space<vmem>>, vector<1024x1xf32>
    tpu.vector_store %arg4[%swap3A, %swap3A_30], %div3A {strides = array<i32>} : memref<1024x1xf32, #tpu.memory_space<vmem>>, vector<1024x1xf32>,
    %swap3A_32 = arith.constant 0 : index
    %swap3A_33 = arith.constant 0 : index
    %swap3A_34 = vector.load %arg5[%swap3A_32, %swap3A_33] : memref<1024x1xf32, #tpu.memory_space<vmem>>, vector<1024x1xf32>
    tpu.vector_store %arg5[%swap3A_32, %swap3A_33], %div3A_29 {strides = array<i32>} : memref<1024x1xf32, #tpu.memory_space<vmem>>, vector<1024x1xf32>,
    %sub3A = arith.subf %div3A, %div3A_29 : vector<1024x1xf32>
    %neg3A = arith.constant 0.000000e+00 : f32
    %neg3A_35 = vector.broadcast %neg3A : f32 to vector<1024x1xf32>
    %neg3A_36 = arith.subf %neg3A_35, %sub3A : vector<1024x1xf32>
    %add3A = arith.constant 1.000000e+00 : f32
    %add3A_37 = vector.broadcast %add3A : f32 to vector<1024x1xf32>
    %add3A_38 = arith.addf %neg3A_36, %add3A_37 : vector<1024x1xf32>
    %max3A = arith.constant 0.000000e+00 : f32
    %max3A_39 = vector.broadcast %max3A : f32 to vector<1024x1xf32>
    %max3A_40 = arith.maximumf %max3A_39, %add3A_38 : vector<1024x1xf32>
    %swap3A_41 = arith.constant 0 : index
    %swap3A_42 = arith.constant 0 : index
    %swap3A_43 = vector.load %arg3[%swap3A_41, %swap3A_42] : memref<1024x1xf32, #tpu.memory_space<vmem>>, vector<1024x1xf32>
    tpu.vector_store %arg3[%swap3A_41, %swap3A_42], %max3A_40 {strides = array<i32>} : memref<1024x1xf32, #tpu.memory_space<vmem>>, vector<1024x1xf32>,
    return
  }
}

</mosaic_0001>

<sc_bundles>
// kernel: gather_offload_async_start
scs
__scs_entry_jumppad:
0x0: {  	(pc) =	sbr.rel $0x88, $3  }
0x1: {  	(tag) =	ssettag $0x0;
	lr =	simm.s32 $0x1  }
0x2: {  	[smem:$0x3F93] =	sst lr;
	_ =	strace $0xD0000000  }
0x3: {  	_ = 	snop  }
0x4: {  	_ = 	snop  }
0x5: {  	_ = 	snop  }
0x6: {  	_ = 	snop  }
0x7: {  	_ = 	snop  }
__scs_overlays_trampoline_lowered:
0x8: {  	[smem:$0x3FA2] =	sst s0  }
0x9: {  	[smem:$0x3FA3] =	sst s1  }
0xa: {  	[smem:$0x3FA4] =	sst s2  }
0xb: {  	[smem:$0x3FA5] =	sst s3  }
0xc: {  	[smem:$0x3FA6] =	sst s4  }
0xd: {  	[smem:$0x3FA7] =	sst s5  }
0xe: {  	[smem:$0x3FA8] =	sst s6  }
0xf: {  	[smem:$0x3FA9] =	sst s7  }
0x10: {  	[smem:$0x3FAA] =	sst s8  }
0x11: {  	[smem:$0x3FAB] =	sst s9;
	s0 =	simm.s32 @!p0 $0x0  }
0x12: {  	s1 =	sld [smem:$0x3F91];
	s0 =	simm.s32 @p0 $0x1  }
0x13: {  	[smem:$0x3FAC] =	sst s0;
	s0 =	simm.s32 @!p1 $0x0  }
0x14: {  	s2 =	sld [smem:$0x3F90];
	s0 =	simm.s32 @p1 $0x1  }
0x15: {  	[smem:$0x3FAD] =	sst s0;
	s0 =	simm.s32 @!p2 $0x0  }
0x16: {  	s3 =	sld [smem:$0x3FDB];
	s0 =	simm.s32 @p2 $0x1  }
0x17: {  	s4 =	simm.s32 $0x1BF5;
	[smem:$0x3FAF] =	sst s0  }
0x18: {  	s0 =	sld [smem:$0x3F92];
	_ =	swait.ge [sflag:s4], $0x0  }
0x19: {  	s7 =	sld [smem:$0x3F93]  }
0x1a: {  	s8 =	sadd.s32 $0xFFFFE003, lr  }
0x1b: {  	s9 =	sadd.s32 $0xFFFFFEF7, lr;
	s5 =	simm.s32 $0xFFFFFFFF;
	p2 =	slt.u32 s8, $0xFFFFF086  }
0x1c: {  	p1 =	slt.u32 s9, $0xF7A;
	s5 =	simm.s32 @!p2 $0x0  }
0x1d: {  	s5 =	simm.s32 @p1 $0x1;
	p0 =	seq.s32 s7, s2  }
0x1e: {  	s7 =	smul.u32 @!p0 $0xF7A, s2;
	p2 =	seq.s32 @!p0 s5, $0x0  }
0x1f: {  	s9 =	smul.u32 $0xF7A, s1;
	s8 =	simm.s32 @!p0 $0x1BF5;
	p2 =	por !p2, p0  }
0x20: {  	[sflag:s8] =	ssyncset.s32 @!p0 $0xFFFFF086;
	s6 =	sadd.s32 @!p0 s3, s7;
	s7 =	simm.s32 @!p0 $0x108  }
0x21: {  	s3 =	sadd.s32 s3, s9;
	s6 =	sadd.s32 @!p0 $0x88, s6;
	s7 =	simm.s32 @p2 $0x1082  }
0x22: {  	[simem:s7], [sflag:s8] =	dma.local @!p0 [hbm:s6], $0xF7A  }
0x23: {  	s9 =	sor.u32 $0xD0000000, s2;
	s6 =	simm.s32 $0x108;
	_ =	swait.ge @!p0 [sflag:s8], $0x0  }
0x24: {  	s3 =	sadd.s32 $0x88, s3;
	s6 =	simm.s32 @!p1 $0x1082;
	[sflag:s4] =	ssyncset.s32 $0xFFFFF086  }
0x25: {  	[simem:s6], [sflag:s4] =	dma.local [hbm:s3], $0xF7A  }
0x26: {  	[smem:$0x3F93] =	sst s1;
	(tag) =	ssettag s2;
	_ =	strace s9  }
0x27: {  	s1 =	sld [smem:$0x3FA3]  }
0x28: {  	s2 =	sld [smem:$0x3FA4]  }
0x29: {  	s4 =	sld [smem:$0x3FA6]  }
0x2a: {  	p0 =	seq.s32 s5, $0x0;
	s5 =	sld [smem:$0x3FA7]  }
0x2b: {  	s6 =	sld [smem:$0x3FA8]  }
0x2c: {  	s7 =	sld [smem:$0x3FA9]  }
0x2d: {  	s3 =	simm.s32 $0x108;
	s8 =	sld [smem:$0x3FAA]  }
0x2e: {  	s3 =	simm.s32 @!p0 $0x1082;
	s9 =	sld [smem:$0x3FAB]  }
0x2f: {  	lr =	sadd.s32 s0, s3;
	s0 =	sld [smem:$0x3FA2]  }
0x30: {  	s3 =	sld [smem:$0x3FA5]  }
0x31: {  	[smem:$0x3FAE] =	sst s10  }
0x32: {  	s10 =	sld [smem:$0x3FAC];
	_ =	sdelay $0x3  }
0x33: {  	p0 =	seq.s32 s10, $0x1;
	s10 =	sld [smem:$0x3FAE];
	_ =	sdelay $0x3  }
0x34: {  	[smem:$0x3FAE] =	sst s10  }
0x35: {  	s10 =	sld [smem:$0x3FAD];
	_ =	sdelay $0x3  }
0x36: {  	p1 =	seq.s32 s10, $0x1;
	s10 =	sld [smem:$0x3FAE];
	_ =	sdelay $0x3  }
0x37: {  	[smem:$0x3FAE] =	sst s10  }
0x38: {  	s10 =	sld [smem:$0x3FAF]  }
0x39: {  	_ = 	snop;
	(pc) =	sbr.ind lr, $3  }
0x3a: {  	_ = 	snop  }
0x3b: {  	_ = 	snop  }
0x3c: {  	p2 =	seq.s32 s10, $0x1;
	s10 =	sld [smem:$0x3FAE]  }
0x3d: {  	_ =	shalt  }
0x3e: {  	_ =	shalt  }
0x3f: {  	_ =	shalt  }
0x40: {  	_ =	shalt  }
0x41: {  	_ =	shalt  }
0x42: {  	_ =	shalt  }
0x43: {  	_ =	shalt  }
0x44: {  	_ =	shalt  }
0x45: {  	_ =	shalt  }
0x46: {  	_ =	shalt  }
0x47: {  	_ =	shalt  }
0x48: {  	_ =	shalt  }
0x49: {  	_ =	shalt  }
0x4a: {  	_ =	shalt  }
0x4b: {  	_ =	shalt  }
0x4c: {  	_ =	shalt  }
0x4d: {  	_ =	shalt  }
0x4e: {  	_ =	shalt  }
0x4f: {  	_ =	shalt  }
0x50: {  	_ =	shalt  }
0x51: {  	_ =	shalt  }
0x52: {  	_ =	shalt  }
0x53: {  	_ =	shalt  }
0x54: {  	_ =	shalt  }
0x55: {  	_ =	shalt  }
0x56: {  	_ =	shalt  }
0x57: {  	_ =	shalt  }
0x58: {  	_ =	shalt  }
0x59: {  	_ =	shalt  }
0x5a: {  	_ =	shalt  }
0x5b: {  	_ =	shalt  }
0x5c: {  	_ =	shalt  }
0x5d: {  	_ =	shalt  }
0x5e: {  	_ =	shalt  }
0x5f: {  	_ =	shalt  }
0x60: {  	_ =	shalt  }
0x61: {  	_ =	shalt  }
0x62: {  	_ =	shalt  }
0x63: {  	_ =	shalt  }
0x64: {  	_ =	shalt  }
0x65: {  	_ =	shalt  }
0x66: {  	_ =	shalt  }
0x67: {  	_ =	shalt  }
0x68: {  	_ =	shalt  }
0x69: {  	_ =	shalt  }
0x6a: {  	_ =	shalt  }
0x6b: {  	_ =	shalt  }
0x6c: {  	_ =	shalt  }
0x6d: {  	_ =	shalt  }
0x6e: {  	_ =	shalt  }
0x6f: {  	_ =	shalt  }
0x70: {  	_ =	shalt  }
0x71: {  	_ =	shalt  }
0x72: {  	_ =	shalt  }
0x73: {  	_ =	shalt  }
0x74: {  	_ =	shalt  }
0x75: {  	_ =	shalt  }
0x76: {  	_ =	shalt  }
0x77: {  	_ =	shalt  }
0x78: {  	_ =	shalt  }
0x79: {  	_ =	shalt  }
0x7a: {  	_ =	shalt  }
0x7b: {  	_ =	shalt  }
0x7c: {  	_ =	shalt  }
0x7d: {  	_ =	shalt  }
0x7e: {  	_ =	shalt  }
0x7f: {  	_ =	shalt  }
0x80: {  	_ =	shalt  }
0x81: {  	_ =	shalt  }
0x82: {  	_ =	shalt  }
0x83: {  	_ =	shalt  }
0x84: {  	_ =	shalt  }
0x85: {  	_ =	shalt  }
0x86: {  	_ =	shalt  }
0x87: {  	_ =	shalt  }
.Lfunc_end0:
.L_simem_size_0:
called_computation.1_lowered:
.L_overlay_start_0:
0x88: {  	s2 =	sld [smem:$0x3FD9]  }
0x89: {  	s3 =	sld [smem:$0x3FFE];
	_ =	sdelay $0x1  }
0x8a: {  	s1 =	srdreg.scid  }
0x8b: {  	s0 =	sand.u32 $0x1, s1  }
0x8c: {  	s17 =	sshll.u32 s0, $0xA;
	s2 =	sadd.s32 s3, s2  }
0x8d: {  	s2 =	sadd.s32 s2, s17  }
0x8e: {  	[smem:$0x3FBA] =	sst s2  }
0x8f: {  	_ = 	snop  }
0x90: {  	s2 =	sld [smem:$0x3FC3];
	(tm) =	ssettm $0x1  }
0x91: {  	s18 =	sld [smem:$0x3FFB];
	_ =	sdelay $0x3  }
0x92: {  	_ =	strace s18  }
0x93: {  	s3 =	sld [smem:$0x3FFC];
	_ =	sdelay $0x3  }
0x94: {  	_ =	strace s3  }
0x95: {  	s3 =	sld [smem:$0x3FFD];
	_ =	sdelay $0x3  }
0x96: {  	_ =	strace s3  }
0x97: {  	_ =	strace $0x8FFFFFFF  }
0x98: {  	s19 =	sld [smem:$0x3FDB];
	_ =	sdelay $0x1  }
0x99: {  	s4 =	simm.s32 $_scs_section_size  }
0x9a: {  	s5 =	simm.s32 $_size__tile_overlayer_lowered;
	s6 =	simm.s32 $_tile_overlayer_lowered  }
0x9b: {  	s22 =	simm.s32 $0x1BFF;
	s21 =	sshll.u32 s6, $0x1;
	s3 =	sadd.s32 s4, s19  }
0x9c: {  	s7 =	simm.s32 $0x0;
	s20 =	sshll.u32 s5, $0x1;
	s5 =	sadd.s32 s21, s3  }
0x9d: {  	[timem:s7], [sflag:s22] =	dma.local [hbm:s5], s20  }
0x9e: {  	_ =	swait.ge [sflag:s22], s20  }
0x9f: {  	s4 =	ssub.s32 $0x0, s20;
	[sflag:s22] =	ssyncset.done $0x0  }
0xa0: {  	[sflag:s22] =	ssyncadd.s32 s4;
	_ =	sdelay $0x1  }
0xa1: {  	s23 =	simm.s32 $0x1B8B  }
0xa2: {  	_ =	swait.ge [sflag:s23], $0x1  }
0xa3: {  	[sflag:s23] =	ssyncset.done $0x0  }
0xa4: {  	s25 =	simm.s32 $0x1B8E;
	s24 =	sld [smem:$0x3FFE];
	[sflag:s23] =	ssyncadd.s32 $0xFFFFFFFF  }
0xa5: {  	s26 =	simm.s32 $execute0_lowered;
	[smem:$0x3FD2] =	sst s25  }
0xa6: {  	s5 =	sshll.u32 s26, $0x1;
	_ =	strace $0x80000046;
	[dreg:$0x1] =	wrdreg $0xFFFFFFFF  }
0xa7: {  	s28 =	simm.s32 $_size_execute0_lowered;
	s3 =	sadd.s32 s3, s5;
	[dreg:$0x0] =	wrdreg $0x0  }
0xa8: {  	s5 =	sshll.u32 s28, $0x1;
	[dreg:$0x2] =	wrdreg s3  }
0xa9: {  	[dreg:$0x3] =	wrdreg s5  }
0xaa: {  	[dreg:$0x4] =	wrdreg $0xC0  }
0xab: {  	_ =	task [dreg:s7], $0x5FFFF  }
0xac: {  	[dreg:$0x1] =	wrdreg $0xFFFFFFFF  }
0xad: {  	[dreg:$0x0] =	wrdreg $0x60  }
0xae: {  	[dreg:$0x2] =	wrdreg s2  }
0xaf: {  	[dreg:$0x3] =	wrdreg s24  }
0xb0: {  	[dreg:$0x4] =	wrdreg $0x9  }
0xb1: {  	_ =	task.clear_ibuf [dreg:s7], $0x5FFFF;
	_ =	strace $0x90000046  }
0xb2: {  	s29 =	simm.s32 $0x9;
	_ =	strace $0x80000048  }
0xb3: {  	_ =	swait.ge [sflag:s29], $0x1  }
0xb4: {  	[sflag:s29] =	ssyncadd.s32 $0xFFFFFFFF  }
0xb5: {  	_ =	strace $0x90000048  }
0xb6: {  	_ =	sfence  }
0xb7: {  	s30 =	sld [smem:$0x0];
	_ =	sdelay $0x2  }
0xb8: {  	s31 =	sshll.u32 s1, $0xD;
	s1 =	sshrl.u32 s1, $0x2  }
0xb9: {  	s3 =	sand.u32 $0x4000, s31;
	s1 =	sadd.s32 s1, s30  }
0xba: {  	s0 =	sor.u32 s3, s0;
	s1 =	sshll.u32 s1, $0x11  }
0xbb: {  	s0 =	sor.u32 s1, s0  }
0xbc: {  	s0 =	sadd.s32 $0x8F2B, s0  }
0xbd: {  	[sflag:s0] =	ssyncadd.remote.s32 $0x1  }
0xbe: {  	_ =	sfence.sel $0xFFFF  }
0xbf: {  	[dreg:$0x0] =	wrdreg $0xFFFFFFFF;
	(pc) =	sbr.abs _section_cstart, $3  }
0xc0: {  	[dreg:$0x1] =	wrdreg $0xFFFFFFFF  }
0xc1: {  	_ =	task.clear_ibuf [dreg:s7], $0x2FFFF;
	_ =	strace $0x9FFFFFFF  }
0xc2: {  	(tm) =	ssettm $0x7FFFFFFF  }
0xc3: {  	_ =	shalt  }
tec
execute0_lowered:
.L_overlay_start_1:
0x0: {  	(tag) =	ssettag $0x1  }
0x1: {  	s2 =	rddreg [dreg:$0x0];
	s0 =	srdreg.scid  }
0x2: {  	s3 =	rddreg [dreg:$0x1];
	s1 =	stileid.u32  }
0x3: {  	s10 =	simm.s32 $0x3;
	s16 =	simm.s32 $0x0;
	s19 =	simm.s32 $0x0  }
0x4: {  	s18 =	simm.s32 $0x0;
	s4 =	sshll.u32 s0, $0x7;
	s0 =	rddreg [dreg:$0x2]  }
0x5: {  	s5 =	sshll.u32 s1, $0x8;
	_ =	strace $0x80000047;
	s7 =	sadd.s32 $0x1A00, s3  }
0x6: {  	s11 =	sadd.s32 $0x26480, s3;
	s12 =	sadd.s32 $0x32800, s3;
	s6 =	sand.u32 $0x80, s4  }
0x7: {  	s13 =	sadd.s32 $0x3EB80, s3;
	s4 =	simm.s32 $0x1;
	s5 =	sor.u32 s5, s6  }
0x8: {  	s14 =	sadd.s32 $0x4AF00, s3;
	[sflag:s4] =	ssyncpa.u1 $0x0;
	s8 =	ssub.s32 $0xC380, s5  }
.Ltmp0:
0x9: {  	s6 =	simm.s32 $0x2;
	s9 =	sand.u32 $0xF80, s8;
	(pc) =	sbr.rel .LBB2_1-.Ltmp0, $4  }
0xa: {  	[sflag:s6] =	ssyncpa.u1 $0x0;
	p0 =	sne.s32 s9, $0x0;
	s9 =	simm.s32 $0x1  }
0xb: {  	s17 =	smov.u32 s5;
	s8 =	sshrl.u32 s8, $0xC;
	s9 =	simm.s32 @!p0 $0x0  }
0xc: {  	[sflag:s10] =	ssyncpa.u1 $0x0;
	s10 =	sadd.s32 $0x1A100, s3;
	s8 =	sadd.s32 s9, s8  }
0xd: {  	vm0 =	vmmov $0xffff;
	v0 =	vlaneseq.u32;
	p0 =	por $0x0, $0x0;
	s9 =	sadd.s32 $0xDD80, s3;
	s15 =	sadd.s32 $0x1, s8  }
.LBB2_4:
0xe: {  	_ =	sdelay $0x3  }
0xf: {  	[tilespmem:s24], [sflag:$0x1] =	stream.indirect_vreg.gather [hbm4b:s2+s16], $0x1, v1, vm0, $0x4038;
	[tilespmem:$0x3900] =	vst v63  }
0x10: {  	v1 =	vld.msk [tilespmem:s28+$0x0 ss:$0x1], $0xffff;
	_ =	sdelay $0x4  }
0x11: {  	vm1 =	vgt.s32 v1, $0x0  }
0x12: {  	p1 =	sgt.s32 s22, $0x0;
	v1 =	vnsel vm1, $0x0, v1  }
0x13: {  	s22 =	simm.s32 @!p1 $0x0;
	v1 =	vmin.u32 v1, $0xF423F  }
0x14: {  	s22 =	smin.u32 s22, $0x10;
	v2 =	vshll.u32 v1, $0x3  }
0x15: {  	v3 =	vmov s22;
	v1 =	vand.u32 $0x7F, v1;
	v2 =	vand.u32 $0x7FFC00, v2  }
0x16: {  	vm1 =	vgt.u32 v3, v0;
	v1 =	vor.u32 v1, v2  }
0x17: {  	v2 =	vnsel vm1, $0x7FFFFFFF, v1;
	_ =	sdelay $0x1  }
0x18: {  	v3 =	vor.u32 $0x80, v1  }
0x19: {  	(ifvalue) =	ssetifvalue $0x7FFFFFFF;
	s29 =	rddreg [dreg:$0x4];
	v3 =	vnsel vm1, $0x7FFFFFFF, v3  }
0x1a: {  	(ifvalue) =	ssetifvalue $0x7FFFFFFF;
	s22 =	sadd.s32 s26, s29  }
0x1b: {  	v4 =	vor.u32 $0x100, v1;
	[tilespmem:s22], [sflag:$0x1] =	stream.indirect_vreg.gather [hbm4b:s2+s16], $0x1, v2, vm0, $0x4038;
	[tilespmem:$0x3900] =	vst v63  }
0x1c: {  	(ifvalue) =	ssetifvalue $0x7FFFFFFF;
	v2 =	vnsel vm1, $0x7FFFFFFF, v4  }
0x1d: {  	s23 =	sadd.s32 $0x80, s22;
	(ifvalue) =	ssetifvalue $0x7FFFFFFF  }
0x1e: {  	v12 =	vor.u32 $0x180, v1;
	[tilespmem:s23], [sflag:$0x1] =	stream.indirect_vreg.gather [hbm4b:s2+s16], $0x1, v3, vm0, $0x4038;
	[tilespmem:$0x3900] =	vst v63  }
0x1f: {  	v3 =	vnsel vm1, $0x7FFFFFFF, v12;
	(ifvalue) =	ssetifvalue $0x7FFFFFFF  }
0x20: {  	s30 =	sadd.s32 $0x100, s22;
	(ifvalue) =	ssetifvalue $0x7FFFFFFF  }
0x21: {  	v13 =	vor.u32 $0x200, v1;
	[tilespmem:s30], [sflag:$0x1] =	stream.indirect_vreg.gather [hbm4b:s2+s16], $0x1, v2, vm0, $0x4038;
	[tilespmem:$0x3900] =	vst v63  }
0x22: {  	(ifvalue) =	ssetifvalue $0x7FFFFFFF;
	v2 =	vnsel vm1, $0x7FFFFFFF, v13  }
0x23: {  	s31 =	sadd.s32 $0x180, s22;
	(ifvalue) =	ssetifvalue $0x7FFFFFFF  }
0x24: {  	v14 =	vor.u32 $0x280, v1;
	[tilespmem:s31], [sflag:$0x1] =	stream.indirect_vreg.gather [hbm4b:s2+s16], $0x1, v3, vm0, $0x4038;
	[tilespmem:$0x3900] =	vst v63  }
0x25: {  	v3 =	vnsel vm1, $0x7FFFFFFF, v14;
	(ifvalue) =	ssetifvalue $0x7FFFFFFF  }
0x26: {  	s24 =	sadd.s32 $0x200, s22;
	(ifvalue) =	ssetifvalue $0x7FFFFFFF  }
0x27: {  	v15 =	vor.u32 $0x300, v1;
	[tilespmem:s24], [sflag:$0x1] =	stream.indirect_vreg.gather [hbm4b:s2+s16], $0x1, v2, vm0, $0x4038;
	[tilespmem:$0x3900] =	vst v63  }
0x28: {  	(ifvalue) =	ssetifvalue $0x7FFFFFFF;
	v2 =	vnsel vm1, $0x7FFFFFFF, v15  }
0x29: {  	s25 =	sadd.s32 $0x280, s22;
	(ifvalue) =	ssetifvalue $0x7FFFFFFF  }
0x2a: {  	v16 =	vor.u32 $0x380, v1;
	[tilespmem:s25], [sflag:$0x1] =	stream.indirect_vreg.gather [hbm4b:s2+s16], $0x1, v3, vm0, $0x4038;
	[tilespmem:$0x3900] =	vst v63  }
0x2b: {  	v3 =	vnsel vm1, $0x7FFFFFFF, v16;
	(ifvalue) =	ssetifvalue $0x7FFFFFFF  }
0x2c: {  	s26 =	sadd.s32 $0x300, s22;
	(ifvalue) =	ssetifvalue $0x7FFFFFFF  }
0x2d: {  	v17 =	vadd.s32 $0x7A1400, v1;
	[tilespmem:s26], [sflag:$0x1] =	stream.indirect_vreg.gather [hbm4b:s2+s16], $0x1, v2, vm0, $0x4038;
	[tilespmem:$0x3900] =	vst v63  }
0x2e: {  	(ifvalue) =	ssetifvalue $0x7FFFFFFF;
	v2 =	vnsel vm1, $0x7FFFFFFF, v17  }
0x2f: {  	s28 =	sadd.s32 $0x380, s22;
	(ifvalue) =	ssetifvalue $0x7FFFFFFF  }
0x30: {  	v18 =	vadd.s32 $0x7A1480, v1;
	[tilespmem:s28], [sflag:$0x1] =	stream.indirect_vreg.gather [hbm4b:s2+s16], $0x1, v3, vm0, $0x4038;
	[tilespmem:$0x3900] =	vst v63  }
0x31: {  	v3 =	vnsel vm1, $0x7FFFFFFF, v18;
	(ifvalue) =	ssetifvalue $0x7FFFFFFF  }
0x32: {  	s29 =	sadd.s32 $0x400, s22;
	(ifvalue) =	ssetifvalue $0x7FFFFFFF  }
0x33: {  	v19 =	vadd.s32 $0x7A1500, v1;
	[tilespmem:s29], [sflag:$0x1] =	stream.indirect_vreg.gather [hbm4b:s2+s16], $0x1, v2, vm0, $0x4038;
	[tilespmem:$0x3900] =	vst v63  }
0x34: {  	(ifvalue) =	ssetifvalue $0x7FFFFFFF;
	v2 =	vnsel vm1, $0x7FFFFFFF, v19  }
0x35: {  	s30 =	sadd.s32 $0x480, s22;
	(ifvalue) =	ssetifvalue $0x7FFFFFFF  }
0x36: {  	v20 =	vadd.s32 $0x7A1580, v1;
	[tilespmem:s30], [sflag:$0x1] =	stream.indirect_vreg.gather [hbm4b:s2+s16], $0x1, v3, vm0, $0x4038;
	[tilespmem:$0x3900] =	vst v63  }
0x37: {  	v3 =	vnsel vm1, $0x7FFFFFFF, v20;
	(ifvalue) =	ssetifvalue $0x7FFFFFFF  }
0x38: {  	s31 =	sadd.s32 $0x500, s22;
	(ifvalue) =	ssetifvalue $0x7FFFFFFF  }
0x39: {  	v21 =	vadd.s32 $0x7A1600, v1;
	[tilespmem:s31], [sflag:$0x1] =	stream.indirect_vreg.gather [hbm4b:s2+s16], $0x1, v2, vm0, $0x4038;
	[tilespmem:$0x3900] =	vst v63  }
0x3a: {  	(ifvalue) =	ssetifvalue $0x7FFFFFFF;
	v2 =	vnsel vm1, $0x7FFFFFFF, v21  }
0x3b: {  	s24 =	sadd.s32 $0x580, s22;
	(ifvalue) =	ssetifvalue $0x7FFFFFFF  }
0x3c: {  	v22 =	vadd.s32 $0x7A1680, v1;
	[tilespmem:s24], [sflag:$0x1] =	stream.indirect_vreg.gather [hbm4b:s2+s16], $0x1, v3, vm0, $0x4038;
	[tilespmem:$0x3900] =	vst v63  }
0x3d: {  	v3 =	vnsel vm1, $0x7FFFFFFF, v22;
	(ifvalue) =	ssetifvalue $0x7FFFFFFF  }
0x3e: {  	s25 =	sadd.s32 $0x600, s22;
	(ifvalue) =	ssetifvalue $0x7FFFFFFF  }
0x3f: {  	v23 =	vadd.s32 $0x7A1700, v1;
	[tilespmem:s25], [sflag:$0x1] =	stream.indirect_vreg.gather [hbm4b:s2+s16], $0x1, v2, vm0, $0x4038;
	[tilespmem:$0x3900] =	vst v63  }
0x40: {  	(ifvalue) =	ssetifvalue $0x7FFFFFFF;
	v2 =	vnsel vm1, $0x7FFFFFFF, v23  }
0x41: {  	s26 =	sadd.s32 $0x680, s22;
	(ifvalue) =	ssetifvalue $0x7FFFFFFF  }
0x42: {  	v24 =	vadd.s32 $0x7A1780, v1;
	[tilespmem:s26], [sflag:$0x1] =	stream.indirect_vreg.gather [hbm4b:s2+s16], $0x1, v3, vm0, $0x4038;
	[tilespmem:$0x3900] =	vst v63  }
0x43: {  	v3 =	vnsel vm1, $0x7FFFFFFF, v24;
	(ifvalue) =	ssetifvalue $0x7FFFFFFF  }
0x44: {  	s28 =	sadd.s32 $0x700, s22;
	(ifvalue) =	ssetifvalue $0x7FFFFFFF  }
0x45: {  	v25 =	vadd.s32 $0xF42800, v1;
	[tilespmem:s28], [sflag:$0x1] =	stream.indirect_vreg.gather [hbm4b:s2+s16], $0x1, v2, vm0, $0x4038;
	[tilespmem:$0x3900] =	vst v63  }
0x46: {  	(ifvalue) =	ssetifvalue $0x7FFFFFFF;
	v2 =	vnsel vm1, $0x7FFFFFFF, v25  }
0x47: {  	s29 =	sadd.s32 $0x780, s22;
	(ifvalue) =	ssetifvalue $0x7FFFFFFF  }
0x48: {  	v26 =	vadd.s32 $0xF42880, v1;
	[tilespmem:s29], [sflag:$0x1] =	stream.indirect_vreg.gather [hbm4b:s2+s16], $0x1, v3, vm0, $0x4038;
	[tilespmem:$0x3900] =	vst v63  }
0x49: {  	v3 =	vnsel vm1, $0x7FFFFFFF, v26;
	(ifvalue) =	ssetifvalue $0x7FFFFFFF  }
0x4a: {  	s30 =	sadd.s32 $0x800, s22;
	(ifvalue) =	ssetifvalue $0x7FFFFFFF  }
0x4b: {  	v27 =	vadd.s32 $0xF42900, v1;
	[tilespmem:s30], [sflag:$0x1] =	stream.indirect_vreg.gather [hbm4b:s2+s16], $0x1, v2, vm0, $0x4038;
	[tilespmem:$0x3900] =	vst v63  }
0x4c: {  	(ifvalue) =	ssetifvalue $0x7FFFFFFF;
	v2 =	vnsel vm1, $0x7FFFFFFF, v27  }
0x4d: {  	s31 =	sadd.s32 $0x880, s22;
	(ifvalue) =	ssetifvalue $0x7FFFFFFF  }
0x4e: {  	v28 =	vadd.s32 $0xF42980, v1;
	[tilespmem:s31], [sflag:$0x1] =	stream.indirect_vreg.gather [hbm4b:s2+s16], $0x1, v3, vm0, $0x4038;
	[tilespmem:$0x3900] =	vst v63  }
0x4f: {  	v3 =	vnsel vm1, $0x7FFFFFFF, v28;
	(ifvalue) =	ssetifvalue $0x7FFFFFFF  }
0x50: {  	s24 =	sadd.s32 $0x900, s22;
	(ifvalue) =	ssetifvalue $0x7FFFFFFF  }
0x51: {  	v29 =	vadd.s32 $0xF42A00, v1;
	[tilespmem:s24], [sflag:$0x1] =	stream.indirect_vreg.gather [hbm4b:s2+s16], $0x1, v2, vm0, $0x4038;
	[tilespmem:$0x3900] =	vst v63  }
0x52: {  	(ifvalue) =	ssetifvalue $0x7FFFFFFF;
	v2 =	vnsel vm1, $0x7FFFFFFF, v29  }
0x53: {  	s25 =	sadd.s32 $0x980, s22;
	(ifvalue) =	ssetifvalue $0x7FFFFFFF  }
0x54: {  	v30 =	vadd.s32 $0xF42A80, v1;
	[tilespmem:s25], [sflag:$0x1] =	stream.indirect_vreg.gather [hbm4b:s2+s16], $0x1, v3, vm0, $0x4038;
	[tilespmem:$0x3900] =	vst v63  }
0x55: {  	v3 =	vnsel vm1, $0x7FFFFFFF, v30;
	(ifvalue) =	ssetifvalue $0x7FFFFFFF  }
0x56: {  	s26 =	sadd.s32 $0xA00, s22;
	(ifvalue) =	ssetifvalue $0x7FFFFFFF  }
0x57: {  	v31 =	vadd.s32 $0xF42B00, v1;
	[tilespmem:s26], [sflag:$0x1] =	stream.indirect_vreg.gather [hbm4b:s2+s16], $0x1, v2, vm0, $0x4038;
	[tilespmem:$0x3900] =	vst v63  }
0x58: {  	(ifvalue) =	ssetifvalue $0x7FFFFFFF;
	v2 =	vnsel vm1, $0x7FFFFFFF, v31  }
0x59: {  	s28 =	sadd.s32 $0xA80, s22;
	(ifvalue) =	ssetifvalue $0x7FFFFFFF  }
0x5a: {  	v32 =	vadd.s32 $0xF42B80, v1;
	[tilespmem:s28], [sflag:$0x1] =	stream.indirect_vreg.gather [hbm4b:s2+s16], $0x1, v3, vm0, $0x4038;
	[tilespmem:$0x3900] =	vst v63  }
0x5b: {  	v3 =	vnsel vm1, $0x7FFFFFFF, v32;
	(ifvalue) =	ssetifvalue $0x7FFFFFFF  }
0x5c: {  	s29 =	sadd.s32 $0xB00, s22;
	(ifvalue) =	ssetifvalue $0x7FFFFFFF  }
0x5d: {  	v33 =	vadd.s32 $0x16E3C00, v1;
	[tilespmem:s29], [sflag:$0x1] =	stream.indirect_vreg.gather [hbm4b:s2+s16], $0x1, v2, vm0, $0x4038;
	[tilespmem:$0x3900] =	vst v63  }
0x5e: {  	(ifvalue) =	ssetifvalue $0x7FFFFFFF;
	v2 =	vnsel vm1, $0x7FFFFFFF, v33  }
0x5f: {  	s30 =	sadd.s32 $0xB80, s22;
	(ifvalue) =	ssetifvalue $0x7FFFFFFF  }
0x60: {  	v34 =	vadd.s32 $0x16E3C80, v1;
	[tilespmem:s30], [sflag:$0x1] =	stream.indirect_vreg.gather [hbm4b:s2+s16], $0x1, v3, vm0, $0x4038;
	[tilespmem:$0x3900] =	vst v63  }
0x61: {  	v3 =	vnsel vm1, $0x7FFFFFFF, v34;
	(ifvalue) =	ssetifvalue $0x7FFFFFFF  }
0x62: {  	s31 =	sadd.s32 $0xC00, s22;
	(ifvalue) =	ssetifvalue $0x7FFFFFFF  }
0x63: {  	v35 =	vadd.s32 $0x16E3D00, v1;
	[tilespmem:s31], [sflag:$0x1] =	stream.indirect_vreg.gather [hbm4b:s2+s16], $0x1, v2, vm0, $0x4038;
	[tilespmem:$0x3900] =	vst v63  }
0x64: {  	(ifvalue) =	ssetifvalue $0x7FFFFFFF;
	v2 =	vnsel vm1, $0x7FFFFFFF, v35  }
0x65: {  	s24 =	sadd.s32 $0xC80, s22;
	(ifvalue) =	ssetifvalue $0x7FFFFFFF  }
0x66: {  	v36 =	vadd.s32 $0x16E3D80, v1;
	[tilespmem:s24], [sflag:$0x1] =	stream.indirect_vreg.gather [hbm4b:s2+s16], $0x1, v3, vm0, $0x4038;
	[tilespmem:$0x3900] =	vst v63  }
0x67: {  	v3 =	vnsel vm1, $0x7FFFFFFF, v36;
	(ifvalue) =	ssetifvalue $0x7FFFFFFF  }
0x68: {  	s25 =	sadd.s32 $0xD00, s22;
	(ifvalue) =	ssetifvalue $0x7FFFFFFF  }
0x69: {  	v37 =	vadd.s32 $0x16E3E00, v1;
	[tilespmem:s25], [sflag:$0x1] =	stream.indirect_vreg.gather [hbm4b:s2+s16], $0x1, v2, vm0, $0x4038;
	[tilespmem:$0x3900] =	vst v63  }
0x6a: {  	(ifvalue) =	ssetifvalue $0x7FFFFFFF;
	v2 =	vnsel vm1, $0x7FFFFFFF, v37  }
0x6b: {  	s26 =	sadd.s32 $0xD80, s22;
	(ifvalue) =	ssetifvalue $0x7FFFFFFF  }
0x6c: {  	v38 =	vadd.s32 $0x16E3E80, v1;
	[tilespmem:s26], [sflag:$0x1] =	stream.indirect_vreg.gather [hbm4b:s2+s16], $0x1, v3, vm0, $0x4038;
	[tilespmem:$0x3900] =	vst v63  }
0x6d: {  	v3 =	vnsel vm1, $0x7FFFFFFF, v38;
	(ifvalue) =	ssetifvalue $0x7FFFFFFF  }
0x6e: {  	s28 =	sadd.s32 $0xE00, s22;
	(ifvalue) =	ssetifvalue $0x7FFFFFFF  }
0x6f: {  	v39 =	vadd.s32 $0x16E3F00, v1;
	[tilespmem:s28], [sflag:$0x1] =	stream.indirect_vreg.gather [hbm4b:s2+s16], $0x1, v2, vm0, $0x4038;
	[tilespmem:$0x3900] =	vst v63  }
0x70: {  	(ifvalue) =	ssetifvalue $0x7FFFFFFF;
	v2 =	vnsel vm1, $0x7FFFFFFF, v39  }
0x71: {  	s29 =	sadd.s32 $0xE80, s22;
	(ifvalue) =	ssetifvalue $0x7FFFFFFF  }
0x72: {  	v40 =	vadd.s32 $0x16E3F80, v1;
	[tilespmem:s29], [sflag:$0x1] =	stream.indirect_vreg.gather [hbm4b:s2+s16], $0x1, v3, vm0, $0x4038;
	[tilespmem:$0x3900] =	vst v63  }
0x73: {  	v3 =	vnsel vm1, $0x7FFFFFFF, v40;
	(ifvalue) =	ssetifvalue $0x7FFFFFFF  }
0x74: {  	s30 =	sadd.s32 $0xF00, s22;
	(ifvalue) =	ssetifvalue $0x7FFFFFFF  }
0x75: {  	v41 =	vadd.s32 $0x1E85000, v1;
	[tilespmem:s30], [sflag:$0x1] =	stream.indirect_vreg.gather [hbm4b:s2+s16], $0x1, v2, vm0, $0x4038;
	[tilespmem:$0x3900] =	vst v63  }
0x76: {  	(ifvalue) =	ssetifvalue $0x7FFFFFFF;
	v2 =	vnsel vm1, $0x7FFFFFFF, v41  }
0x77: {  	s31 =	sadd.s32 $0xF80, s22;
	(ifvalue) =	ssetifvalue $0x7FFFFFFF  }
0x78: {  	v42 =	vadd.s32 $0x1E85080, v1;
	[tilespmem:s31], [sflag:$0x1] =	stream.indirect_vreg.gather [hbm4b:s2+s16], $0x1, v3, vm0, $0x4038;
	[tilespmem:$0x3900] =	vst v63  }
0x79: {  	v3 =	vnsel vm1, $0x7FFFFFFF, v42;
	(ifvalue) =	ssetifvalue $0x7FFFFFFF  }
0x7a: {  	s24 =	sadd.s32 $0x1000, s22;
	(ifvalue) =	ssetifvalue $0x7FFFFFFF  }
0x7b: {  	v43 =	vadd.s32 $0x1E85100, v1;
	[tilespmem:s24], [sflag:$0x1] =	stream.indirect_vreg.gather [hbm4b:s2+s16], $0x1, v2, vm0, $0x4038;
	[tilespmem:$0x3900] =	vst v63  }
0x7c: {  	(ifvalue) =	ssetifvalue $0x7FFFFFFF;
	v2 =	vnsel vm1, $0x7FFFFFFF, v43  }
0x7d: {  	s25 =	sadd.s32 $0x1080, s22;
	(ifvalue) =	ssetifvalue $0x7FFFFFFF  }
0x7e: {  	v44 =	vadd.s32 $0x1E85180, v1;
	[tilespmem:s25], [sflag:$0x1] =	stream.indirect_vreg.gather [hbm4b:s2+s16], $0x1, v3, vm0, $0x4038;
	[tilespmem:$0x3900] =	vst v63  }
0x7f: {  	v3 =	vnsel vm1, $0x7FFFFFFF, v44;
	(ifvalue) =	ssetifvalue $0x7FFFFFFF  }
0x80: {  	s26 =	sadd.s32 $0x1100, s22;
	(ifvalue) =	ssetifvalue $0x7FFFFFFF  }
0x81: {  	v45 =	vadd.s32 $0x1E85200, v1;
	[tilespmem:s26], [sflag:$0x1] =	stream.indirect_vreg.gather [hbm4b:s2+s16], $0x1, v2, vm0, $0x4038;
	[tilespmem:$0x3900] =	vst v63  }
0x82: {  	(ifvalue) =	ssetifvalue $0x7FFFFFFF;
	v2 =	vnsel vm1, $0x7FFFFFFF, v45  }
0x83: {  	s28 =	sadd.s32 $0x1180, s22;
	(ifvalue) =	ssetifvalue $0x7FFFFFFF  }
0x84: {  	v46 =	vadd.s32 $0x1E85280, v1;
	[tilespmem:s28], [sflag:$0x1] =	stream.indirect_vreg.gather [hbm4b:s2+s16], $0x1, v3, vm0, $0x4038;
	[tilespmem:$0x3900] =	vst v63  }
0x85: {  	v3 =	vnsel vm1, $0x7FFFFFFF, v46;
	(ifvalue) =	ssetifvalue $0x7FFFFFFF  }
0x86: {  	s29 =	sadd.s32 $0x1200, s22;
	(ifvalue) =	ssetifvalue $0x7FFFFFFF  }
0x87: {  	v47 =	vadd.s32 $0x1E85300, v1;
	[tilespmem:s29], [sflag:$0x1] =	stream.indirect_vreg.gather [hbm4b:s2+s16], $0x1, v2, vm0, $0x4038;
	[tilespmem:$0x3900] =	vst v63  }
0x88: {  	(ifvalue) =	ssetifvalue $0x7FFFFFFF;
	v2 =	vnsel vm1, $0x7FFFFFFF, v47  }
0x89: {  	s30 =	sadd.s32 $0x1280, s22;
	(ifvalue) =	ssetifvalue $0x7FFFFFFF  }
0x8a: {  	v48 =	vadd.s32 $0x1E85380, v1;
	[tilespmem:s30], [sflag:$0x1] =	stream.indirect_vreg.gather [hbm4b:s2+s16], $0x1, v3, vm0, $0x4038;
	[tilespmem:$0x3900] =	vst v63  }
0x8b: {  	v3 =	vnsel vm1, $0x7FFFFFFF, v48;
	(ifvalue) =	ssetifvalue $0x7FFFFFFF  }
0x8c: {  	s31 =	sadd.s32 $0x1300, s22;
	(ifvalue) =	ssetifvalue $0x7FFFFFFF  }
0x8d: {  	v49 =	vadd.s32 $0x2626400, v1;
	[tilespmem:s31], [sflag:$0x1] =	stream.indirect_vreg.gather [hbm4b:s2+s16], $0x1, v2, vm0, $0x4038;
	[tilespmem:$0x3900] =	vst v63  }
0x8e: {  	(ifvalue) =	ssetifvalue $0x7FFFFFFF;
	v2 =	vnsel vm1, $0x7FFFFFFF, v49  }
0x8f: {  	s24 =	sadd.s32 $0x1380, s22;
	(ifvalue) =	ssetifvalue $0x7FFFFFFF  }
0x90: {  	v50 =	vadd.s32 $0x2626480, v1;
	[tilespmem:s24], [sflag:$0x1] =	stream.indirect_vreg.gather [hbm4b:s2+s16], $0x1, v3, vm0, $0x4038;
	[tilespmem:$0x3900] =	vst v63  }
0x91: {  	v3 =	vnsel vm1, $0x7FFFFFFF, v50;
	(ifvalue) =	ssetifvalue $0x7FFFFFFF  }
0x92: {  	s25 =	sadd.s32 $0x1400, s22;
	(ifvalue) =	ssetifvalue $0x7FFFFFFF  }
0x93: {  	v51 =	vadd.s32 $0x2626500, v1;
	[tilespmem:s25], [sflag:$0x1] =	stream.indirect_vreg.gather [hbm4b:s2+s16], $0x1, v2, vm0, $0x4038;
	[tilespmem:$0x3900] =	vst v63  }
0x94: {  	(ifvalue) =	ssetifvalue $0x7FFFFFFF;
	v2 =	vnsel vm1, $0x7FFFFFFF, v51  }
0x95: {  	s26 =	sadd.s32 $0x1480, s22;
	(ifvalue) =	ssetifvalue $0x7FFFFFFF  }
0x96: {  	v52 =	vadd.s32 $0x2626580, v1;
	[tilespmem:s26], [sflag:$0x1] =	stream.indirect_vreg.gather [hbm4b:s2+s16], $0x1, v3, vm0, $0x4038;
	[tilespmem:$0x3900] =	vst v63  }
0x97: {  	v3 =	vnsel vm1, $0x7FFFFFFF, v52;
	(ifvalue) =	ssetifvalue $0x7FFFFFFF  }
0x98: {  	s28 =	sadd.s32 $0x1500, s22;
	(ifvalue) =	ssetifvalue $0x7FFFFFFF  }
0x99: {  	v53 =	vadd.s32 $0x2626600, v1;
	[tilespmem:s28], [sflag:$0x1] =	stream.indirect_vreg.gather [hbm4b:s2+s16], $0x1, v2, vm0, $0x4038;
	[tilespmem:$0x3900] =	vst v63  }
0x9a: {  	(ifvalue) =	ssetifvalue $0x7FFFFFFF;
	v2 =	vnsel vm1, $0x7FFFFFFF, v53  }
0x9b: {  	s29 =	sadd.s32 $0x1580, s22;
	(ifvalue) =	ssetifvalue $0x7FFFFFFF  }
0x9c: {  	v54 =	vadd.s32 $0x2626680, v1;
	[tilespmem:s29], [sflag:$0x1] =	stream.indirect_vreg.gather [hbm4b:s2+s16], $0x1, v3, vm0, $0x4038;
	[tilespmem:$0x3900] =	vst v63  }
0x9d: {  	v3 =	vnsel vm1, $0x7FFFFFFF, v54;
	(ifvalue) =	ssetifvalue $0x7FFFFFFF  }
0x9e: {  	s30 =	sadd.s32 $0x1600, s22;
	(ifvalue) =	ssetifvalue $0x7FFFFFFF  }
0x9f: {  	v55 =	vadd.s32 $0x2626700, v1;
	[tilespmem:s30], [sflag:$0x1] =	stream.indirect_vreg.gather [hbm4b:s2+s16], $0x1, v2, vm0, $0x4038;
	[tilespmem:$0x3900] =	vst v63  }
0xa0: {  	(ifvalue) =	ssetifvalue $0x7FFFFFFF;
	v2 =	vnsel vm1, $0x7FFFFFFF, v55  }
0xa1: {  	s31 =	sadd.s32 $0x1680, s22;
	(ifvalue) =	ssetifvalue $0x7FFFFFFF  }
0xa2: {  	v56 =	vadd.s32 $0x2626780, v1;
	[tilespmem:s31], [sflag:$0x1] =	stream.indirect_vreg.gather [hbm4b:s2+s16], $0x1, v3, vm0, $0x4038;
	[tilespmem:$0x3900] =	vst v63  }
0xa3: {  	v3 =	vnsel vm1, $0x7FFFFFFF, v56;
	(ifvalue) =	ssetifvalue $0x7FFFFFFF  }
0xa4: {  	s24 =	sadd.s32 $0x1700, s22;
	(ifvalue) =	ssetifvalue $0x7FFFFFFF  }
0xa5: {  	v57 =	vadd.s32 $0x2DC7800, v1;
	[tilespmem:s24], [sflag:$0x1] =	stream.indirect_vreg.gather [hbm4b:s2+s16], $0x1, v2, vm0, $0x4038;
	[tilespmem:$0x3900] =	vst v63  }
0xa6: {  	(ifvalue) =	ssetifvalue $0x7FFFFFFF;
	v2 =	vnsel vm1, $0x7FFFFFFF, v57  }
0xa7: {  	s25 =	sadd.s32 $0x1780, s22;
	(ifvalue) =	ssetifvalue $0x7FFFFFFF  }
0xa8: {  	v58 =	vadd.s32 $0x2DC7880, v1;
	[tilespmem:s25], [sflag:$0x1] =	stream.indirect_vreg.gather [hbm4b:s2+s16], $0x1, v3, vm0, $0x4038;
	[tilespmem:$0x3900] =	vst v63  }
0xa9: {  	v3 =	vnsel vm1, $0x7FFFFFFF, v58;
	(ifvalue) =	ssetifvalue $0x7FFFFFFF  }
0xaa: {  	s26 =	sadd.s32 $0x1800, s22;
	(ifvalue) =	ssetifvalue $0x7FFFFFFF  }
0xab: {  	v59 =	vadd.s32 $0x2DC7900, v1;
	[tilespmem:s26], [sflag:$0x1] =	stream.indirect_vreg.gather [hbm4b:s2+s16], $0x1, v2, vm0, $0x4038;
	[tilespmem:$0x3900] =	vst v63  }
0xac: {  	(ifvalue) =	ssetifvalue $0x7FFFFFFF;
	v2 =	vnsel vm1, $0x7FFFFFFF, v59  }
0xad: {  	s28 =	sadd.s32 $0x1880, s22;
	(ifvalue) =	ssetifvalue $0x7FFFFFFF  }
0xae: {  	v60 =	vadd.s32 $0x2DC7980, v1;
	[tilespmem:s28], [sflag:$0x1] =	stream.indirect_vreg.gather [hbm4b:s2+s16], $0x1, v3, vm0, $0x4038;
	[tilespmem:$0x3900] =	vst v63  }
0xaf: {  	v3 =	vnsel vm1, $0x7FFFFFFF, v60;
	(ifvalue) =	ssetifvalue $0x7FFFFFFF  }
0xb0: {  	s29 =	sadd.s32 $0x1900, s22;
	(ifvalue) =	ssetifvalue $0x7FFFFFFF  }
0xb1: {  	v61 =	vadd.s32 $0x2DC7A00, v1;
	[tilespmem:s29], [sflag:$0x1] =	stream.indirect_vreg.gather [hbm4b:s2+s16], $0x1, v2, vm0, $0x4038;
	[tilespmem:$0x3900] =	vst v63  }
0xb2: {  	(ifvalue) =	ssetifvalue $0x7FFFFFFF;
	v2 =	vnsel vm1, $0x7FFFFFFF, v61  }
0xb3: {  	s30 =	sadd.s32 $0x1980, s22;
	(ifvalue) =	ssetifvalue $0x7FFFFFFF  }
0xb4: {  	v62 =	vadd.s32 $0x2DC7A80, v1;
	[tilespmem:s30], [sflag:$0x1] =	stream.indirect_vreg.gather [hbm4b:s2+s16], $0x1, v3, vm0, $0x4038;
	[tilespmem:$0x3900] =	vst v63  }
0xb5: {  	v3 =	vnsel vm1, $0x7FFFFFFF, v62;
	(ifvalue) =	ssetifvalue $0x7FFFFFFF  }
0xb6: {  	s31 =	sadd.s32 $0x1A00, s22;
	(ifvalue) =	ssetifvalue $0x7FFFFFFF  }
0xb7: {  	v63 =	vadd.s32 $0x2DC7B00, v1;
	[tilespmem:s31], [sflag:$0x1] =	stream.indirect_vreg.gather [hbm4b:s2+s16], $0x1, v2, vm0, $0x4038;
	[tilespmem:$0x3900] =	vst v63  }
0xb8: {  	(ifvalue) =	ssetifvalue $0x7FFFFFFF;
	v2 =	vnsel vm1, $0x7FFFFFFF, v63  }
0xb9: {  	s24 =	sadd.s32 $0x1A80, s22;
	(ifvalue) =	ssetifvalue $0x7FFFFFFF  }
0xba: {  	v1 =	vadd.s32 $0x2DC7B80, v1;
	[tilespmem:s24], [sflag:$0x1] =	stream.indirect_vreg.gather [hbm4b:s2+s16], $0x1, v3, vm0, $0x4038;
	[tilespmem:$0x3900] =	vst v63  }
0xbb: {  	v1 =	vnsel vm1, $0x7FFFFFFF, v1;
	(ifvalue) =	ssetifvalue $0x7FFFFFFF  }
0xbc: {  	s25 =	sadd.s32 $0x1B00, s22;
	(ifvalue) =	ssetifvalue $0x7FFFFFFF  }
0xbd: {  	[tilespmem:s25], [sflag:$0x1] =	stream.indirect_vreg.gather [hbm4b:s2+s16], $0x1, v2, vm0, $0x4038;
	[tilespmem:$0x3900] =	vst v63  }
0xbe: {  	(ifvalue) =	ssetifvalue $0x7FFFFFFF  }
0xbf: {  	s22 =	sadd.s32 $0x1B80, s22;
	s26 =	sshll.u32 s19, $0x3;
	(ifvalue) =	ssetifvalue $0x7FFFFFFF  }
0xc0: {  	[tilespmem:s22], [sflag:$0x1] =	stream.indirect_vreg.gather [hbm4b:s2+s16], $0x1, v1, vm0, $0x4038;
	[tilespmem:$0x3900] =	vst v63  }
0xc1: {  	s28 =	sand.u32 $0x78, s19;
	s22 =	sand.u32 $0xFFFFFC00, s26  }
0xc2: {  	_ =	swait.ge [sflag:s4], $0x1C00;
	s19 =	sor.u32 s28, s22  }
0xc3: {  	[sflag:s4] =	ssyncset.done $0x0;
	s19 =	sshrl.u32 s19, $0x3  }
0xc4: {  	[sflag:s4] =	ssyncadd.s32 $0xFFFFE400;
	s29 =	sadd.s32 s7, s19  }
0xc5: {  	[hbm:s29] =	stream.linear.scatter [tilespmem:s21], [sflag:$0x3], $0x400, $0x38;
	[tilespmem:$0x3900] =	vst v63  }
0xc6: {  	s30 =	sadd.s32 $0x500, s20;
	s31 =	sadd.s32 s19, s9  }
0xc7: {  	[hbm:s31] =	stream.linear.scatter [tilespmem:s30], [sflag:$0x3], $0x400, $0x38;
	[tilespmem:$0x3900] =	vst v63  }
0xc8: {  	s22 =	sadd.s32 $0x900, s20;
	s23 =	sadd.s32 s19, s10  }
0xc9: {  	[hbm:s23] =	stream.linear.scatter [tilespmem:s22], [sflag:$0x3], $0x400, $0x38;
	[tilespmem:$0x3900] =	vst v63  }
0xca: {  	s24 =	sadd.s32 $0xD00, s20;
	s25 =	sadd.s32 s19, s11  }
0xcb: {  	[hbm:s25] =	stream.linear.scatter [tilespmem:s24], [sflag:$0x3], $0x400, $0x38;
	[tilespmem:$0x3900] =	vst v63  }
0xcc: {  	s26 =	sadd.s32 $0x1100, s20;
	s28 =	sadd.s32 s19, s12  }
0xcd: {  	[hbm:s28] =	stream.linear.scatter [tilespmem:s26], [sflag:$0x3], $0x400, $0x38;
	[tilespmem:$0x3900] =	vst v63  }
0xce: {  	s29 =	sadd.s32 $0x1500, s20;
	s30 =	sadd.s32 s19, s13  }
0xcf: {  	[hbm:s30] =	stream.linear.scatter [tilespmem:s29], [sflag:$0x3], $0x400, $0x38;
	[tilespmem:$0x3900] =	vst v63  }
0xd0: {  	s31 =	sadd.s32 $0x1900, s20;
	s19 =	sadd.s32 s19, s14  }
0xd1: {  	[hbm:s19] =	stream.linear.scatter [tilespmem:s31], [sflag:$0x3], $0x400, $0x38;
	[tilespmem:$0x3900] =	vst v63  }
.LBB2_5:
0xd2: {  	s21 =	sadd.s32 $0x1000, s17  }
0xd3: {  	p2 =	sgt.s32 s21, $0xC37F  }
0xd4: {  	s21 =	smov.u32 @p2 s5;
	p2 =	sne.s32 s18, s15  }
.Ltmp1:
0xd5: {  	p1 =	slt.u32 s18, $0x2;
	(pc) =	sbr.rel @!p2 .LBB2_6-.Ltmp1, $4  }
0xd6: {  	s20 =	simm.s32 @!p1 $0x3  }
0xd7: {  	s22 =	sadd.s32 $0x1, s18;
	_ =	swait.ge @!p1 [sflag:s20], $0x1C00  }
0xd8: {  	s19 =	smov.u32 s17;
	p0 =	por !p0, !p0;
	[sflag:s20] =	ssyncset.done @!p1 $0x0  }
0xd9: {  	s18 =	smov.u32 s22;
	s17 =	smov.u32 s21;
	[sflag:s20] =	ssyncadd.s32 @!p1 $0xFFFFE400  }
.LBB2_1:
0xda: {  	p1 =	sge.u32 s18, s8  }
0xdb: {  	s20 =	sxor.u32 @!p1 $0xFFFFFFFF, s18  }
0xdc: {  	s31 =	sadd.s32 $0xFFFFFFFF, s18;
	s21 =	sshrl.u32 @!p1 s17, $0x3;
	s20 =	sshll.u32 @!p1 s20, $0x7  }
0xdd: {  	s22 =	sand.u32 @!p1 $0x7, s17;
	s21 =	sadd.s32 @!p1 s3, s21;
	s20 =	sand.u32 @!p1 $0x80, s20  }
0xde: {  	[tilespmem:s20], [sflag:$0x2] =	stream.linear.gather @!p1 [hbm4b:s21+s22], $0x80, $0x38;
	[tilespmem:$0x3900] =	vst v63  }
0xdf: {  	p1 =	sge.u32 s31, s8  }
.Ltmp2:
0xe0: {  	_ = 	snop;
	(pc) =	sbr.rel @p1 .LBB2_5-.Ltmp2, $1  }
0xe1: {  	_ =	sdelay $0x3  }
0xe2: {  	s20 =	simm.s32 $0x1  }
0xe3: {  	s20 =	simm.s32 @!p0 $0x0  }
0xe4: {  	s21 =	smul.u32 $0x7000, s20;
	_ =	sdelay $0x1  }
0xe5: {  	s20 =	sshll.u32 s20, $0x7;
	s21 =	sshrl.u32 s21, $0x2  }
0xe6: {  	[dreg:$0x3] =	wrdreg s20;
	s21 =	sor.u32 $0x100, s21  }
0xe7: {  	[dreg:$0x4] =	wrdreg s21  }
0xe8: {  	_ =	swait.ge [sflag:s6], $0x80  }
0xe9: {  	s24 =	rddreg [dreg:$0x3];
	[sflag:s6] =	ssyncset.done $0x0  }
0xea: {  	[sflag:s6] =	ssyncadd.s32 $0xFFFFFF80;
	s20 =	sadd.s32 $0x0, s24  }
0xeb: {  	v1 =	vld.msk [tilespmem:s20+$0x0 ss:$0x1], $0xffff;
	_ =	sdelay $0x2  }
0xec: {  	s22 =	ssub.s32 $0xC350, s19  }
0xed: {  	p1 =	slt.s32 s22, $0x80  }
0xee: {  	s22 =	simm.s32 @!p1 $0x80;
	vm1 =	vgt.s32 v1, $0x0  }
0xef: {  	p1 =	sgt.s32 s22, $0x0;
	s20 =	smov.u32 s22;
	v1 =	vnsel vm1, $0x0, v1  }
0xf0: {  	s20 =	simm.s32 @!p1 $0x0;
	v1 =	vmin.u32 v1, $0xF423F  }
0xf1: {  	s20 =	smin.u32 s20, $0x10;
	v2 =	vshll.u32 v1, $0x3  }
0xf2: {  	v3 =	vmov s20;
	v1 =	vand.u32 $0x7F, v1;
	v2 =	vand.u32 $0x7FFC00, v2  }
0xf3: {  	vm1 =	vgt.u32 v3, v0;
	v1 =	vor.u32 v1, v2  }
0xf4: {  	v2 =	vnsel vm1, $0x7FFFFFFF, v1;
	_ =	sdelay $0x1  }
0xf5: {  	v3 =	vor.u32 $0x80, v1  }
0xf6: {  	(ifvalue) =	ssetifvalue $0x7FFFFFFF;
	s25 =	rddreg [dreg:$0x4];
	v3 =	vnsel vm1, $0x7FFFFFFF, v3  }
0xf7: {  	s24 =	sadd.s32 $0x0, s25;
	(ifvalue) =	ssetifvalue $0x7FFFFFFF  }
0xf8: {  	v4 =	vor.u32 $0x100, v1;
	[tilespmem:s24], [sflag:$0x1] =	stream.indirect_vreg.gather [hbm4b:s2+s16], $0x1, v2, vm0, $0x4038;
	[tilespmem:$0x3900] =	vst v63  }
0xf9: {  	(ifvalue) =	ssetifvalue $0x7FFFFFFF;
	v2 =	vnsel vm1, $0x7FFFFFFF, v4  }
0xfa: {  	s20 =	sadd.s32 $0x80, s24;
	(ifvalue) =	ssetifvalue $0x7FFFFFFF  }
0xfb: {  	v13 =	vor.u32 $0x180, v1;
	[tilespmem:s20], [sflag:$0x1] =	stream.indirect_vreg.gather [hbm4b:s2+s16], $0x1, v3, vm0, $0x4038;
	[tilespmem:$0x3900] =	vst v63  }
0xfc: {  	v3 =	vnsel vm1, $0x7FFFFFFF, v13;
	(ifvalue) =	ssetifvalue $0x7FFFFFFF  }
0xfd: {  	s26 =	sadd.s32 $0x100, s24;
	(ifvalue) =	ssetifvalue $0x7FFFFFFF  }
0xfe: {  	v14 =	vor.u32 $0x200, v1;
	[tilespmem:s26], [sflag:$0x1] =	stream.indirect_vreg.gather [hbm4b:s2+s16], $0x1, v2, vm0, $0x4038;
	[tilespmem:$0x3900] =	vst v63  }
0xff: {  	(ifvalue) =	ssetifvalue $0x7FFFFFFF;
	v2 =	vnsel vm1, $0x7FFFFFFF, v14  }
0x100: {  	s29 =	sadd.s32 $0x180, s24;
	(ifvalue) =	ssetifvalue $0x7FFFFFFF  }
0x101: {  	v15 =	vor.u32 $0x280, v1;
	[tilespmem:s29], [sflag:$0x1] =	stream.indirect_vreg.gather [hbm4b:s2+s16], $0x1, v3, vm0, $0x4038;
	[tilespmem:$0x3900] =	vst v63  }
0x102: {  	v3 =	vnsel vm1, $0x7FFFFFFF, v15;
	(ifvalue) =	ssetifvalue $0x7FFFFFFF  }
0x103: {  	s30 =	sadd.s32 $0x200, s24;
	(ifvalue) =	ssetifvalue $0x7FFFFFFF  }
0x104: {  	v16 =	vor.u32 $0x300, v1;
	[tilespmem:s30], [sflag:$0x1] =	stream.indirect_vreg.gather [hbm4b:s2+s16], $0x1, v2, vm0, $0x4038;
	[tilespmem:$0x3900] =	vst v63  }
0x105: {  	(ifvalue) =	ssetifvalue $0x7FFFFFFF;
	v2 =	vnsel vm1, $0x7FFFFFFF, v16  }
0x106: {  	s31 =	sadd.s32 $0x280, s24;
	(ifvalue) =	ssetifvalue $0x7FFFFFFF  }
0x107: {  	v17 =	vor.u32 $0x380, v1;
	[tilespmem:s31], [sflag:$0x1] =	stream.indirect_vreg.gather [hbm4b:s2+s16], $0x1, v3, vm0, $0x4038;
	[tilespmem:$0x3900] =	vst v63  }
0x108: {  	v3 =	vnsel vm1, $0x7FFFFFFF, v17;
	(ifvalue) =	ssetifvalue $0x7FFFFFFF  }
0x109: {  	s21 =	sadd.s32 $0x300, s24;
	(ifvalue) =	ssetifvalue $0x7FFFFFFF  }
0x10a: {  	v18 =	vadd.s32 $0x7A1400, v1;
	[tilespmem:s21], [sflag:$0x1] =	stream.indirect_vreg.gather [hbm4b:s2+s16], $0x1, v2, vm0, $0x4038;
	[tilespmem:$0x3900] =	vst v63  }
0x10b: {  	(ifvalue) =	ssetifvalue $0x7FFFFFFF;
	v2 =	vnsel vm1, $0x7FFFFFFF, v18  }
0x10c: {  	s23 =	sadd.s32 $0x380, s24;
	(ifvalue) =	ssetifvalue $0x7FFFFFFF  }
0x10d: {  	v19 =	vadd.s32 $0x7A1480, v1;
	[tilespmem:s23], [sflag:$0x1] =	stream.indirect_vreg.gather [hbm4b:s2+s16], $0x1, v3, vm0, $0x4038;
	[tilespmem:$0x3900] =	vst v63  }
0x10e: {  	v3 =	vnsel vm1, $0x7FFFFFFF, v19;
	(ifvalue) =	ssetifvalue $0x7FFFFFFF  }
0x10f: {  	s25 =	sadd.s32 $0x400, s24;
	(ifvalue) =	ssetifvalue $0x7FFFFFFF  }
0x110: {  	v20 =	vadd.s32 $0x7A1500, v1;
	[tilespmem:s25], [sflag:$0x1] =	stream.indirect_vreg.gather [hbm4b:s2+s16], $0x1, v2, vm0, $0x4038;
	[tilespmem:$0x3900] =	vst v63  }
0x111: {  	(ifvalue) =	ssetifvalue $0x7FFFFFFF;
	v2 =	vnsel vm1, $0x7FFFFFFF, v20  }
0x112: {  	s26 =	sadd.s32 $0x480, s24;
	(ifvalue) =	ssetifvalue $0x7FFFFFFF  }
0x113: {  	v21 =	vadd.s32 $0x7A1580, v1;
	[tilespmem:s26], [sflag:$0x1] =	stream.indirect_vreg.gather [hbm4b:s2+s16], $0x1, v3, vm0, $0x4038;
	[tilespmem:$0x3900] =	vst v63  }
0x114: {  	v3 =	vnsel vm1, $0x7FFFFFFF, v21;
	(ifvalue) =	ssetifvalue $0x7FFFFFFF  }
0x115: {  	s29 =	sadd.s32 $0x500, s24;
	(ifvalue) =	ssetifvalue $0x7FFFFFFF  }
0x116: {  	v22 =	vadd.s32 $0x7A1600, v1;
	[tilespmem:s29], [sflag:$0x1] =	stream.indirect_vreg.gather [hbm4b:s2+s16], $0x1, v2, vm0, $0x4038;
	[tilespmem:$0x3900] =	vst v63  }
0x117: {  	(ifvalue) =	ssetifvalue $0x7FFFFFFF;
	v2 =	vnsel vm1, $0x7FFFFFFF, v22  }
0x118: {  	s30 =	sadd.s32 $0x580, s24;
	(ifvalue) =	ssetifvalue $0x7FFFFFFF  }
0x119: {  	v23 =	vadd.s32 $0x7A1680, v1;
	[tilespmem:s30], [sflag:$0x1] =	stream.indirect_vreg.gather [hbm4b:s2+s16], $0x1, v3, vm0, $0x4038;
	[tilespmem:$0x3900] =	vst v63  }
0x11a: {  	v3 =	vnsel vm1, $0x7FFFFFFF, v23;
	(ifvalue) =	ssetifvalue $0x7FFFFFFF  }
0x11b: {  	s31 =	sadd.s32 $0x600, s24;
	(ifvalue) =	ssetifvalue $0x7FFFFFFF  }
0x11c: {  	v24 =	vadd.s32 $0x7A1700, v1;
	[tilespmem:s31], [sflag:$0x1] =	stream.indirect_vreg.gather [hbm4b:s2+s16], $0x1, v2, vm0, $0x4038;
	[tilespmem:$0x3900] =	vst v63  }
0x11d: {  	(ifvalue) =	ssetifvalue $0x7FFFFFFF;
	v2 =	vnsel vm1, $0x7FFFFFFF, v24  }
0x11e: {  	s21 =	sadd.s32 $0x680, s24;
	(ifvalue) =	ssetifvalue $0x7FFFFFFF  }
0x11f: {  	v25 =	vadd.s32 $0x7A1780, v1;
	[tilespmem:s21], [sflag:$0x1] =	stream.indirect_vreg.gather [hbm4b:s2+s16], $0x1, v3, vm0, $0x4038;
	[tilespmem:$0x3900] =	vst v63  }
0x120: {  	v3 =	vnsel vm1, $0x7FFFFFFF, v25;
	(ifvalue) =	ssetifvalue $0x7FFFFFFF  }
0x121: {  	s23 =	sadd.s32 $0x700, s24;
	(ifvalue) =	ssetifvalue $0x7FFFFFFF  }
0x122: {  	v26 =	vadd.s32 $0xF42800, v1;
	[tilespmem:s23], [sflag:$0x1] =	stream.indirect_vreg.gather [hbm4b:s2+s16], $0x1, v2, vm0, $0x4038;
	[tilespmem:$0x3900] =	vst v63  }
0x123: {  	(ifvalue) =	ssetifvalue $0x7FFFFFFF;
	v2 =	vnsel vm1, $0x7FFFFFFF, v26  }
0x124: {  	s25 =	sadd.s32 $0x780, s24;
	(ifvalue) =	ssetifvalue $0x7FFFFFFF  }
0x125: {  	v27 =	vadd.s32 $0xF42880, v1;
	[tilespmem:s25], [sflag:$0x1] =	stream.indirect_vreg.gather [hbm4b:s2+s16], $0x1, v3, vm0, $0x4038;
	[tilespmem:$0x3900] =	vst v63  }
0x126: {  	v3 =	vnsel vm1, $0x7FFFFFFF, v27;
	(ifvalue) =	ssetifvalue $0x7FFFFFFF  }
0x127: {  	s26 =	sadd.s32 $0x800, s24;
	(ifvalue) =	ssetifvalue $0x7FFFFFFF  }
0x128: {  	v28 =	vadd.s32 $0xF42900, v1;
	[tilespmem:s26], [sflag:$0x1] =	stream.indirect_vreg.gather [hbm4b:s2+s16], $0x1, v2, vm0, $0x4038;
	[tilespmem:$0x3900] =	vst v63  }
0x129: {  	(ifvalue) =	ssetifvalue $0x7FFFFFFF;
	v2 =	vnsel vm1, $0x7FFFFFFF, v28  }
0x12a: {  	s29 =	sadd.s32 $0x880, s24;
	(ifvalue) =	ssetifvalue $0x7FFFFFFF  }
0x12b: {  	v29 =	vadd.s32 $0xF42980, v1;
	[tilespmem:s29], [sflag:$0x1] =	stream.indirect_vreg.gather [hbm4b:s2+s16], $0x1, v3, vm0, $0x4038;
	[tilespmem:$0x3900] =	vst v63  }
0x12c: {  	v3 =	vnsel vm1, $0x7FFFFFFF, v29;
	(ifvalue) =	ssetifvalue $0x7FFFFFFF  }
0x12d: {  	s30 =	sadd.s32 $0x900, s24;
	(ifvalue) =	ssetifvalue $0x7FFFFFFF  }
0x12e: {  	v30 =	vadd.s32 $0xF42A00, v1;
	[tilespmem:s30], [sflag:$0x1] =	stream.indirect_vreg.gather [hbm4b:s2+s16], $0x1, v2, vm0, $0x4038;
	[tilespmem:$0x3900] =	vst v63  }
0x12f: {  	(ifvalue) =	ssetifvalue $0x7FFFFFFF;
	v2 =	vnsel vm1, $0x7FFFFFFF, v30  }
0x130: {  	s31 =	sadd.s32 $0x980, s24;
	(ifvalue) =	ssetifvalue $0x7FFFFFFF  }
0x131: {  	v31 =	vadd.s32 $0xF42A80, v1;
	[tilespmem:s31], [sflag:$0x1] =	stream.indirect_vreg.gather [hbm4b:s2+s16], $0x1, v3, vm0, $0x4038;
	[tilespmem:$0x3900] =	vst v63  }
0x132: {  	v3 =	vnsel vm1, $0x7FFFFFFF, v31;
	(ifvalue) =	ssetifvalue $0x7FFFFFFF  }
0x133: {  	s21 =	sadd.s32 $0xA00, s24;
	(ifvalue) =	ssetifvalue $0x7FFFFFFF  }
0x134: {  	v32 =	vadd.s32 $0xF42B00, v1;
	[tilespmem:s21], [sflag:$0x1] =	stream.indirect_vreg.gather [hbm4b:s2+s16], $0x1, v2, vm0, $0x4038;
	[tilespmem:$0x3900] =	vst v63  }
0x135: {  	(ifvalue) =	ssetifvalue $0x7FFFFFFF;
	v2 =	vnsel vm1, $0x7FFFFFFF, v32  }
0x136: {  	s23 =	sadd.s32 $0xA80, s24;
	(ifvalue) =	ssetifvalue $0x7FFFFFFF  }
0x137: {  	v33 =	vadd.s32 $0xF42B80, v1;
	[tilespmem:s23], [sflag:$0x1] =	stream.indirect_vreg.gather [hbm4b:s2+s16], $0x1, v3, vm0, $0x4038;
	[tilespmem:$0x3900] =	vst v63  }
0x138: {  	v3 =	vnsel vm1, $0x7FFFFFFF, v33;
	(ifvalue) =	ssetifvalue $0x7FFFFFFF  }
0x139: {  	s25 =	sadd.s32 $0xB00, s24;
	(ifvalue) =	ssetifvalue $0x7FFFFFFF  }
0x13a: {  	v34 =	vadd.s32 $0x16E3C00, v1;
	[tilespmem:s25], [sflag:$0x1] =	stream.indirect_vreg.gather [hbm4b:s2+s16], $0x1, v2, vm0, $0x4038;
	[tilespmem:$0x3900] =	vst v63  }
0x13b: {  	(ifvalue) =	ssetifvalue $0x7FFFFFFF;
	v2 =	vnsel vm1, $0x7FFFFFFF, v34  }
0x13c: {  	s26 =	sadd.s32 $0xB80, s24;
	(ifvalue) =	ssetifvalue $0x7FFFFFFF  }
0x13d: {  	v35 =	vadd.s32 $0x16E3C80, v1;
	[tilespmem:s26], [sflag:$0x1] =	stream.indirect_vreg.gather [hbm4b:s2+s16], $0x1, v3, vm0, $0x4038;
	[tilespmem:$0x3900] =	vst v63  }
0x13e: {  	v3 =	vnsel vm1, $0x7FFFFFFF, v35;
	(ifvalue) =	ssetifvalue $0x7FFFFFFF  }
0x13f: {  	s29 =	sadd.s32 $0xC00, s24;
	(ifvalue) =	ssetifvalue $0x7FFFFFFF  }
0x140: {  	v36 =	vadd.s32 $0x16E3D00, v1;
	[tilespmem:s29], [sflag:$0x1] =	stream.indirect_vreg.gather [hbm4b:s2+s16], $0x1, v2, vm0, $0x4038;
	[tilespmem:$0x3900] =	vst v63  }
0x141: {  	(ifvalue) =	ssetifvalue $0x7FFFFFFF;
	v2 =	vnsel vm1, $0x7FFFFFFF, v36  }
0x142: {  	s30 =	sadd.s32 $0xC80, s24;
	(ifvalue) =	ssetifvalue $0x7FFFFFFF  }
0x143: {  	v37 =	vadd.s32 $0x16E3D80, v1;
	[tilespmem:s30], [sflag:$0x1] =	stream.indirect_vreg.gather [hbm4b:s2+s16], $0x1, v3, vm0, $0x4038;
	[tilespmem:$0x3900] =	vst v63  }
0x144: {  	v3 =	vnsel vm1, $0x7FFFFFFF, v37;
	(ifvalue) =	ssetifvalue $0x7FFFFFFF  }
0x145: {  	s31 =	sadd.s32 $0xD00, s24;
	(ifvalue) =	ssetifvalue $0x7FFFFFFF  }
0x146: {  	v38 =	vadd.s32 $0x16E3E00, v1;
	[tilespmem:s31], [sflag:$0x1] =	stream.indirect_vreg.gather [hbm4b:s2+s16], $0x1, v2, vm0, $0x4038;
	[tilespmem:$0x3900] =	vst v63  }
0x147: {  	(ifvalue) =	ssetifvalue $0x7FFFFFFF;
	v2 =	vnsel vm1, $0x7FFFFFFF, v38  }
0x148: {  	s21 =	sadd.s32 $0xD80, s24;
	(ifvalue) =	ssetifvalue $0x7FFFFFFF  }
0x149: {  	v39 =	vadd.s32 $0x16E3E80, v1;
	[tilespmem:s21], [sflag:$0x1] =	stream.indirect_vreg.gather [hbm4b:s2+s16], $0x1, v3, vm0, $0x4038;
	[tilespmem:$0x3900] =	vst v63  }
0x14a: {  	v3 =	vnsel vm1, $0x7FFFFFFF, v39;
	(ifvalue) =	ssetifvalue $0x7FFFFFFF  }
0x14b: {  	s23 =	sadd.s32 $0xE00, s24;
	(ifvalue) =	ssetifvalue $0x7FFFFFFF  }
0x14c: {  	v40 =	vadd.s32 $0x16E3F00, v1;
	[tilespmem:s23], [sflag:$0x1] =	stream.indirect_vreg.gather [hbm4b:s2+s16], $0x1, v2, vm0, $0x4038;
	[tilespmem:$0x3900] =	vst v63  }
0x14d: {  	(ifvalue) =	ssetifvalue $0x7FFFFFFF;
	v2 =	vnsel vm1, $0x7FFFFFFF, v40  }
0x14e: {  	s25 =	sadd.s32 $0xE80, s24;
	(ifvalue) =	ssetifvalue $0x7FFFFFFF  }
0x14f: {  	v41 =	vadd.s32 $0x16E3F80, v1;
	[tilespmem:s25], [sflag:$0x1] =	stream.indirect_vreg.gather [hbm4b:s2+s16], $0x1, v3, vm0, $0x4038;
	[tilespmem:$0x3900] =	vst v63  }
0x150: {  	v3 =	vnsel vm1, $0x7FFFFFFF, v41;
	(ifvalue) =	ssetifvalue $0x7FFFFFFF  }
0x151: {  	s26 =	sadd.s32 $0xF00, s24;
	(ifvalue) =	ssetifvalue $0x7FFFFFFF  }
0x152: {  	v42 =	vadd.s32 $0x1E85000, v1;
	[tilespmem:s26], [sflag:$0x1] =	stream.indirect_vreg.gather [hbm4b:s2+s16], $0x1, v2, vm0, $0x4038;
	[tilespmem:$0x3900] =	vst v63  }
0x153: {  	(ifvalue) =	ssetifvalue $0x7FFFFFFF;
	v2 =	vnsel vm1, $0x7FFFFFFF, v42  }
0x154: {  	s29 =	sadd.s32 $0xF80, s24;
	(ifvalue) =	ssetifvalue $0x7FFFFFFF  }
0x155: {  	v43 =	vadd.s32 $0x1E85080, v1;
	[tilespmem:s29], [sflag:$0x1] =	stream.indirect_vreg.gather [hbm4b:s2+s16], $0x1, v3, vm0, $0x4038;
	[tilespmem:$0x3900] =	vst v63  }
0x156: {  	v3 =	vnsel vm1, $0x7FFFFFFF, v43;
	(ifvalue) =	ssetifvalue $0x7FFFFFFF  }
0x157: {  	s30 =	sadd.s32 $0x1000, s24;
	(ifvalue) =	ssetifvalue $0x7FFFFFFF  }
0x158: {  	v44 =	vadd.s32 $0x1E85100, v1;
	[tilespmem:s30], [sflag:$0x1] =	stream.indirect_vreg.gather [hbm4b:s2+s16], $0x1, v2, vm0, $0x4038;
	[tilespmem:$0x3900] =	vst v63  }
0x159: {  	(ifvalue) =	ssetifvalue $0x7FFFFFFF;
	v2 =	vnsel vm1, $0x7FFFFFFF, v44  }
0x15a: {  	s31 =	sadd.s32 $0x1080, s24;
	(ifvalue) =	ssetifvalue $0x7FFFFFFF  }
0x15b: {  	v45 =	vadd.s32 $0x1E85180, v1;
	[tilespmem:s31], [sflag:$0x1] =	stream.indirect_vreg.gather [hbm4b:s2+s16], $0x1, v3, vm0, $0x4038;
	[tilespmem:$0x3900] =	vst v63  }
0x15c: {  	v3 =	vnsel vm1, $0x7FFFFFFF, v45;
	(ifvalue) =	ssetifvalue $0x7FFFFFFF  }
0x15d: {  	s21 =	sadd.s32 $0x1100, s24;
	(ifvalue) =	ssetifvalue $0x7FFFFFFF  }
0x15e: {  	v46 =	vadd.s32 $0x1E85200, v1;
	[tilespmem:s21], [sflag:$0x1] =	stream.indirect_vreg.gather [hbm4b:s2+s16], $0x1, v2, vm0, $0x4038;
	[tilespmem:$0x3900] =	vst v63  }
0x15f: {  	(ifvalue) =	ssetifvalue $0x7FFFFFFF;
	v2 =	vnsel vm1, $0x7FFFFFFF, v46  }
0x160: {  	s23 =	sadd.s32 $0x1180, s24;
	(ifvalue) =	ssetifvalue $0x7FFFFFFF  }
0x161: {  	v47 =	vadd.s32 $0x1E85280, v1;
	[tilespmem:s23], [sflag:$0x1] =	stream.indirect_vreg.gather [hbm4b:s2+s16], $0x1, v3, vm0, $0x4038;
	[tilespmem:$0x3900] =	vst v63  }
0x162: {  	v3 =	vnsel vm1, $0x7FFFFFFF, v47;
	(ifvalue) =	ssetifvalue $0x7FFFFFFF  }
0x163: {  	s25 =	sadd.s32 $0x1200, s24;
	(ifvalue) =	ssetifvalue $0x7FFFFFFF  }
0x164: {  	v48 =	vadd.s32 $0x1E85300, v1;
	[tilespmem:s25], [sflag:$0x1] =	stream.indirect_vreg.gather [hbm4b:s2+s16], $0x1, v2, vm0, $0x4038;
	[tilespmem:$0x3900] =	vst v63  }
0x165: {  	(ifvalue) =	ssetifvalue $0x7FFFFFFF;
	v2 =	vnsel vm1, $0x7FFFFFFF, v48  }
0x166: {  	s26 =	sadd.s32 $0x1280, s24;
	(ifvalue) =	ssetifvalue $0x7FFFFFFF  }
0x167: {  	v49 =	vadd.s32 $0x1E85380, v1;
	[tilespmem:s26], [sflag:$0x1] =	stream.indirect_vreg.gather [hbm4b:s2+s16], $0x1, v3, vm0, $0x4038;
	[tilespmem:$0x3900] =	vst v63  }
0x168: {  	v3 =	vnsel vm1, $0x7FFFFFFF, v49;
	(ifvalue) =	ssetifvalue $0x7FFFFFFF  }
0x169: {  	s29 =	sadd.s32 $0x1300, s24;
	(ifvalue) =	ssetifvalue $0x7FFFFFFF  }
0x16a: {  	v50 =	vadd.s32 $0x2626400, v1;
	[tilespmem:s29], [sflag:$0x1] =	stream.indirect_vreg.gather [hbm4b:s2+s16], $0x1, v2, vm0, $0x4038;
	[tilespmem:$0x3900] =	vst v63  }
0x16b: {  	(ifvalue) =	ssetifvalue $0x7FFFFFFF;
	v2 =	vnsel vm1, $0x7FFFFFFF, v50  }
0x16c: {  	s30 =	sadd.s32 $0x1380, s24;
	(ifvalue) =	ssetifvalue $0x7FFFFFFF  }
0x16d: {  	v51 =	vadd.s32 $0x2626480, v1;
	[tilespmem:s30], [sflag:$0x1] =	stream.indirect_vreg.gather [hbm4b:s2+s16], $0x1, v3, vm0, $0x4038;
	[tilespmem:$0x3900] =	vst v63  }
0x16e: {  	v3 =	vnsel vm1, $0x7FFFFFFF, v51;
	(ifvalue) =	ssetifvalue $0x7FFFFFFF  }
0x16f: {  	s31 =	sadd.s32 $0x1400, s24;
	(ifvalue) =	ssetifvalue $0x7FFFFFFF  }
0x170: {  	v52 =	vadd.s32 $0x2626500, v1;
	[tilespmem:s31], [sflag:$0x1] =	stream.indirect_vreg.gather [hbm4b:s2+s16], $0x1, v2, vm0, $0x4038;
	[tilespmem:$0x3900] =	vst v63  }
0x171: {  	(ifvalue) =	ssetifvalue $0x7FFFFFFF;
	v2 =	vnsel vm1, $0x7FFFFFFF, v52  }
0x172: {  	s21 =	sadd.s32 $0x1480, s24;
	(ifvalue) =	ssetifvalue $0x7FFFFFFF  }
0x173: {  	v53 =	vadd.s32 $0x2626580, v1;
	[tilespmem:s21], [sflag:$0x1] =	stream.indirect_vreg.gather [hbm4b:s2+s16], $0x1, v3, vm0, $0x4038;
	[tilespmem:$0x3900] =	vst v63  }
0x174: {  	v3 =	vnsel vm1, $0x7FFFFFFF, v53;
	(ifvalue) =	ssetifvalue $0x7FFFFFFF  }
0x175: {  	s23 =	sadd.s32 $0x1500, s24;
	(ifvalue) =	ssetifvalue $0x7FFFFFFF  }
0x176: {  	v54 =	vadd.s32 $0x2626600, v1;
	[tilespmem:s23], [sflag:$0x1] =	stream.indirect_vreg.gather [hbm4b:s2+s16], $0x1, v2, vm0, $0x4038;
	[tilespmem:$0x3900] =	vst v63  }
0x177: {  	(ifvalue) =	ssetifvalue $0x7FFFFFFF;
	v2 =	vnsel vm1, $0x7FFFFFFF, v54  }
0x178: {  	s25 =	sadd.s32 $0x1580, s24;
	(ifvalue) =	ssetifvalue $0x7FFFFFFF  }
0x179: {  	v55 =	vadd.s32 $0x2626680, v1;
	[tilespmem:s25], [sflag:$0x1] =	stream.indirect_vreg.gather [hbm4b:s2+s16], $0x1, v3, vm0, $0x4038;
	[tilespmem:$0x3900] =	vst v63  }
0x17a: {  	v3 =	vnsel vm1, $0x7FFFFFFF, v55;
	(ifvalue) =	ssetifvalue $0x7FFFFFFF  }
0x17b: {  	s26 =	sadd.s32 $0x1600, s24;
	(ifvalue) =	ssetifvalue $0x7FFFFFFF  }
0x17c: {  	v56 =	vadd.s32 $0x2626700, v1;
	[tilespmem:s26], [sflag:$0x1] =	stream.indirect_vreg.gather [hbm4b:s2+s16], $0x1, v2, vm0, $0x4038;
	[tilespmem:$0x3900] =	vst v63  }
0x17d: {  	(ifvalue) =	ssetifvalue $0x7FFFFFFF;
	v2 =	vnsel vm1, $0x7FFFFFFF, v56  }
0x17e: {  	s29 =	sadd.s32 $0x1680, s24;
	(ifvalue) =	ssetifvalue $0x7FFFFFFF  }
0x17f: {  	v57 =	vadd.s32 $0x2626780, v1;
	[tilespmem:s29], [sflag:$0x1] =	stream.indirect_vreg.gather [hbm4b:s2+s16], $0x1, v3, vm0, $0x4038;
	[tilespmem:$0x3900] =	vst v63  }
0x180: {  	v3 =	vnsel vm1, $0x7FFFFFFF, v57;
	(ifvalue) =	ssetifvalue $0x7FFFFFFF  }
0x181: {  	s30 =	sadd.s32 $0x1700, s24;
	(ifvalue) =	ssetifvalue $0x7FFFFFFF  }
0x182: {  	v58 =	vadd.s32 $0x2DC7800, v1;
	[tilespmem:s30], [sflag:$0x1] =	stream.indirect_vreg.gather [hbm4b:s2+s16], $0x1, v2, vm0, $0x4038;
	[tilespmem:$0x3900] =	vst v63  }
0x183: {  	(ifvalue) =	ssetifvalue $0x7FFFFFFF;
	v2 =	vnsel vm1, $0x7FFFFFFF, v58  }
0x184: {  	s31 =	sadd.s32 $0x1780, s24;
	(ifvalue) =	ssetifvalue $0x7FFFFFFF  }
0x185: {  	v59 =	vadd.s32 $0x2DC7880, v1;
	[tilespmem:s31], [sflag:$0x1] =	stream.indirect_vreg.gather [hbm4b:s2+s16], $0x1, v3, vm0, $0x4038;
	[tilespmem:$0x3900] =	vst v63  }
0x186: {  	v3 =	vnsel vm1, $0x7FFFFFFF, v59;
	(ifvalue) =	ssetifvalue $0x7FFFFFFF  }
0x187: {  	s21 =	sadd.s32 $0x1800, s24;
	(ifvalue) =	ssetifvalue $0x7FFFFFFF  }
0x188: {  	v60 =	vadd.s32 $0x2DC7900, v1;
	[tilespmem:s21], [sflag:$0x1] =	stream.indirect_vreg.gather [hbm4b:s2+s16], $0x1, v2, vm0, $0x4038;
	[tilespmem:$0x3900] =	vst v63  }
0x189: {  	(ifvalue) =	ssetifvalue $0x7FFFFFFF;
	v2 =	vnsel vm1, $0x7FFFFFFF, v60  }
0x18a: {  	s23 =	sadd.s32 $0x1880, s24;
	(ifvalue) =	ssetifvalue $0x7FFFFFFF  }
0x18b: {  	v61 =	vadd.s32 $0x2DC7980, v1;
	[tilespmem:s23], [sflag:$0x1] =	stream.indirect_vreg.gather [hbm4b:s2+s16], $0x1, v3, vm0, $0x4038;
	[tilespmem:$0x3900] =	vst v63  }
0x18c: {  	v3 =	vnsel vm1, $0x7FFFFFFF, v61;
	(ifvalue) =	ssetifvalue $0x7FFFFFFF  }
0x18d: {  	s25 =	sadd.s32 $0x1900, s24;
	(ifvalue) =	ssetifvalue $0x7FFFFFFF  }
0x18e: {  	v62 =	vadd.s32 $0x2DC7A00, v1;
	[tilespmem:s25], [sflag:$0x1] =	stream.indirect_vreg.gather [hbm4b:s2+s16], $0x1, v2, vm0, $0x4038;
	[tilespmem:$0x3900] =	vst v63  }
0x18f: {  	(ifvalue) =	ssetifvalue $0x7FFFFFFF;
	v2 =	vnsel vm1, $0x7FFFFFFF, v62  }
0x190: {  	s26 =	sadd.s32 $0x1980, s24;
	(ifvalue) =	ssetifvalue $0x7FFFFFFF  }
0x191: {  	v63 =	vadd.s32 $0x2DC7A80, v1;
	[tilespmem:s26], [sflag:$0x1] =	stream.indirect_vreg.gather [hbm4b:s2+s16], $0x1, v3, vm0, $0x4038;
	[tilespmem:$0x3900] =	vst v63  }
0x192: {  	s30 =	sand.u32 $0x1, s18;
	v3 =	vnsel vm1, $0x7FFFFFFF, v63;
	(ifvalue) =	ssetifvalue $0x7FFFFFFF  }
0x193: {  	s29 =	sadd.s32 $0x1A00, s24;
	s20 =	smul.u32 $0x7000, s30;
	(ifvalue) =	ssetifvalue $0x7FFFFFFF  }
0x194: {  	[tilespmem:s29], [sflag:$0x1] =	stream.indirect_vreg.gather [hbm4b:s2+s16], $0x1, v2, vm0, $0x4038;
	v2 =	vadd.s32 $0x2DC7B00, v1;
	[tilespmem:$0x3900] =	vst v63  }
0x195: {  	(ifvalue) =	ssetifvalue $0x7FFFFFFF;
	v2 =	vnsel vm1, $0x7FFFFFFF, v2  }
0x196: {  	s31 =	sadd.s32 $0x1A80, s24;
	s20 =	sshrl.u32 s20, $0x2;
	(ifvalue) =	ssetifvalue $0x7FFFFFFF  }
0x197: {  	v1 =	vadd.s32 $0x2DC7B80, v1;
	[tilespmem:s31], [sflag:$0x1] =	stream.indirect_vreg.gather [hbm4b:s2+s16], $0x1, v3, vm0, $0x4038;
	[tilespmem:$0x3900] =	vst v63  }
0x198: {  	s22 =	sadd.s32 $0xFFFFFFF0, s22;
	s21 =	sor.u32 $0x100, s20;
	v1 =	vnsel vm1, $0x7FFFFFFF, v1;
	(ifvalue) =	ssetifvalue $0x7FFFFFFF  }
0x199: {  	s26 =	sadd.s32 $0x1B00, s24;
	s25 =	rddreg [dreg:$0x3];
	(ifvalue) =	ssetifvalue $0x7FFFFFFF  }
0x19a: {  	[tilespmem:s26], [sflag:$0x1] =	stream.indirect_vreg.gather [hbm4b:s2+s16], $0x1, v2, vm0, $0x4038;
	[tilespmem:$0x3900] =	vst v63  }
0x19b: {  	s23 =	simm.s32 $0x80;
	s24 =	sadd.s32 $0x1B80, s24;
	(ifvalue) =	ssetifvalue $0x7FFFFFFF  }
0x19c: {  	s28 =	sadd.s32 $0x10, s25;
	s26 =	simm.s32 $0x10;
	(ifvalue) =	ssetifvalue $0x7FFFFFFF  }
.LBB2_3:
0x19d: {  	[tilespmem:s24], [sflag:$0x1] =	stream.indirect_vreg.gather [hbm4b:s2+s16], $0x1, v1, vm0, $0x4038;
	[tilespmem:$0x3900] =	vst v63  }
0x19e: {  	v1 =	vld.msk [tilespmem:s28+$0x0 ss:$0x1], $0xffff;
	_ =	sdelay $0x4  }
0x19f: {  	vm1 =	vgt.s32 v1, $0x0  }
0x1a0: {  	p2 =	sgt.s32 s22, $0x0;
	s28 =	smov.u32 s22;
	v1 =	vnsel vm1, $0x0, v1  }
0x1a1: {  	s28 =	simm.s32 @!p2 $0x0;
	v1 =	vmin.u32 v1, $0xF423F  }
0x1a2: {  	s28 =	smin.u32 s28, $0x10;
	v2 =	vshll.u32 v1, $0x3  }
0x1a3: {  	v3 =	vmov s28;
	v1 =	vand.u32 $0x7F, v1;
	v2 =	vand.u32 $0x7FFC00, v2  }
0x1a4: {  	vm1 =	vgt.u32 v3, v0;
	v1 =	vor.u32 v1, v2  }
0x1a5: {  	v2 =	vnsel vm1, $0x7FFFFFFF, v1;
	_ =	sdelay $0x1  }
0x1a6: {  	v3 =	vor.u32 $0x80, v1  }
0x1a7: {  	(ifvalue) =	ssetifvalue $0x7FFFFFFF;
	s25 =	rddreg [dreg:$0x4];
	v3 =	vnsel vm1, $0x7FFFFFFF, v3  }
0x1a8: {  	s25 =	sadd.s32 s26, s25;
	(ifvalue) =	ssetifvalue $0x7FFFFFFF  }
0x1a9: {  	v4 =	vor.u32 $0x100, v1;
	[tilespmem:s25], [sflag:$0x1] =	stream.indirect_vreg.gather [hbm4b:s2+s16], $0x1, v2, vm0, $0x4038;
	[tilespmem:$0x3900] =	vst v63  }
0x1aa: {  	(ifvalue) =	ssetifvalue $0x7FFFFFFF;
	v2 =	vnsel vm1, $0x7FFFFFFF, v4  }
0x1ab: {  	s26 =	sadd.s32 $0x80, s25;
	(ifvalue) =	ssetifvalue $0x7FFFFFFF  }
0x1ac: {  	v5 =	vor.u32 $0x180, v1;
	[tilespmem:s26], [sflag:$0x1] =	stream.indirect_vreg.gather [hbm4b:s2+s16], $0x1, v3, vm0, $0x4038;
	[tilespmem:$0x3900] =	vst v63  }
0x1ad: {  	v3 =	vnsel vm1, $0x7FFFFFFF, v5;
	(ifvalue) =	ssetifvalue $0x7FFFFFFF  }
0x1ae: {  	s30 =	sadd.s32 $0x100, s25;
	(ifvalue) =	ssetifvalue $0x7FFFFFFF  }
0x1af: {  	v6 =	vor.u32 $0x200, v1;
	[tilespmem:s30], [sflag:$0x1] =	stream.indirect_vreg.gather [hbm4b:s2+s16], $0x1, v2, vm0, $0x4038;
	[tilespmem:$0x3900] =	vst v63  }
0x1b0: {  	(ifvalue) =	ssetifvalue $0x7FFFFFFF;
	v2 =	vnsel vm1, $0x7FFFFFFF, v6  }
0x1b1: {  	s31 =	sadd.s32 $0x180, s25;
	(ifvalue) =	ssetifvalue $0x7FFFFFFF  }
0x1b2: {  	v7 =	vor.u32 $0x280, v1;
	[tilespmem:s31], [sflag:$0x1] =	stream.indirect_vreg.gather [hbm4b:s2+s16], $0x1, v3, vm0, $0x4038;
	[tilespmem:$0x3900] =	vst v63  }
0x1b3: {  	v3 =	vnsel vm1, $0x7FFFFFFF, v7;
	(ifvalue) =	ssetifvalue $0x7FFFFFFF  }
0x1b4: {  	s29 =	sadd.s32 $0x200, s25;
	(ifvalue) =	ssetifvalue $0x7FFFFFFF  }
0x1b5: {  	v8 =	vor.u32 $0x300, v1;
	[tilespmem:s29], [sflag:$0x1] =	stream.indirect_vreg.gather [hbm4b:s2+s16], $0x1, v2, vm0, $0x4038;
	[tilespmem:$0x3900] =	vst v63  }
0x1b6: {  	(ifvalue) =	ssetifvalue $0x7FFFFFFF;
	v2 =	vnsel vm1, $0x7FFFFFFF, v8  }
0x1b7: {  	s30 =	sadd.s32 $0x280, s25;
	(ifvalue) =	ssetifvalue $0x7FFFFFFF  }
0x1b8: {  	v9 =	vor.u32 $0x380, v1;
	[tilespmem:s30], [sflag:$0x1] =	stream.indirect_vreg.gather [hbm4b:s2+s16], $0x1, v3, vm0, $0x4038;
	[tilespmem:$0x3900] =	vst v63  }
0x1b9: {  	v3 =	vnsel vm1, $0x7FFFFFFF, v9;
	(ifvalue) =	ssetifvalue $0x7FFFFFFF  }
0x1ba: {  	s31 =	sadd.s32 $0x300, s25;
	(ifvalue) =	ssetifvalue $0x7FFFFFFF  }
0x1bb: {  	v44 =	vadd.s32 $0x7A1400, v1;
	[tilespmem:s31], [sflag:$0x1] =	stream.indirect_vreg.gather [hbm4b:s2+s16], $0x1, v2, vm0, $0x4038;
	[tilespmem:$0x3900] =	vst v63  }
0x1bc: {  	v44 =	vnsel vm1, $0x7FFFFFFF, v44;
	(ifvalue) =	ssetifvalue $0x7FFFFFFF  }
0x1bd: {  	s29 =	sadd.s32 $0x380, s25;
	(ifvalue) =	ssetifvalue $0x7FFFFFFF  }
0x1be: {  	v45 =	vadd.s32 $0x7A1480, v1;
	[tilespmem:s29], [sflag:$0x1] =	stream.indirect_vreg.gather [hbm4b:s2+s16], $0x1, v3, vm0, $0x4038;
	[tilespmem:$0x3900] =	vst v63  }
0x1bf: {  	v45 =	vnsel vm1, $0x7FFFFFFF, v45;
	(ifvalue) =	ssetifvalue $0x7FFFFFFF  }
0x1c0: {  	s30 =	sadd.s32 $0x400, s25;
	(ifvalue) =	ssetifvalue $0x7FFFFFFF  }
0x1c1: {  	v46 =	vadd.s32 $0x7A1500, v1;
	[tilespmem:s30], [sflag:$0x1] =	stream.indirect_vreg.gather [hbm4b:s2+s16], $0x1, v44, vm0, $0x4038;
	[tilespmem:$0x3900] =	vst v63  }
0x1c2: {  	v61 =	vnsel vm1, $0x7FFFFFFF, v46;
	(ifvalue) =	ssetifvalue $0x7FFFFFFF  }
0x1c3: {  	s31 =	sadd.s32 $0x480, s25;
	(ifvalue) =	ssetifvalue $0x7FFFFFFF  }
0x1c4: {  	v47 =	vadd.s32 $0x7A1580, v1;
	[tilespmem:s31], [sflag:$0x1] =	stream.indirect_vreg.gather [hbm4b:s2+s16], $0x1, v45, vm0, $0x4038;
	[tilespmem:$0x3900] =	vst v63  }
0x1c5: {  	v62 =	vnsel vm1, $0x7FFFFFFF, v47;
	(ifvalue) =	ssetifvalue $0x7FFFFFFF  }
0x1c6: {  	s29 =	sadd.s32 $0x500, s25;
	(ifvalue) =	ssetifvalue $0x7FFFFFFF  }
0x1c7: {  	v48 =	vadd.s32 $0x7A1600, v1;
	[tilespmem:s29], [sflag:$0x1] =	stream.indirect_vreg.gather [hbm4b:s2+s16], $0x1, v61, vm0, $0x4038;
	[tilespmem:$0x3900] =	vst v63  }
0x1c8: {  	v63 =	vnsel vm1, $0x7FFFFFFF, v48;
	(ifvalue) =	ssetifvalue $0x7FFFFFFF  }
0x1c9: {  	s30 =	sadd.s32 $0x580, s25;
	(ifvalue) =	ssetifvalue $0x7FFFFFFF  }
0x1ca: {  	v43 =	vadd.s32 $0x7A1680, v1;
	[tilespmem:s30], [sflag:$0x1] =	stream.indirect_vreg.gather [hbm4b:s2+s16], $0x1, v62, vm0, $0x4038;
	[tilespmem:$0x3900] =	vst v63  }
0x1cb: {  	v43 =	vnsel vm1, $0x7FFFFFFF, v43;
	(ifvalue) =	ssetifvalue $0x7FFFFFFF  }
0x1cc: {  	s31 =	sadd.s32 $0x600, s25;
	(ifvalue) =	ssetifvalue $0x7FFFFFFF  }
0x1cd: {  	v42 =	vadd.s32 $0x7A1700, v1;
	[tilespmem:s31], [sflag:$0x1] =	stream.indirect_vreg.gather [hbm4b:s2+s16], $0x1, v63, vm0, $0x4038;
	[tilespmem:$0x3900] =	vst v63  }
0x1ce: {  	v42 =	vnsel vm1, $0x7FFFFFFF, v42;
	(ifvalue) =	ssetifvalue $0x7FFFFFFF  }
0x1cf: {  	s29 =	sadd.s32 $0x680, s25;
	(ifvalue) =	ssetifvalue $0x7FFFFFFF  }
0x1d0: {  	v41 =	vadd.s32 $0x7A1780, v1;
	[tilespmem:s29], [sflag:$0x1] =	stream.indirect_vreg.gather [hbm4b:s2+s16], $0x1, v43, vm0, $0x4038;
	[tilespmem:$0x3900] =	vst v63  }
0x1d1: {  	v41 =	vnsel vm1, $0x7FFFFFFF, v41;
	(ifvalue) =	ssetifvalue $0x7FFFFFFF  }
0x1d2: {  	s30 =	sadd.s32 $0x700, s25;
	(ifvalue) =	ssetifvalue $0x7FFFFFFF  }
0x1d3: {  	v40 =	vadd.s32 $0xF42800, v1;
	[tilespmem:s30], [sflag:$0x1] =	stream.indirect_vreg.gather [hbm4b:s2+s16], $0x1, v42, vm0, $0x4038;
	[tilespmem:$0x3900] =	vst v63  }
0x1d4: {  	v40 =	vnsel vm1, $0x7FFFFFFF, v40;
	(ifvalue) =	ssetifvalue $0x7FFFFFFF  }
0x1d5: {  	s31 =	sadd.s32 $0x780, s25;
	(ifvalue) =	ssetifvalue $0x7FFFFFFF  }
0x1d6: {  	v39 =	vadd.s32 $0xF42880, v1;
	[tilespmem:s31], [sflag:$0x1] =	stream.indirect_vreg.gather [hbm4b:s2+s16], $0x1, v41, vm0, $0x4038;
	[tilespmem:$0x3900] =	vst v63  }
0x1d7: {  	v39 =	vnsel vm1, $0x7FFFFFFF, v39;
	(ifvalue) =	ssetifvalue $0x7FFFFFFF  }
0x1d8: {  	s29 =	sadd.s32 $0x800, s25;
	(ifvalue) =	ssetifvalue $0x7FFFFFFF  }
0x1d9: {  	v38 =	vadd.s32 $0xF42900, v1;
	[tilespmem:s29], [sflag:$0x1] =	stream.indirect_vreg.gather [hbm4b:s2+s16], $0x1, v40, vm0, $0x4038;
	[tilespmem:$0x3900] =	vst v63  }
0x1da: {  	v38 =	vnsel vm1, $0x7FFFFFFF, v38;
	(ifvalue) =	ssetifvalue $0x7FFFFFFF  }
0x1db: {  	s30 =	sadd.s32 $0x880, s25;
	(ifvalue) =	ssetifvalue $0x7FFFFFFF  }
0x1dc: {  	v37 =	vadd.s32 $0xF42980, v1;
	[tilespmem:s30], [sflag:$0x1] =	stream.indirect_vreg.gather [hbm4b:s2+s16], $0x1, v39, vm0, $0x4038;
	[tilespmem:$0x3900] =	vst v63  }
0x1dd: {  	v37 =	vnsel vm1, $0x7FFFFFFF, v37;
	(ifvalue) =	ssetifvalue $0x7FFFFFFF  }
0x1de: {  	s31 =	sadd.s32 $0x900, s25;
	(ifvalue) =	ssetifvalue $0x7FFFFFFF  }
0x1df: {  	v36 =	vadd.s32 $0xF42A00, v1;
	[tilespmem:s31], [sflag:$0x1] =	stream.indirect_vreg.gather [hbm4b:s2+s16], $0x1, v38, vm0, $0x4038;
	[tilespmem:$0x3900] =	vst v63  }
0x1e0: {  	v36 =	vnsel vm1, $0x7FFFFFFF, v36;
	(ifvalue) =	ssetifvalue $0x7FFFFFFF  }
0x1e1: {  	s29 =	sadd.s32 $0x980, s25;
	(ifvalue) =	ssetifvalue $0x7FFFFFFF  }
0x1e2: {  	v35 =	vadd.s32 $0xF42A80, v1;
	[tilespmem:s29], [sflag:$0x1] =	stream.indirect_vreg.gather [hbm4b:s2+s16], $0x1, v37, vm0, $0x4038;
	[tilespmem:$0x3900] =	vst v63  }
0x1e3: {  	v35 =	vnsel vm1, $0x7FFFFFFF, v35;
	(ifvalue) =	ssetifvalue $0x7FFFFFFF  }
0x1e4: {  	s30 =	sadd.s32 $0xA00, s25;
	(ifvalue) =	ssetifvalue $0x7FFFFFFF  }
0x1e5: {  	v34 =	vadd.s32 $0xF42B00, v1;
	[tilespmem:s30], [sflag:$0x1] =	stream.indirect_vreg.gather [hbm4b:s2+s16], $0x1, v36, vm0, $0x4038;
	[tilespmem:$0x3900] =	vst v63  }
0x1e6: {  	v34 =	vnsel vm1, $0x7FFFFFFF, v34;
	(ifvalue) =	ssetifvalue $0x7FFFFFFF  }
0x1e7: {  	s31 =	sadd.s32 $0xA80, s25;
	(ifvalue) =	ssetifvalue $0x7FFFFFFF  }
0x1e8: {  	v33 =	vadd.s32 $0xF42B80, v1;
	[tilespmem:s31], [sflag:$0x1] =	stream.indirect_vreg.gather [hbm4b:s2+s16], $0x1, v35, vm0, $0x4038;
	[tilespmem:$0x3900] =	vst v63  }
0x1e9: {  	v33 =	vnsel vm1, $0x7FFFFFFF, v33;
	(ifvalue) =	ssetifvalue $0x7FFFFFFF  }
0x1ea: {  	s29 =	sadd.s32 $0xB00, s25;
	(ifvalue) =	ssetifvalue $0x7FFFFFFF  }
0x1eb: {  	v32 =	vadd.s32 $0x16E3C00, v1;
	[tilespmem:s29], [sflag:$0x1] =	stream.indirect_vreg.gather [hbm4b:s2+s16], $0x1, v34, vm0, $0x4038;
	[tilespmem:$0x3900] =	vst v63  }
0x1ec: {  	v32 =	vnsel vm1, $0x7FFFFFFF, v32;
	(ifvalue) =	ssetifvalue $0x7FFFFFFF  }
0x1ed: {  	s30 =	sadd.s32 $0xB80, s25;
	(ifvalue) =	ssetifvalue $0x7FFFFFFF  }
0x1ee: {  	v31 =	vadd.s32 $0x16E3C80, v1;
	[tilespmem:s30], [sflag:$0x1] =	stream.indirect_vreg.gather [hbm4b:s2+s16], $0x1, v33, vm0, $0x4038;
	[tilespmem:$0x3900] =	vst v63  }
0x1ef: {  	v31 =	vnsel vm1, $0x7FFFFFFF, v31;
	(ifvalue) =	ssetifvalue $0x7FFFFFFF  }
0x1f0: {  	s31 =	sadd.s32 $0xC00, s25;
	(ifvalue) =	ssetifvalue $0x7FFFFFFF  }
0x1f1: {  	v30 =	vadd.s32 $0x16E3D00, v1;
	[tilespmem:s31], [sflag:$0x1] =	stream.indirect_vreg.gather [hbm4b:s2+s16], $0x1, v32, vm0, $0x4038;
	[tilespmem:$0x3900] =	vst v63  }
0x1f2: {  	v30 =	vnsel vm1, $0x7FFFFFFF, v30;
	(ifvalue) =	ssetifvalue $0x7FFFFFFF  }
0x1f3: {  	s29 =	sadd.s32 $0xC80, s25;
	(ifvalue) =	ssetifvalue $0x7FFFFFFF  }
0x1f4: {  	v29 =	vadd.s32 $0x16E3D80, v1;
	[tilespmem:s29], [sflag:$0x1] =	stream.indirect_vreg.gather [hbm4b:s2+s16], $0x1, v31, vm0, $0x4038;
	[tilespmem:$0x3900] =	vst v63  }
0x1f5: {  	v29 =	vnsel vm1, $0x7FFFFFFF, v29;
	(ifvalue) =	ssetifvalue $0x7FFFFFFF  }
0x1f6: {  	s30 =	sadd.s32 $0xD00, s25;
	(ifvalue) =	ssetifvalue $0x7FFFFFFF  }
0x1f7: {  	v28 =	vadd.s32 $0x16E3E00, v1;
	[tilespmem:s30], [sflag:$0x1] =	stream.indirect_vreg.gather [hbm4b:s2+s16], $0x1, v30, vm0, $0x4038;
	[tilespmem:$0x3900] =	vst v63  }
0x1f8: {  	v28 =	vnsel vm1, $0x7FFFFFFF, v28;
	(ifvalue) =	ssetifvalue $0x7FFFFFFF  }
0x1f9: {  	s31 =	sadd.s32 $0xD80, s25;
	(ifvalue) =	ssetifvalue $0x7FFFFFFF  }
0x1fa: {  	v27 =	vadd.s32 $0x16E3E80, v1;
	[tilespmem:s31], [sflag:$0x1] =	stream.indirect_vreg.gather [hbm4b:s2+s16], $0x1, v29, vm0, $0x4038;
	[tilespmem:$0x3900] =	vst v63  }
0x1fb: {  	v27 =	vnsel vm1, $0x7FFFFFFF, v27;
	(ifvalue) =	ssetifvalue $0x7FFFFFFF  }
0x1fc: {  	s29 =	sadd.s32 $0xE00, s25;
	(ifvalue) =	ssetifvalue $0x7FFFFFFF  }
0x1fd: {  	v26 =	vadd.s32 $0x16E3F00, v1;
	[tilespmem:s29], [sflag:$0x1] =	stream.indirect_vreg.gather [hbm4b:s2+s16], $0x1, v28, vm0, $0x4038;
	[tilespmem:$0x3900] =	vst v63  }
0x1fe: {  	v26 =	vnsel vm1, $0x7FFFFFFF, v26;
	(ifvalue) =	ssetifvalue $0x7FFFFFFF  }
0x1ff: {  	s30 =	sadd.s32 $0xE80, s25;
	(ifvalue) =	ssetifvalue $0x7FFFFFFF  }
0x200: {  	v25 =	vadd.s32 $0x16E3F80, v1;
	[tilespmem:s30], [sflag:$0x1] =	stream.indirect_vreg.gather [hbm4b:s2+s16], $0x1, v27, vm0, $0x4038;
	[tilespmem:$0x3900] =	vst v63  }
0x201: {  	v25 =	vnsel vm1, $0x7FFFFFFF, v25;
	(ifvalue) =	ssetifvalue $0x7FFFFFFF  }
0x202: {  	s31 =	sadd.s32 $0xF00, s25;
	(ifvalue) =	ssetifvalue $0x7FFFFFFF  }
0x203: {  	v24 =	vadd.s32 $0x1E85000, v1;
	[tilespmem:s31], [sflag:$0x1] =	stream.indirect_vreg.gather [hbm4b:s2+s16], $0x1, v26, vm0, $0x4038;
	[tilespmem:$0x3900] =	vst v63  }
0x204: {  	v24 =	vnsel vm1, $0x7FFFFFFF, v24;
	(ifvalue) =	ssetifvalue $0x7FFFFFFF  }
0x205: {  	s29 =	sadd.s32 $0xF80, s25;
	(ifvalue) =	ssetifvalue $0x7FFFFFFF  }
0x206: {  	v23 =	vadd.s32 $0x1E85080, v1;
	[tilespmem:s29], [sflag:$0x1] =	stream.indirect_vreg.gather [hbm4b:s2+s16], $0x1, v25, vm0, $0x4038;
	[tilespmem:$0x3900] =	vst v63  }
0x207: {  	v23 =	vnsel vm1, $0x7FFFFFFF, v23;
	(ifvalue) =	ssetifvalue $0x7FFFFFFF  }
0x208: {  	s30 =	sadd.s32 $0x1000, s25;
	(ifvalue) =	ssetifvalue $0x7FFFFFFF  }
0x209: {  	v22 =	vadd.s32 $0x1E85100, v1;
	[tilespmem:s30], [sflag:$0x1] =	stream.indirect_vreg.gather [hbm4b:s2+s16], $0x1, v24, vm0, $0x4038;
	[tilespmem:$0x3900] =	vst v63  }
0x20a: {  	v22 =	vnsel vm1, $0x7FFFFFFF, v22;
	(ifvalue) =	ssetifvalue $0x7FFFFFFF  }
0x20b: {  	s31 =	sadd.s32 $0x1080, s25;
	(ifvalue) =	ssetifvalue $0x7FFFFFFF  }
0x20c: {  	v21 =	vadd.s32 $0x1E85180, v1;
	[tilespmem:s31], [sflag:$0x1] =	stream.indirect_vreg.gather [hbm4b:s2+s16], $0x1, v23, vm0, $0x4038;
	[tilespmem:$0x3900] =	vst v63  }
0x20d: {  	v21 =	vnsel vm1, $0x7FFFFFFF, v21;
	(ifvalue) =	ssetifvalue $0x7FFFFFFF  }
0x20e: {  	s29 =	sadd.s32 $0x1100, s25;
	(ifvalue) =	ssetifvalue $0x7FFFFFFF  }
0x20f: {  	v20 =	vadd.s32 $0x1E85200, v1;
	[tilespmem:s29], [sflag:$0x1] =	stream.indirect_vreg.gather [hbm4b:s2+s16], $0x1, v22, vm0, $0x4038;
	[tilespmem:$0x3900] =	vst v63  }
0x210: {  	v20 =	vnsel vm1, $0x7FFFFFFF, v20;
	(ifvalue) =	ssetifvalue $0x7FFFFFFF  }
0x211: {  	s30 =	sadd.s32 $0x1180, s25;
	(ifvalue) =	ssetifvalue $0x7FFFFFFF  }
0x212: {  	v19 =	vadd.s32 $0x1E85280, v1;
	[tilespmem:s30], [sflag:$0x1] =	stream.indirect_vreg.gather [hbm4b:s2+s16], $0x1, v21, vm0, $0x4038;
	[tilespmem:$0x3900] =	vst v63  }
0x213: {  	v19 =	vnsel vm1, $0x7FFFFFFF, v19;
	(ifvalue) =	ssetifvalue $0x7FFFFFFF  }
0x214: {  	s31 =	sadd.s32 $0x1200, s25;
	(ifvalue) =	ssetifvalue $0x7FFFFFFF  }
0x215: {  	v18 =	vadd.s32 $0x1E85300, v1;
	[tilespmem:s31], [sflag:$0x1] =	stream.indirect_vreg.gather [hbm4b:s2+s16], $0x1, v20, vm0, $0x4038;
	[tilespmem:$0x3900] =	vst v63  }
0x216: {  	v18 =	vnsel vm1, $0x7FFFFFFF, v18;
	(ifvalue) =	ssetifvalue $0x7FFFFFFF  }
0x217: {  	s29 =	sadd.s32 $0x1280, s25;
	(ifvalue) =	ssetifvalue $0x7FFFFFFF  }
0x218: {  	v17 =	vadd.s32 $0x1E85380, v1;
	[tilespmem:s29], [sflag:$0x1] =	stream.indirect_vreg.gather [hbm4b:s2+s16], $0x1, v19, vm0, $0x4038;
	[tilespmem:$0x3900] =	vst v63  }
0x219: {  	v17 =	vnsel vm1, $0x7FFFFFFF, v17;
	(ifvalue) =	ssetifvalue $0x7FFFFFFF  }
0x21a: {  	s30 =	sadd.s32 $0x1300, s25;
	(ifvalue) =	ssetifvalue $0x7FFFFFFF  }
0x21b: {  	v16 =	vadd.s32 $0x2626400, v1;
	[tilespmem:s30], [sflag:$0x1] =	stream.indirect_vreg.gather [hbm4b:s2+s16], $0x1, v18, vm0, $0x4038;
	[tilespmem:$0x3900] =	vst v63  }
0x21c: {  	v16 =	vnsel vm1, $0x7FFFFFFF, v16;
	(ifvalue) =	ssetifvalue $0x7FFFFFFF  }
0x21d: {  	s31 =	sadd.s32 $0x1380, s25;
	(ifvalue) =	ssetifvalue $0x7FFFFFFF  }
0x21e: {  	v15 =	vadd.s32 $0x2626480, v1;
	[tilespmem:s31], [sflag:$0x1] =	stream.indirect_vreg.gather [hbm4b:s2+s16], $0x1, v17, vm0, $0x4038;
	[tilespmem:$0x3900] =	vst v63  }
0x21f: {  	v15 =	vnsel vm1, $0x7FFFFFFF, v15;
	(ifvalue) =	ssetifvalue $0x7FFFFFFF  }
0x220: {  	s29 =	sadd.s32 $0x1400, s25;
	(ifvalue) =	ssetifvalue $0x7FFFFFFF  }
0x221: {  	v14 =	vadd.s32 $0x2626500, v1;
	[tilespmem:s29], [sflag:$0x1] =	stream.indirect_vreg.gather [hbm4b:s2+s16], $0x1, v16, vm0, $0x4038;
	[tilespmem:$0x3900] =	vst v63  }
0x222: {  	v14 =	vnsel vm1, $0x7FFFFFFF, v14;
	(ifvalue) =	ssetifvalue $0x7FFFFFFF  }
0x223: {  	s30 =	sadd.s32 $0x1480, s25;
	(ifvalue) =	ssetifvalue $0x7FFFFFFF  }
0x224: {  	v13 =	vadd.s32 $0x2626580, v1;
	[tilespmem:s30], [sflag:$0x1] =	stream.indirect_vreg.gather [hbm4b:s2+s16], $0x1, v15, vm0, $0x4038;
	[tilespmem:$0x3900] =	vst v63  }
0x225: {  	v13 =	vnsel vm1, $0x7FFFFFFF, v13;
	(ifvalue) =	ssetifvalue $0x7FFFFFFF  }
0x226: {  	s31 =	sadd.s32 $0x1500, s25;
	(ifvalue) =	ssetifvalue $0x7FFFFFFF  }
0x227: {  	v12 =	vadd.s32 $0x2626600, v1;
	[tilespmem:s31], [sflag:$0x1] =	stream.indirect_vreg.gather [hbm4b:s2+s16], $0x1, v14, vm0, $0x4038;
	[tilespmem:$0x3900] =	vst v63  }
0x228: {  	v12 =	vnsel vm1, $0x7FFFFFFF, v12;
	(ifvalue) =	ssetifvalue $0x7FFFFFFF  }
0x229: {  	s29 =	sadd.s32 $0x1580, s25;
	(ifvalue) =	ssetifvalue $0x7FFFFFFF  }
0x22a: {  	v11 =	vadd.s32 $0x2626680, v1;
	[tilespmem:s29], [sflag:$0x1] =	stream.indirect_vreg.gather [hbm4b:s2+s16], $0x1, v13, vm0, $0x4038;
	[tilespmem:$0x3900] =	vst v63  }
0x22b: {  	v11 =	vnsel vm1, $0x7FFFFFFF, v11;
	(ifvalue) =	ssetifvalue $0x7FFFFFFF  }
0x22c: {  	s30 =	sadd.s32 $0x1600, s25;
	(ifvalue) =	ssetifvalue $0x7FFFFFFF  }
0x22d: {  	v10 =	vadd.s32 $0x2626700, v1;
	[tilespmem:s30], [sflag:$0x1] =	stream.indirect_vreg.gather [hbm4b:s2+s16], $0x1, v12, vm0, $0x4038;
	[tilespmem:$0x3900] =	vst v63  }
0x22e: {  	v10 =	vnsel vm1, $0x7FFFFFFF, v10;
	(ifvalue) =	ssetifvalue $0x7FFFFFFF  }
0x22f: {  	s31 =	sadd.s32 $0x1680, s25;
	(ifvalue) =	ssetifvalue $0x7FFFFFFF  }
0x230: {  	v55 =	vadd.s32 $0x2626780, v1;
	[tilespmem:s31], [sflag:$0x1] =	stream.indirect_vreg.gather [hbm4b:s2+s16], $0x1, v11, vm0, $0x4038;
	[tilespmem:$0x3900] =	vst v63  }
0x231: {  	v9 =	vnsel vm1, $0x7FFFFFFF, v55;
	(ifvalue) =	ssetifvalue $0x7FFFFFFF  }
0x232: {  	s29 =	sadd.s32 $0x1700, s25;
	(ifvalue) =	ssetifvalue $0x7FFFFFFF  }
0x233: {  	v56 =	vadd.s32 $0x2DC7800, v1;
	[tilespmem:s29], [sflag:$0x1] =	stream.indirect_vreg.gather [hbm4b:s2+s16], $0x1, v10, vm0, $0x4038;
	[tilespmem:$0x3900] =	vst v63  }
0x234: {  	v8 =	vnsel vm1, $0x7FFFFFFF, v56;
	(ifvalue) =	ssetifvalue $0x7FFFFFFF  }
0x235: {  	s30 =	sadd.s32 $0x1780, s25;
	(ifvalue) =	ssetifvalue $0x7FFFFFFF  }
0x236: {  	v57 =	vadd.s32 $0x2DC7880, v1;
	[tilespmem:s30], [sflag:$0x1] =	stream.indirect_vreg.gather [hbm4b:s2+s16], $0x1, v9, vm0, $0x4038;
	[tilespmem:$0x3900] =	vst v63  }
0x237: {  	v7 =	vnsel vm1, $0x7FFFFFFF, v57;
	(ifvalue) =	ssetifvalue $0x7FFFFFFF  }
0x238: {  	s31 =	sadd.s32 $0x1800, s25;
	(ifvalue) =	ssetifvalue $0x7FFFFFFF  }
0x239: {  	v58 =	vadd.s32 $0x2DC7900, v1;
	[tilespmem:s31], [sflag:$0x1] =	stream.indirect_vreg.gather [hbm4b:s2+s16], $0x1, v8, vm0, $0x4038;
	[tilespmem:$0x3900] =	vst v63  }
0x23a: {  	v6 =	vnsel vm1, $0x7FFFFFFF, v58;
	(ifvalue) =	ssetifvalue $0x7FFFFFFF  }
0x23b: {  	s29 =	sadd.s32 $0x1880, s25;
	(ifvalue) =	ssetifvalue $0x7FFFFFFF  }
0x23c: {  	v59 =	vadd.s32 $0x2DC7980, v1;
	[tilespmem:s29], [sflag:$0x1] =	stream.indirect_vreg.gather [hbm4b:s2+s16], $0x1, v7, vm0, $0x4038;
	[tilespmem:$0x3900] =	vst v63  }
0x23d: {  	v5 =	vnsel vm1, $0x7FFFFFFF, v59;
	(ifvalue) =	ssetifvalue $0x7FFFFFFF  }
0x23e: {  	s30 =	sadd.s32 $0x1900, s25;
	(ifvalue) =	ssetifvalue $0x7FFFFFFF  }
0x23f: {  	v60 =	vadd.s32 $0x2DC7A00, v1;
	[tilespmem:s30], [sflag:$0x1] =	stream.indirect_vreg.gather [hbm4b:s2+s16], $0x1, v6, vm0, $0x4038;
	[tilespmem:$0x3900] =	vst v63  }
0x240: {  	v4 =	vnsel vm1, $0x7FFFFFFF, v60;
	(ifvalue) =	ssetifvalue $0x7FFFFFFF  }
0x241: {  	s31 =	sadd.s32 $0x1980, s25;
	(ifvalue) =	ssetifvalue $0x7FFFFFFF  }
0x242: {  	v3 =	vadd.s32 $0x2DC7A80, v1;
	[tilespmem:s31], [sflag:$0x1] =	stream.indirect_vreg.gather [hbm4b:s2+s16], $0x1, v5, vm0, $0x4038;
	[tilespmem:$0x3900] =	vst v63  }
0x243: {  	v3 =	vnsel vm1, $0x7FFFFFFF, v3;
	(ifvalue) =	ssetifvalue $0x7FFFFFFF  }
0x244: {  	s29 =	sadd.s32 $0x1A00, s25;
	(ifvalue) =	ssetifvalue $0x7FFFFFFF  }
0x245: {  	v2 =	vadd.s32 $0x2DC7B00, v1;
	[tilespmem:s29], [sflag:$0x1] =	stream.indirect_vreg.gather [hbm4b:s2+s16], $0x1, v4, vm0, $0x4038;
	[tilespmem:$0x3900] =	vst v63  }
0x246: {  	p1 =	sne.s32 s23, $0x1C0;
	v2 =	vnsel vm1, $0x7FFFFFFF, v2;
	(ifvalue) =	ssetifvalue $0x7FFFFFFF  }
0x247: {  	s24 =	smov.u32 s23;
	s30 =	sadd.s32 $0x1A80, s25;
	(ifvalue) =	ssetifvalue $0x7FFFFFFF  }
0x248: {  	[tilespmem:s30], [sflag:$0x1] =	stream.indirect_vreg.gather [hbm4b:s2+s16], $0x1, v3, vm0, $0x4038;
	[tilespmem:$0x3900] =	vst v63  }
.Ltmp3:
0x249: {  	s23 =	sadd.s32 $0x40, s23;
	(ifvalue) =	ssetifvalue $0x7FFFFFFF;
	(pc) =	sbr.rel @p1 .LBB2_3-.Ltmp3, $4  }
0x24a: {  	s31 =	sadd.s32 $0x1B00, s25;
	s28 =	rddreg [dreg:$0x3];
	(ifvalue) =	ssetifvalue $0x7FFFFFFF  }
0x24b: {  	[tilespmem:s31], [sflag:$0x1] =	stream.indirect_vreg.gather [hbm4b:s2+s16], $0x1, v2, vm0, $0x4038;
	[tilespmem:$0x3900] =	vst v63  }
0x24c: {  	s22 =	sadd.s32 $0xFFFFFFF0, s22;
	s26 =	sshra.s32 s24, $0x2;
	v1 =	vadd.s32 $0x2DC7B80, v1;
	(ifvalue) =	ssetifvalue $0x7FFFFFFF  }
0x24d: {  	s24 =	sadd.s32 $0x1B80, s25;
	v1 =	vnsel vm1, $0x7FFFFFFF, v1;
	s28 =	sadd.s32 s26, s28;
	(ifvalue) =	ssetifvalue $0x7FFFFFFF  }
.Ltmp4:
0x24e: {  	_ = 	snop;
	(pc) =	sbr.rel .LBB2_4-.Ltmp4, $1  }
0x24f: {  	_ =	sdelay $0x3  }
.LBB2_6:
0x250: {  	_ =	sfence.sel $0x180000  }
0x251: {  	s2 =	simm.s32 $0x2;
	[bflag:$0x0] =	sbarrier.arrive $0xFFFF  }
0x252: {  	s30 =	simm.s32 $0x3;
	[sflag:s2] =	ssyncpa.u1 $0x1  }
0x253: {  	s31 =	simm.s32 $0x1;
	[sflag:s30] =	ssyncpa.u1 $0x1  }
0x254: {  	[sflag:s31] =	ssyncpa.u1 $0x1  }
0x255: {  	p0 =	sne.s32 s1, $0x0;
	_ =	strace $0x90000047  }
0x256: {  	s0 =	sadd.s32 @!p0 $0x100000, s0;
	[bflag:$0x2] =	sbarrier.arrive $0xFFFF  }
0x257: {  	[sflag:s0] =	ssyncadd.tile.s32 @!p0 $0x1;
	_ =	shalt  }
.Lfunc_end2:
_tile_overlayer_lowered:
.L_overlay_start_2:
0x258: {  	(tag) =	ssettag $0x2  }
0x259: {  	s0 =	rddreg [dreg:$0x0];
	s2 =	stileid.u32  }
0x25a: {  	s1 =	rddreg [dreg:$0x1];
	p0 =	sne.s32 s2, $0x0  }
0x25b: {  	s3 =	rddreg [dreg:$0x2];
	[bflag:$0x3] =	sbarrier.arrive $0xFFFF;
	s2 =	simm.s32 @!p0 $0x1C01  }
0x25c: {  	[timem:s3], [sflag:s2] =	dma.local @!p0 [hbm:s0], s1  }
0x25d: {  	s0 =	simm.s32 @!p0 $0x1  }
0x25e: {  	_ =	swait.ge @!p0 [sflag:s0], s1  }
0x25f: {  	s1 =	ssub.s32 @!p0 $0x0, s1;
	[sflag:s0] =	ssyncset.done @!p0 $0x0  }
0x260: {  	[sflag:s0] =	ssyncadd.s32 @!p0 s1  }
0x261: {  	[bflag:$0x3] =	sbarrier.arrive $0xFFFF  }
0x262: {  	_ =	shalt  }

// kernel: kernel.5.cloned.1.call-start
scs
__scs_entry_jumppad:
0x0: {  	(pc) =	sbr.rel $0x88, $3  }
0x1: {  	(tag) =	ssettag $0x0;
	lr =	simm.s32 $0x1  }
0x2: {  	[smem:$0x3F93] =	sst lr;
	_ =	strace $0xD0000000  }
0x3: {  	_ = 	snop  }
0x4: {  	_ = 	snop  }
0x5: {  	_ = 	snop  }
0x6: {  	_ = 	snop  }
0x7: {  	_ = 	snop  }
__scs_overlays_trampoline_lowered:
0x8: {  	[smem:$0x3FA2] =	sst s0  }
0x9: {  	[smem:$0x3FA3] =	sst s1  }
0xa: {  	[smem:$0x3FA4] =	sst s2  }
0xb: {  	[smem:$0x3FA5] =	sst s3  }
0xc: {  	[smem:$0x3FA6] =	sst s4  }
0xd: {  	[smem:$0x3FA7] =	sst s5  }
0xe: {  	[smem:$0x3FA8] =	sst s6  }
0xf: {  	[smem:$0x3FA9] =	sst s7  }
0x10: {  	[smem:$0x3FAA] =	sst s8  }
0x11: {  	[smem:$0x3FAB] =	sst s9;
	s0 =	simm.s32 @!p0 $0x0  }
0x12: {  	s1 =	sld [smem:$0x3F91];
	s0 =	simm.s32 @p0 $0x1  }
0x13: {  	[smem:$0x3FAC] =	sst s0;
	s0 =	simm.s32 @!p1 $0x0  }
0x14: {  	s2 =	sld [smem:$0x3F90];
	s0 =	simm.s32 @p1 $0x1  }
0x15: {  	[smem:$0x3FAD] =	sst s0;
	s0 =	simm.s32 @!p2 $0x0  }
0x16: {  	s3 =	sld [smem:$0x3FDB];
	s0 =	simm.s32 @p2 $0x1  }
0x17: {  	s4 =	simm.s32 $0x1BF5;
	[smem:$0x3FAF] =	sst s0  }
0x18: {  	s0 =	sld [smem:$0x3F92];
	_ =	swait.ge [sflag:s4], $0x0  }
0x19: {  	s7 =	sld [smem:$0x3F93]  }
0x1a: {  	s8 =	sadd.s32 $0xFFFFE003, lr  }
0x1b: {  	s9 =	sadd.s32 $0xFFFFFEF7, lr;
	s5 =	simm.s32 $0xFFFFFFFF;
	p2 =	slt.u32 s8, $0xFFFFF086  }
0x1c: {  	p1 =	slt.u32 s9, $0xF7A;
	s5 =	simm.s32 @!p2 $0x0  }
0x1d: {  	s5 =	simm.s32 @p1 $0x1;
	p0 =	seq.s32 s7, s2  }
0x1e: {  	s7 =	smul.u32 @!p0 $0xF7A, s2;
	p2 =	seq.s32 @!p0 s5, $0x0  }
0x1f: {  	s9 =	smul.u32 $0xF7A, s1;
	s8 =	simm.s32 @!p0 $0x1BF5;
	p2 =	por !p2, p0  }
0x20: {  	[sflag:s8] =	ssyncset.s32 @!p0 $0xFFFFF086;
	s6 =	sadd.s32 @!p0 s3, s7;
	s7 =	simm.s32 @!p0 $0x108  }
0x21: {  	s3 =	sadd.s32 s3, s9;
	s6 =	sadd.s32 @!p0 $0x88, s6;
	s7 =	simm.s32 @p2 $0x1082  }
0x22: {  	[simem:s7], [sflag:s8] =	dma.local @!p0 [hbm:s6], $0xF7A  }
0x23: {  	s9 =	sor.u32 $0xD0000000, s2;
	s6 =	simm.s32 $0x108;
	_ =	swait.ge @!p0 [sflag:s8], $0x0  }
0x24: {  	s3 =	sadd.s32 $0x88, s3;
	s6 =	simm.s32 @!p1 $0x1082;
	[sflag:s4] =	ssyncset.s32 $0xFFFFF086  }
0x25: {  	[simem:s6], [sflag:s4] =	dma.local [hbm:s3], $0xF7A  }
0x26: {  	[smem:$0x3F93] =	sst s1;
	(tag) =	ssettag s2;
	_ =	strace s9  }
0x27: {  	s1 =	sld [smem:$0x3FA3]  }
0x28: {  	s2 =	sld [smem:$0x3FA4]  }
0x29: {  	s4 =	sld [smem:$0x3FA6]  }
0x2a: {  	p0 =	seq.s32 s5, $0x0;
	s5 =	sld [smem:$0x3FA7]  }
0x2b: {  	s6 =	sld [smem:$0x3FA8]  }
0x2c: {  	s7 =	sld [smem:$0x3FA9]  }
0x2d: {  	s3 =	simm.s32 $0x108;
	s8 =	sld [smem:$0x3FAA]  }
0x2e: {  	s3 =	simm.s32 @!p0 $0x1082;
	s9 =	sld [smem:$0x3FAB]  }
0x2f: {  	lr =	sadd.s32 s0, s3;
	s0 =	sld [smem:$0x3FA2]  }
0x30: {  	s3 =	sld [smem:$0x3FA5]  }
0x31: {  	[smem:$0x3FAE] =	sst s10  }
0x32: {  	s10 =	sld [smem:$0x3FAC];
	_ =	sdelay $0x3  }
0x33: {  	p0 =	seq.s32 s10, $0x1;
	s10 =	sld [smem:$0x3FAE];
	_ =	sdelay $0x3  }
0x34: {  	[smem:$0x3FAE] =	sst s10  }
0x35: {  	s10 =	sld [smem:$0x3FAD];
	_ =	sdelay $0x3  }
0x36: {  	p1 =	seq.s32 s10, $0x1;
	s10 =	sld [smem:$0x3FAE];
	_ =	sdelay $0x3  }
0x37: {  	[smem:$0x3FAE] =	sst s10  }
0x38: {  	s10 =	sld [smem:$0x3FAF]  }
0x39: {  	_ = 	snop;
	(pc) =	sbr.ind lr, $3  }
0x3a: {  	_ = 	snop  }
0x3b: {  	_ = 	snop  }
0x3c: {  	p2 =	seq.s32 s10, $0x1;
	s10 =	sld [smem:$0x3FAE]  }
0x3d: {  	_ =	shalt  }
0x3e: {  	_ =	shalt  }
0x3f: {  	_ =	shalt  }
0x40: {  	_ =	shalt  }
0x41: {  	_ =	shalt  }
0x42: {  	_ =	shalt  }
0x43: {  	_ =	shalt  }
0x44: {  	_ =	shalt  }
0x45: {  	_ =	shalt  }
0x46: {  	_ =	shalt  }
0x47: {  	_ =	shalt  }
0x48: {  	_ =	shalt  }
0x49: {  	_ =	shalt  }
0x4a: {  	_ =	shalt  }
0x4b: {  	_ =	shalt  }
0x4c: {  	_ =	shalt  }
0x4d: {  	_ =	shalt  }
0x4e: {  	_ =	shalt  }
0x4f: {  	_ =	shalt  }
0x50: {  	_ =	shalt  }
0x51: {  	_ =	shalt  }
0x52: {  	_ =	shalt  }
0x53: {  	_ =	shalt  }
0x54: {  	_ =	shalt  }
0x55: {  	_ =	shalt  }
0x56: {  	_ =	shalt  }
0x57: {  	_ =	shalt  }
0x58: {  	_ =	shalt  }
0x59: {  	_ =	shalt  }
0x5a: {  	_ =	shalt  }
0x5b: {  	_ =	shalt  }
0x5c: {  	_ =	shalt  }
0x5d: {  	_ =	shalt  }
0x5e: {  	_ =	shalt  }
0x5f: {  	_ =	shalt  }
0x60: {  	_ =	shalt  }
0x61: {  	_ =	shalt  }
0x62: {  	_ =	shalt  }
0x63: {  	_ =	shalt  }
0x64: {  	_ =	shalt  }
0x65: {  	_ =	shalt  }
0x66: {  	_ =	shalt  }
0x67: {  	_ =	shalt  }
0x68: {  	_ =	shalt  }
0x69: {  	_ =	shalt  }
0x6a: {  	_ =	shalt  }
0x6b: {  	_ =	shalt  }
0x6c: {  	_ =	shalt  }
0x6d: {  	_ =	shalt  }
0x6e: {  	_ =	shalt  }
0x6f: {  	_ =	shalt  }
0x70: {  	_ =	shalt  }
0x71: {  	_ =	shalt  }
0x72: {  	_ =	shalt  }
0x73: {  	_ =	shalt  }
0x74: {  	_ =	shalt  }
0x75: {  	_ =	shalt  }
0x76: {  	_ =	shalt  }
0x77: {  	_ =	shalt  }
0x78: {  	_ =	shalt  }
0x79: {  	_ =	shalt  }
0x7a: {  	_ =	shalt  }
0x7b: {  	_ =	shalt  }
0x7c: {  	_ =	shalt  }
0x7d: {  	_ =	shalt  }
0x7e: {  	_ =	shalt  }
0x7f: {  	_ =	shalt  }
0x80: {  	_ =	shalt  }
0x81: {  	_ =	shalt  }
0x82: {  	_ =	shalt  }
0x83: {  	_ =	shalt  }
0x84: {  	_ =	shalt  }
0x85: {  	_ =	shalt  }
0x86: {  	_ =	shalt  }
0x87: {  	_ =	shalt  }
.Lfunc_end0:
.L_simem_size_0:
called_computation.2_lowered:
.L_overlay_start_0:
0x88: {  	s2 =	sld [smem:$0x3FD9]  }
0x89: {  	s3 =	sld [smem:$0x3FFE];
	_ =	sdelay $0x1  }
0x8a: {  	s1 =	srdreg.scid  }
0x8b: {  	s0 =	sand.u32 $0x1, s1  }
0x8c: {  	s16 =	sshll.u32 s0, $0xA;
	s2 =	sadd.s32 s3, s2  }
0x8d: {  	s2 =	sadd.s32 s2, s16  }
0x8e: {  	[smem:$0x3FBA] =	sst s2  }
0x8f: {  	_ = 	snop  }
0x90: {  	(tm) =	ssettm $0x1  }
0x91: {  	s17 =	sld [smem:$0x3FFB];
	_ =	sdelay $0x3  }
0x92: {  	_ =	strace s17  }
0x93: {  	s2 =	sld [smem:$0x3FFC];
	_ =	sdelay $0x3  }
0x94: {  	_ =	strace s2  }
0x95: {  	s2 =	sld [smem:$0x3FFD];
	_ =	sdelay $0x3  }
0x96: {  	_ =	strace s2  }
0x97: {  	_ =	strace $0x8FFFFFFF  }
0x98: {  	s18 =	sld [smem:$0x3FDB];
	_ =	sdelay $0x1  }
0x99: {  	s19 =	simm.s32 $_scs_section_size  }
0x9a: {  	s4 =	simm.s32 $_size__tile_overlayer_lowered;
	s5 =	simm.s32 $_tile_overlayer_lowered  }
0x9b: {  	s22 =	simm.s32 $0x1BFF;
	s21 =	sshll.u32 s5, $0x1;
	s2 =	sadd.s32 s19, s18  }
0x9c: {  	s6 =	simm.s32 $0x0;
	s20 =	sshll.u32 s4, $0x1;
	s4 =	sadd.s32 s21, s2  }
0x9d: {  	[timem:s6], [sflag:s22] =	dma.local [hbm:s4], s20  }
0x9e: {  	_ =	swait.ge [sflag:s22], s20  }
0x9f: {  	s3 =	ssub.s32 $0x0, s20;
	[sflag:s22] =	ssyncset.done $0x0  }
0xa0: {  	[sflag:s22] =	ssyncadd.s32 s3;
	_ =	sdelay $0x1  }
0xa1: {  	s23 =	simm.s32 $0x1B8B  }
0xa2: {  	_ =	swait.ge [sflag:s23], $0x1  }
0xa3: {  	[sflag:s23] =	ssyncset.done $0x0  }
0xa4: {  	s25 =	simm.s32 $0x1B8E;
	s24 =	sld [smem:$0x3FFE];
	[sflag:s23] =	ssyncadd.s32 $0xFFFFFFFF  }
0xa5: {  	s26 =	simm.s32 $execute0_lowered;
	[smem:$0x3FD2] =	sst s25  }
0xa6: {  	s4 =	sshll.u32 s26, $0x1;
	_ =	strace $0x80000049;
	[dreg:$0x1] =	wrdreg $0xFFFFFFFF  }
0xa7: {  	s28 =	simm.s32 $_size_execute0_lowered;
	s2 =	sadd.s32 s2, s4;
	[dreg:$0x0] =	wrdreg $0x0  }
0xa8: {  	s4 =	sshll.u32 s28, $0x1;
	[dreg:$0x2] =	wrdreg s2  }
0xa9: {  	[dreg:$0x3] =	wrdreg s4  }
0xaa: {  	[dreg:$0x4] =	wrdreg $0xC0  }
0xab: {  	_ =	task [dreg:s6], $0x5FFFF  }
0xac: {  	[dreg:$0x1] =	wrdreg $0xFFFFFFFF  }
0xad: {  	[dreg:$0x0] =	wrdreg $0x60  }
0xae: {  	[dreg:$0x2] =	wrdreg s24  }
0xaf: {  	[dreg:$0x3] =	wrdreg $0x9  }
0xb0: {  	_ =	task.clear_ibuf [dreg:s6], $0x4FFFF;
	_ =	strace $0x90000049  }
0xb1: {  	s29 =	simm.s32 $0x9;
	_ =	strace $0x8000004B  }
0xb2: {  	_ =	swait.ge [sflag:s29], $0x1  }
0xb3: {  	[sflag:s29] =	ssyncadd.s32 $0xFFFFFFFF  }
0xb4: {  	_ =	strace $0x9000004B  }
0xb5: {  	_ =	sfence  }
0xb6: {  	s30 =	sld [smem:$0x0];
	_ =	sdelay $0x2  }
0xb7: {  	s31 =	sshll.u32 s1, $0xD;
	s1 =	sshrl.u32 s1, $0x2  }
0xb8: {  	s3 =	sand.u32 $0x4000, s31;
	s1 =	sadd.s32 s1, s30  }
0xb9: {  	s0 =	sor.u32 s3, s0;
	s1 =	sshll.u32 s1, $0x11  }
0xba: {  	s0 =	sor.u32 s1, s0  }
0xbb: {  	s0 =	sadd.s32 $0x8F2B, s0  }
0xbc: {  	[sflag:s0] =	ssyncadd.remote.s32 $0x1  }
0xbd: {  	_ =	sfence.sel $0xFFFF  }
0xbe: {  	[dreg:$0x0] =	wrdreg $0xFFFFFFFF;
	(pc) =	sbr.abs _section_cstart, $3  }
0xbf: {  	[dreg:$0x1] =	wrdreg $0xFFFFFFFF  }
0xc0: {  	_ =	task.clear_ibuf [dreg:s6], $0x2FFFF;
	_ =	strace $0x9FFFFFFF  }
0xc1: {  	(tm) =	ssettm $0x7FFFFFFF  }
tec
execute0_lowered:
.L_overlay_start_1:
0x0: {  	(tag) =	ssettag $0x1  }
0x1: {  	s3 =	rddreg [dreg:$0x0]  }
0x2: {  	s0 =	rddreg [dreg:$0x1];
	s1 =	stileid.u32  }
0x3: {  	s4 =	srdreg.scid;
	s5 =	smul.u32 $0xC350, s1  }
0x4: {  	s2 =	simm.s32 $0x0;
	s4 =	sand.u32 $0x1, s4;
	s29 =	smul.u32 $0x61A80, s1  }
0x5: {  	[smem:$0x7FF] =	sst s2;
	s6 =	smul.u32 $0x61A8, s4  }
0x6: {  	_ =	strace $0x8000004A;
	s7 =	ssub.s32 $0x2, s4;
	s9 =	smul.u32 $0x30D40, s4  }
0x7: {  	s8 =	sshrl.u32 s7, $0x1;
	s30 =	sadd.s32 s29, s3;
	s5 =	sadd.s32 s6, s5  }
0x8: {  	s31 =	ssub.s32 s7, s8;
	s7 =	simm.s32 $0x2;
	s5 =	sshrl.u32 s5, $0x3  }
0x9: {  	s8 =	simm.s32 $0x3E8;
	s4 =	smax.u32 s31, $0x1;
	s10 =	sadd.s32 s5, s3  }
0xa: {  	s3 =	sadd.s32 $0x14BA00, s3;
	s5 =	sadd.s32 s9, s30;
	s9 =	simm.s32 $0x1  }
0xb: {  	s5 =	sadd.s32 $0x1AD600, s5;
	s6 =	sadd.s32 $0x6FC00, s10;
	s10 =	simm.s32 $0x0  }
.LBB2_1:
0xc: {  	s11 =	sadd.s32 $0x0, s6  }
0xd: {  	[tilespmem:s2], [sflag:$0x2] =	stream.linear.gather [hbm4b:s11+s2], $0x3E8, $0x38;
	[tilespmem:$0xFDE8] =	vst v63  }
0xe: {  	_ =	swait.ge [sflag:s7], $0x3E8  }
0xf: {  	[sflag:s7] =	ssyncset.done $0x0  }
0x10: {  	[sflag:s7] =	ssyncadd.s32 $0xFFFFFC18  }
0x11: {  	[tilespmem:s8], [sflag:$0x1] =	stream.indirect.gather [hbm4b:s3+s8], $0x40, s2, s8, $0xb8;
	[tilespmem:$0xFDE8] =	vst v63  }
0x12: {  	_ =	swait.ge [sflag:s9], $0xFA00  }
0x13: {  	[sflag:s9] =	ssyncset.done $0x0  }
0x14: {  	[sflag:s9] =	ssyncadd.s32 $0xFFFF0600  }
0x15: {  	[hbm4b:s5+s2] =	stream.linear.scatter [tilespmem:s8], [sflag:$0x2], $0xFA00, $0x38;
	[tilespmem:$0xFDE8] =	vst v63  }
0x16: {  	s12 =	simm.s32 $0x7D;
	_ =	swait.ge [sflag:s7], $0xFA00  }
0x17: {  	s13 =	simm.s32 $0xFA;
	s11 =	sadd.s32 $0x1F40, s5;
	[sflag:s7] =	ssyncset.done $0x0  }
.LBB2_2:
0x18: {  	s14 =	sadd.s32 s12, s6  }
0x19: {  	[sflag:s7] =	ssyncadd.s32 $0xFFFF0600;
	s12 =	smov.u32 s13;
	s15 =	sadd.s32 $0x7D, s13  }
0x1a: {  	[tilespmem:s2], [sflag:$0x2] =	stream.linear.gather [hbm4b:s14+s2], $0x3E8, $0x38;
	[tilespmem:$0xFDE8] =	vst v63  }
0x1b: {  	p0 =	sne.s32 s13, $0xBB8;
	_ =	swait.ge [sflag:s7], $0x3E8  }
0x1c: {  	[sflag:s7] =	ssyncset.done $0x0  }
0x1d: {  	[sflag:s7] =	ssyncadd.s32 $0xFFFFFC18  }
0x1e: {  	[tilespmem:s8], [sflag:$0x1] =	stream.indirect.gather [hbm4b:s3+s8], $0x40, s2, s8, $0xb8;
	[tilespmem:$0xFDE8] =	vst v63  }
0x1f: {  	_ =	swait.ge [sflag:s9], $0xFA00  }
.Ltmp0:
0x20: {  	[sflag:s9] =	ssyncset.done $0x0;
	(pc) =	sbr.rel @p0 .LBB2_2-.Ltmp0, $4  }
0x21: {  	[sflag:s9] =	ssyncadd.s32 $0xFFFF0600  }
0x22: {  	[hbm4b:s11+s2] =	stream.linear.scatter [tilespmem:s8], [sflag:$0x2], $0xFA00, $0x38;
	[tilespmem:$0xFDE8] =	vst v63  }
0x23: {  	_ =	swait.ge [sflag:s7], $0xFA00  }
0x24: {  	s13 =	smov.u32 s15;
	s11 =	sadd.s32 $0x1F40, s11;
	[sflag:s7] =	ssyncset.done $0x0  }
0x25: {  	s12 =	sadd.s32 s12, s6;
	[sflag:s7] =	ssyncadd.s32 $0xFFFF0600  }
0x26: {  	[tilespmem:s2], [sflag:$0x2] =	stream.linear.gather [hbm4b:s12+s2], $0x3E8, $0x38;
	[tilespmem:$0xFDE8] =	vst v63  }
0x27: {  	_ =	swait.ge [sflag:s7], $0x3E8  }
0x28: {  	[sflag:s7] =	ssyncset.done $0x0  }
0x29: {  	[sflag:s7] =	ssyncadd.s32 $0xFFFFFC18  }
0x2a: {  	[tilespmem:s8], [sflag:$0x1] =	stream.indirect.gather [hbm4b:s3+s8], $0x40, s2, s8, $0xb8;
	[tilespmem:$0xFDE8] =	vst v63  }
0x2b: {  	s10 =	sadd.s32 $0x1, s10;
	_ =	swait.ge [sflag:s9], $0xFA00  }
0x2c: {  	p0 =	sne.s32 s10, s4;
	[sflag:s9] =	ssyncset.done $0x0  }
.Ltmp1:
0x2d: {  	[sflag:s9] =	ssyncadd.s32 $0xFFFF0600;
	(pc) =	sbr.rel @p0 .LBB2_1-.Ltmp1, $4  }
0x2e: {  	[hbm4b:s11+s2] =	stream.linear.scatter [tilespmem:s8], [sflag:$0x2], $0xFA00, $0x38;
	[tilespmem:$0xFDE8] =	vst v63  }
0x2f: {  	_ =	swait.ge [sflag:s7], $0xFA00  }
0x30: {  	[sflag:s7] =	ssyncset.done $0x0  }
0x31: {  	[sflag:s7] =	ssyncadd.s32 $0xFFFF0600  }
0x32: {  	_ =	sfence.sel $0x180000  }
0x33: {  	[bflag:$0x0] =	sbarrier.arrive $0xFFFF  }
0x34: {  	p0 =	sne.s32 s1, $0x0;
	_ =	strace $0x9000004A  }
0x35: {  	s0 =	sadd.s32 @!p0 $0x100000, s0;
	[bflag:$0x2] =	sbarrier.arrive $0xFFFF  }
0x36: {  	[sflag:s0] =	ssyncadd.tile.s32 @!p0 $0x1;
	_ =	shalt  }
.Lfunc_end2:
_tile_overlayer_lowered:
.L_overlay_start_2:
0x37: {  	(tag) =	ssettag $0x2  }
0x38: {  	s0 =	rddreg [dreg:$0x0];
	s2 =	stileid.u32  }
0x39: {  	s1 =	rddreg [dreg:$0x1];
	p0 =	sne.s32 s2, $0x0  }
0x3a: {  	s3 =	rddreg [dreg:$0x2];
	[bflag:$0x3] =	sbarrier.arrive $0xFFFF;
	s2 =	simm.s32 @!p0 $0x1C02  }
0x3b: {  	[timem:s3], [sflag:s2] =	dma.local @!p0 [hbm:s0], s1  }
0x3c: {  	s0 =	simm.s32 @!p0 $0x2  }
0x3d: {  	_ =	swait.ge @!p0 [sflag:s0], s1  }
0x3e: {  	s1 =	ssub.s32 @!p0 $0x0, s1;
	[sflag:s0] =	ssyncset.done @!p0 $0x0  }
0x3f: {  	[sflag:s0] =	ssyncadd.s32 @!p0 s1  }
0x40: {  	[bflag:$0x3] =	sbarrier.arrive $0xFFFF  }
0x41: {  	_ =	shalt  }

// kernel: scatter_offload_async_start
scs
__scs_entry_jumppad:
0x0: {  	(pc) =	sbr.rel $0x88, $3  }
0x1: {  	(tag) =	ssettag $0x0;
	lr =	simm.s32 $0x1  }
0x2: {  	[smem:$0x3F93] =	sst lr;
	_ =	strace $0xD0000000  }
0x3: {  	_ = 	snop  }
0x4: {  	_ = 	snop  }
0x5: {  	_ = 	snop  }
0x6: {  	_ = 	snop  }
0x7: {  	_ = 	snop  }
__scs_overlays_trampoline_lowered:
0x8: {  	[smem:$0x3FA2] =	sst s0  }
0x9: {  	[smem:$0x3FA3] =	sst s1  }
0xa: {  	[smem:$0x3FA4] =	sst s2  }
0xb: {  	[smem:$0x3FA5] =	sst s3  }
0xc: {  	[smem:$0x3FA6] =	sst s4  }
0xd: {  	[smem:$0x3FA7] =	sst s5  }
0xe: {  	[smem:$0x3FA8] =	sst s6  }
0xf: {  	[smem:$0x3FA9] =	sst s7  }
0x10: {  	[smem:$0x3FAA] =	sst s8  }
0x11: {  	[smem:$0x3FAB] =	sst s9;
	s0 =	simm.s32 @!p0 $0x0  }
0x12: {  	s1 =	sld [smem:$0x3F91];
	s0 =	simm.s32 @p0 $0x1  }
0x13: {  	[smem:$0x3FAC] =	sst s0;
	s0 =	simm.s32 @!p1 $0x0  }
0x14: {  	s2 =	sld [smem:$0x3F90];
	s0 =	simm.s32 @p1 $0x1  }
0x15: {  	[smem:$0x3FAD] =	sst s0;
	s0 =	simm.s32 @!p2 $0x0  }
0x16: {  	s3 =	sld [smem:$0x3FDB];
	s0 =	simm.s32 @p2 $0x1  }
0x17: {  	s4 =	simm.s32 $0x1BF5;
	[smem:$0x3FAF] =	sst s0  }
0x18: {  	s0 =	sld [smem:$0x3F92];
	_ =	swait.ge [sflag:s4], $0x0  }
0x19: {  	s7 =	sld [smem:$0x3F93]  }
0x1a: {  	s8 =	sadd.s32 $0xFFFFE003, lr  }
0x1b: {  	s9 =	sadd.s32 $0xFFFFFEF7, lr;
	s5 =	simm.s32 $0xFFFFFFFF;
	p2 =	slt.u32 s8, $0xFFFFF086  }
0x1c: {  	p1 =	slt.u32 s9, $0xF7A;
	s5 =	simm.s32 @!p2 $0x0  }
0x1d: {  	s5 =	simm.s32 @p1 $0x1;
	p0 =	seq.s32 s7, s2  }
0x1e: {  	s7 =	smul.u32 @!p0 $0xF7A, s2;
	p2 =	seq.s32 @!p0 s5, $0x0  }
0x1f: {  	s9 =	smul.u32 $0xF7A, s1;
	s8 =	simm.s32 @!p0 $0x1BF5;
	p2 =	por !p2, p0  }
0x20: {  	[sflag:s8] =	ssyncset.s32 @!p0 $0xFFFFF086;
	s6 =	sadd.s32 @!p0 s3, s7;
	s7 =	simm.s32 @!p0 $0x108  }
0x21: {  	s3 =	sadd.s32 s3, s9;
	s6 =	sadd.s32 @!p0 $0x88, s6;
	s7 =	simm.s32 @p2 $0x1082  }
0x22: {  	[simem:s7], [sflag:s8] =	dma.local @!p0 [hbm:s6], $0xF7A  }
0x23: {  	s9 =	sor.u32 $0xD0000000, s2;
	s6 =	simm.s32 $0x108;
	_ =	swait.ge @!p0 [sflag:s8], $0x0  }
0x24: {  	s3 =	sadd.s32 $0x88, s3;
	s6 =	simm.s32 @!p1 $0x1082;
	[sflag:s4] =	ssyncset.s32 $0xFFFFF086  }
0x25: {  	[simem:s6], [sflag:s4] =	dma.local [hbm:s3], $0xF7A  }
0x26: {  	[smem:$0x3F93] =	sst s1;
	(tag) =	ssettag s2;
	_ =	strace s9  }
0x27: {  	s1 =	sld [smem:$0x3FA3]  }
0x28: {  	s2 =	sld [smem:$0x3FA4]  }
0x29: {  	s4 =	sld [smem:$0x3FA6]  }
0x2a: {  	p0 =	seq.s32 s5, $0x0;
	s5 =	sld [smem:$0x3FA7]  }
0x2b: {  	s6 =	sld [smem:$0x3FA8]  }
0x2c: {  	s7 =	sld [smem:$0x3FA9]  }
0x2d: {  	s3 =	simm.s32 $0x108;
	s8 =	sld [smem:$0x3FAA]  }
0x2e: {  	s3 =	simm.s32 @!p0 $0x1082;
	s9 =	sld [smem:$0x3FAB]  }
0x2f: {  	lr =	sadd.s32 s0, s3;
	s0 =	sld [smem:$0x3FA2]  }
0x30: {  	s3 =	sld [smem:$0x3FA5]  }
0x31: {  	[smem:$0x3FAE] =	sst s10  }
0x32: {  	s10 =	sld [smem:$0x3FAC];
	_ =	sdelay $0x3  }
0x33: {  	p0 =	seq.s32 s10, $0x1;
	s10 =	sld [smem:$0x3FAE];
	_ =	sdelay $0x3  }
0x34: {  	[smem:$0x3FAE] =	sst s10  }
0x35: {  	s10 =	sld [smem:$0x3FAD];
	_ =	sdelay $0x3  }
0x36: {  	p1 =	seq.s32 s10, $0x1;
	s10 =	sld [smem:$0x3FAE];
	_ =	sdelay $0x3  }
0x37: {  	[smem:$0x3FAE] =	sst s10  }
0x38: {  	s10 =	sld [smem:$0x3FAF]  }
0x39: {  	_ = 	snop;
	(pc) =	sbr.ind lr, $3  }
0x3a: {  	_ = 	snop  }
0x3b: {  	_ = 	snop  }
0x3c: {  	p2 =	seq.s32 s10, $0x1;
	s10 =	sld [smem:$0x3FAE]  }
0x3d: {  	_ =	shalt  }
0x3e: {  	_ =	shalt  }
0x3f: {  	_ =	shalt  }
0x40: {  	_ =	shalt  }
0x41: {  	_ =	shalt  }
0x42: {  	_ =	shalt  }
0x43: {  	_ =	shalt  }
0x44: {  	_ =	shalt  }
0x45: {  	_ =	shalt  }
0x46: {  	_ =	shalt  }
0x47: {  	_ =	shalt  }
0x48: {  	_ =	shalt  }
0x49: {  	_ =	shalt  }
0x4a: {  	_ =	shalt  }
0x4b: {  	_ =	shalt  }
0x4c: {  	_ =	shalt  }
0x4d: {  	_ =	shalt  }
0x4e: {  	_ =	shalt  }
0x4f: {  	_ =	shalt  }
0x50: {  	_ =	shalt  }
0x51: {  	_ =	shalt  }
0x52: {  	_ =	shalt  }
0x53: {  	_ =	shalt  }
0x54: {  	_ =	shalt  }
0x55: {  	_ =	shalt  }
0x56: {  	_ =	shalt  }
0x57: {  	_ =	shalt  }
0x58: {  	_ =	shalt  }
0x59: {  	_ =	shalt  }
0x5a: {  	_ =	shalt  }
0x5b: {  	_ =	shalt  }
0x5c: {  	_ =	shalt  }
0x5d: {  	_ =	shalt  }
0x5e: {  	_ =	shalt  }
0x5f: {  	_ =	shalt  }
0x60: {  	_ =	shalt  }
0x61: {  	_ =	shalt  }
0x62: {  	_ =	shalt  }
0x63: {  	_ =	shalt  }
0x64: {  	_ =	shalt  }
0x65: {  	_ =	shalt  }
0x66: {  	_ =	shalt  }
0x67: {  	_ =	shalt  }
0x68: {  	_ =	shalt  }
0x69: {  	_ =	shalt  }
0x6a: {  	_ =	shalt  }
0x6b: {  	_ =	shalt  }
0x6c: {  	_ =	shalt  }
0x6d: {  	_ =	shalt  }
0x6e: {  	_ =	shalt  }
0x6f: {  	_ =	shalt  }
0x70: {  	_ =	shalt  }
0x71: {  	_ =	shalt  }
0x72: {  	_ =	shalt  }
0x73: {  	_ =	shalt  }
0x74: {  	_ =	shalt  }
0x75: {  	_ =	shalt  }
0x76: {  	_ =	shalt  }
0x77: {  	_ =	shalt  }
0x78: {  	_ =	shalt  }
0x79: {  	_ =	shalt  }
0x7a: {  	_ =	shalt  }
0x7b: {  	_ =	shalt  }
0x7c: {  	_ =	shalt  }
0x7d: {  	_ =	shalt  }
0x7e: {  	_ =	shalt  }
0x7f: {  	_ =	shalt  }
0x80: {  	_ =	shalt  }
0x81: {  	_ =	shalt  }
0x82: {  	_ =	shalt  }
0x83: {  	_ =	shalt  }
0x84: {  	_ =	shalt  }
0x85: {  	_ =	shalt  }
0x86: {  	_ =	shalt  }
0x87: {  	_ =	shalt  }
.Lfunc_end0:
.L_simem_size_0:
called_computation_lowered:
.L_overlay_start_0:
0x88: {  	s2 =	sld [smem:$0x3FD9]  }
0x89: {  	s3 =	sld [smem:$0x3FFE];
	_ =	sdelay $0x1  }
0x8a: {  	s1 =	srdreg.scid  }
0x8b: {  	s0 =	sand.u32 $0x1, s1  }
0x8c: {  	s15 =	sshll.u32 s0, $0xA;
	s2 =	sadd.s32 s3, s2  }
0x8d: {  	s2 =	sadd.s32 s2, s15  }
0x8e: {  	[smem:$0x3FBA] =	sst s2  }
0x8f: {  	_ = 	snop  }
0x90: {  	(tm) =	ssettm $0x1  }
0x91: {  	s16 =	sld [smem:$0x3FFB];
	_ =	sdelay $0x3  }
0x92: {  	_ =	strace s16  }
0x93: {  	s2 =	sld [smem:$0x3FFC];
	_ =	sdelay $0x3  }
0x94: {  	_ =	strace s2  }
0x95: {  	s2 =	sld [smem:$0x3FFD];
	_ =	sdelay $0x3  }
0x96: {  	_ =	strace s2  }
0x97: {  	_ =	strace $0x8FFFFFFF  }
0x98: {  	s17 =	sld [smem:$0x3FDB];
	_ =	sdelay $0x1  }
0x99: {  	s18 =	simm.s32 $_scs_section_size  }
0x9a: {  	s4 =	simm.s32 $_size__tile_overlayer_lowered;
	s5 =	simm.s32 $_tile_overlayer_lowered  }
0x9b: {  	s21 =	simm.s32 $0x1BFF;
	s20 =	sshll.u32 s5, $0x1;
	s2 =	sadd.s32 s18, s17  }
0x9c: {  	s6 =	simm.s32 $0x0;
	s19 =	sshll.u32 s4, $0x1;
	s4 =	sadd.s32 s20, s2  }
0x9d: {  	[timem:s6], [sflag:s21] =	dma.local [hbm:s4], s19  }
0x9e: {  	_ =	swait.ge [sflag:s21], s19  }
0x9f: {  	s3 =	ssub.s32 $0x0, s19;
	[sflag:s21] =	ssyncset.done $0x0  }
0xa0: {  	[sflag:s21] =	ssyncadd.s32 s3;
	_ =	sdelay $0x1  }
0xa1: {  	s22 =	simm.s32 $0x1B8B  }
0xa2: {  	_ =	swait.ge [sflag:s22], $0x1  }
0xa3: {  	[sflag:s22] =	ssyncset.done $0x0  }
0xa4: {  	s23 =	sld [smem:$0x3FFE];
	[sflag:s22] =	ssyncadd.s32 $0xFFFFFFFF  }
0xa5: {  	s25 =	simm.s32 $0x1B8E;
	s24 =	sld [smem:$0x0]  }
0xa6: {  	s26 =	simm.s32 $execute0_lowered;
	[smem:$0x3FD2] =	sst s25  }
0xa7: {  	s5 =	sshll.u32 s26, $0x1;
	_ =	strace $0x8000004C;
	[dreg:$0x1] =	wrdreg $0xFFFFFFFF  }
0xa8: {  	s28 =	simm.s32 $_size_execute0_lowered;
	s2 =	sadd.s32 s2, s5;
	[dreg:$0x0] =	wrdreg $0x0  }
0xa9: {  	s5 =	sshll.u32 s28, $0x1;
	[dreg:$0x2] =	wrdreg s2  }
0xaa: {  	[dreg:$0x3] =	wrdreg s5  }
0xab: {  	[dreg:$0x4] =	wrdreg $0xC0  }
0xac: {  	_ =	task [dreg:s6], $0x5FFFF  }
0xad: {  	[dreg:$0x1] =	wrdreg $0xFFFFFFFF  }
0xae: {  	[dreg:$0x0] =	wrdreg $0x60  }
0xaf: {  	[dreg:$0x2] =	wrdreg s23  }
0xb0: {  	[dreg:$0x3] =	wrdreg s1  }
0xb1: {  	[dreg:$0x4] =	wrdreg s24  }
0xb2: {  	[dreg:$0x5] =	wrdreg $0x9  }
0xb3: {  	_ =	task.clear_ibuf [dreg:s6], $0x6FFFF;
	_ =	strace $0x9000004C  }
0xb4: {  	s29 =	simm.s32 $0x9;
	_ =	strace $0x8000004E  }
0xb5: {  	_ =	swait.ge [sflag:s29], $0x1  }
0xb6: {  	[sflag:s29] =	ssyncadd.s32 $0xFFFFFFFF  }
0xb7: {  	_ =	strace $0x9000004E  }
0xb8: {  	_ =	sfence  }
0xb9: {  	s30 =	sld [smem:$0x0];
	_ =	sdelay $0x2  }
0xba: {  	s31 =	sshll.u32 s1, $0xD;
	s1 =	sshrl.u32 s1, $0x2  }
0xbb: {  	s3 =	sand.u32 $0x4000, s31;
	s1 =	sadd.s32 s1, s30  }
0xbc: {  	s0 =	sor.u32 s3, s0;
	s1 =	sshll.u32 s1, $0x11  }
0xbd: {  	s0 =	sor.u32 s1, s0  }
0xbe: {  	s0 =	sadd.s32 $0x8F2B, s0  }
0xbf: {  	[sflag:s0] =	ssyncadd.remote.s32 $0x1  }
0xc0: {  	_ =	sfence.sel $0xFFFF  }
0xc1: {  	[dreg:$0x0] =	wrdreg $0xFFFFFFFF;
	(pc) =	sbr.abs _section_cstart, $3  }
0xc2: {  	[dreg:$0x1] =	wrdreg $0xFFFFFFFF  }
0xc3: {  	_ =	task.clear_ibuf [dreg:s6], $0x2FFFF;
	_ =	strace $0x9FFFFFFF  }
0xc4: {  	(tm) =	ssettm $0x7FFFFFFF  }
0xc5: {  	_ =	shalt  }
tec
execute0_lowered:
.L_overlay_start_1:
0x0: {  	(tag) =	ssettag $0x1  }
0x1: {  	s0 =	rddreg [dreg:$0x0]  }
0x2: {  	s4 =	rddreg [dreg:$0x1];
	_ =	strace $0x8000004D;
	s1 =	simm.s32 $0x1  }
0x3: {  	s3 =	simm.s32 $0x88;
	v0 =	vimm.s32 $0x0;
	[sflag:s1] =	ssyncpa.u1 $0x0  }
0x4: {  	[tilespmem:s3+$0x30] =	vst v0  }
0x5: {  	s1 =	sadd.s32 $0x13FCE00, s0;
	s6 =	sadd.s32 $0x7C7E00, s0;
	[tilespmem:s3+$0x20] =	vst v0  }
0x6: {  	s2 =	sadd.s32 $0x18800, s0;
	s7 =	sand.u32 $0x1, s4;
	s4 =	simm.s32 $0x40;
	[tilespmem:s3+$0x10] =	vst v0  }
.LBB2_1:
0x7: {  	s4 =	sadd.s32 $0x40, s4  }
0x8: {  	[tilespmem:s3+$0x0] =	vst v0;
	s3 =	sadd.s32 $0x40, s3;
	p0 =	slt.u32 s4, $0x5040  }
.Ltmp0:
0x9: {  	(pc) =	sbr.rel @p0 .LBB2_1-.Ltmp0, $4  }
0xa: {  	_ = 	snop  }
0xb: {  	[tilespmem:s3+$0x30] =	vst v0  }
0xc: {  	[tilespmem:s3+$0x20] =	vst v0  }
0xd: {  	[tilespmem:s3+$0x10] =	vst v0  }
0xe: {  	s8 =	stileid.u32  }
0xf: {  	s4 =	smul.u32 $0x4E, s8  }
0x10: {  	s5 =	smin.u32 s8, $0x2  }
0x11: {  	s4 =	sadd.s32 s5, s4  }
0x12: {  	p0 =	slt.u32 s8, $0x2;
	s12 =	smul.u32 $0x140, s4;
	s4 =	simm.s32 $0x62C0  }
0x13: {  	s4 =	simm.s32 @!p0 $0x6180  }
0x14: {  	s25 =	simm.s32 $0x2;
	s4 =	sadd.s32 s4, s12  }
0x15: {  	s28 =	simm.s32 $0x9;
	s9 =	simm.s32 $0xA;
	s14 =	smin.u32 s4, $0x61A80  }
0x16: {  	s30 =	simm.s32 $0xB;
	[dreg:$0x4] =	wrdreg s7;
	s4 =	ssub.s32 s14, s12  }
0x17: {  	s31 =	smul.u32 $0xC350, s7;
	s13 =	simm.s32 $0x1;
	p0 =	sgt.s32 s4, $0x0  }
0x18: {  	s19 =	simm.s32 $0x0;
	s20 =	simm.s32 $0xA808;
	s4 =	simm.s32 @!p0 $0x0  }
0x19: {  	s21 =	simm.s32 $0xFFFFFFFF;
	p1 =	por $0x0, $0x0;
	s26 =	smulhi.u32 $0x66666667, s4  }
0x1a: {  	[tilespmem:s3+$0x0] =	vst v0;
	s23 =	simm.s32 $0x0;
	[sflag:s25] =	ssyncpa.u1 $0x0;
	s18 =	sshll.u32 s8, $0x7  }
0x1b: {  	s0 =	sadd.s32 s31, s0;
	[dreg:$0xa] =	wrdreg s18;
	s3 =	sshrl.u32 s26, $0x7  }
0x1c: {  	v0 =	vimm.s32 $0xFFFFFFFF;
	s17 =	sadd.s32 s31, s2;
	[dreg:$0x9] =	wrdreg s0;
	s29 =	smul.u32 $0x140, s3  }
0x1d: {  	s25 =	simm.s32 $0x0;
	[tilespmem:$0xA108] =	vst v0;
	[sflag:s28] =	ssyncpa.u1 $0x0;
	[dreg:$0x8] =	wrdreg s17  }
.Ltmp1:
0x1e: {  	p0 =	sne.s32 s4, s29;
	s4 =	simm.s32 $0x1;
	(pc) =	sbr.rel .LBB2_3-.Ltmp1, $4  }
0x1f: {  	[sflag:s9] =	ssyncpa.u1 $0x0;
	[dreg:$0x5] =	wrdreg s12;
	s4 =	simm.s32 @!p0 $0x0  }
0x20: {  	[sflag:s30] =	ssyncpa.u1 $0x0;
	[dreg:$0x6] =	wrdreg s14;
	s15 =	sadd.s32 s4, s3  }
0x21: {  	s24 =	smov.u32 s12;
	s22 =	sadd.s32 $0x1, s15;
	[dreg:$0x7] =	wrdreg s15  }
0x22: {  	v0 =	vlaneseq.u32;
	s26 =	simm.s32 $0x0;
	p0 =	por $0x1, $0x1;
	[dreg:$0xb] =	wrdreg s22  }
.LBB2_22:
0x23: {  	s0 =	sshrl.u32 s3, $0x2  }
.LBB2_24:
0x24: {  	s3 =	simm.s32 $0xC  }
0x25: {  	_ =	swait.ge [sflag:s3], s0  }
0x26: {  	s31 =	ssub.s32 $0x0, s0;
	v1 =	vmov s4;
	vm0 =	veq.s32 v0, $0x0;
	[sflag:s3] =	ssyncset.done $0x0  }
0x27: {  	vm15 =	veq.s32 v0, $0x2;
	v1 =	vsel vm0, s2, v1;
	[sflag:s3] =	ssyncadd.s32 s31  }
0x28: {  	v1 =	vsel vm15, s26, v1;
	[sflag:s3] =	ssyncpa.u1 $0x1  }
0x29: {  	[tilespmem:$0xA108] =	vst v1  }
.LBB2_25:
0x2a: {  	s0 =	sadd.s32 $0x140, s24  }
0x2b: {  	s2 =	smov.u32 s12;
	p2 =	slt.s32 s0, s14  }
0x2c: {  	s2 =	smov.u32 @p2 s0;
	p2 =	sne.s32 s25, s22  }
.Ltmp2:
0x2d: {  	_ = 	snop;
	(pc) =	sbr.rel @!p2 .LBB2_26-.Ltmp2, $4  }
0x2e: {  	_ = 	snop  }
0x2f: {  	s26 =	smov.u32 s23;
	s31 =	sadd.s32 $0x1, s25;
	p0 =	por !p0, !p0  }
0x30: {  	s23 =	smov.u32 s24;
	s20 =	sadd.s32 $0x140, s20;
	s21 =	sadd.s32 $0x1, s21  }
0x31: {  	p1 =	por !p1, !p1;
	s25 =	smov.u32 s31;
	s24 =	smov.u32 s2  }
.LBB2_3:
0x32: {  	p2 =	sge.u32 s25, s15  }
0x33: {  	s0 =	smulhi.u32 @!p2 $0xAAAAAAAB, s25  }
0x34: {  	s2 =	smov.u32 s24;
	p3 =	sgt.s32 @!p2 s24, $0x61940  }
0x35: {  	s3 =	sshra.s32 @!p2 s24, $0x1F;
	p3 =	por !p3, p2;
	s0 =	sshrl.u32 @!p2 s0, $0x1  }
0x36: {  	s3 =	sand.u32 @!p2 s3, s24;
	s2 =	simm.s32 @p3 $0x61940;
	s0 =	smul.u32 @!p2 $0x3, s0  }
0x37: {  	s2 =	ssub.s32 @!p2 s2, s3  }
0x38: {  	s2 =	sadd.s32 @!p2 $0xFFF9E6C0, s2;
	s0 =	ssub.s32 @!p2 s25, s0  }
0x39: {  	s3 =	sshll.u32 @!p2 s2, $0x2;
	p3 =	sgt.s32 @!p2 s2, $0x13F;
	s0 =	smul.u32 @!p2 $0x500, s0  }
0x3a: {  	s4 =	sand.u32 @!p2 $0x7, s24;
	s2 =	ssub.s32 @!p2 $0x500, s3;
	p3 =	por !p3, p2  }
0x3b: {  	s3 =	sshrl.u32 @!p2 s24, $0x3;
	s2 =	sshrl.u32 @!p2 s2, $0x2;
	s0 =	sshrl.u32 @!p2 s0, $0x2  }
0x3c: {  	s3 =	sadd.s32 @!p2 s3, s17;
	s2 =	simm.s32 @!p3 $0x0;
	s0 =	sadd.s32 @!p2 $0xA948, s0  }
0x3d: {  	[tilespmem:s0], [sflag:$0xA] =	stream.linear.gather @!p2 [hbm4b:s3+s4], s2, $0x38;
	[tilespmem:$0x1EF88] =	vst v63  }
0x3e: {  	s0 =	sadd.s32 $0xFFFFFFFF, s25  }
0x3f: {  	p2 =	sge.u32 s0, s15  }
.Ltmp3:
0x40: {  	_ = 	snop;
	(pc) =	sbr.rel @p2 .LBB2_7-.Ltmp3, $1  }
0x41: {  	_ =	sdelay $0x3  }
0x42: {  	p2 =	sgt.s32 s23, $0x61940;
	s2 =	smov.u32 s23;
	s3 =	sshra.s32 s23, $0x1F  }
0x43: {  	s2 =	simm.s32 @!p2 $0x61940;
	s3 =	sand.u32 s3, s23  }
0x44: {  	s17 =	smulhi.u32 $0xAAAAAAAB, s21;
	s2 =	ssub.s32 s2, s3  }
0x45: {  	s0 =	sand.u32 $0x1, s0;
	s2 =	sadd.s32 $0xFFF9E6C0, s2  }
0x46: {  	s5 =	simm.s32 $0xA;
	s3 =	sshrl.u32 s17, $0x1;
	s4 =	sshll.u32 s2, $0x2  }
0x47: {  	s7 =	sshrl.u32 s23, $0x3;
	s3 =	smul.u32 $0xFFFFF100, s3;
	s4 =	ssub.s32 $0x500, s4  }
0x48: {  	s18 =	smul.u32 $0x500, s0;
	p2 =	sgt.s32 s2, $0x13F;
	s2 =	sshrl.u32 s4, $0x2  }
0x49: {  	s9 =	sand.u32 $0x7, s23;
	s3 =	sshra.s32 s3, $0x2;
	s2 =	simm.s32 @p2 $0x0  }
0x4a: {  	s0 =	sadd.s32 s3, s20;
	s4 =	sshrl.u32 s18, $0x2;
	_ =	swait.ge [sflag:s5], s2  }
0x4b: {  	s22 =	ssub.s32 $0x0, s2;
	[sflag:s5] =	ssyncset.done $0x0;
	s8 =	rddreg [dreg:$0x9]  }
0x4c: {  	s4 =	sadd.s32 $0xAD08, s4;
	[sflag:s5] =	ssyncadd.s32 s22;
	s3 =	sadd.s32 s7, s8  }
0x4d: {  	[tilespmem:s4], [sflag:$0xB] =	stream.linear.gather [hbm4b:s3+s9], s2, $0x38;
	[tilespmem:$0x1EF88] =	vst v63  }
0x4e: {  	v1 =	vld.msk [tilespmem:s0+$0x0], $0xffff;
	_ =	sdelay $0x4  }
0x4f: {  	v1 =	vshll.u32 v1, $0x4  }
0x50: {  	(v2sf) =	vpush v1, $0x0  }
0x51: {  	(v2sf) =	vpush v1, $0x1  }
0x52: {  	(v2sf) =	vpush v1, $0x2;
	_ =	sdelay $0x3  }
0x53: {  	(v2sf) =	vpush v1, $0x3;
	_ =	sdelay $0x1  }
0x54: {  	(v2sf) =	vpush v1, $0x4  }
0x55: {  	s2 =	simm.s32 $0x1;
	(v2sf) =	vpush v1, $0x5  }
0x56: {  	s2 =	simm.s32 @!p0 $0x0  }
0x57: {  	s2 =	smul.u32 $0x28000, s2;
	(v2sf) =	vpush v1, $0x6;
	_ =	sdelay $0x1  }
0x58: {  	s2 =	sshrl.u32 s2, $0x2  }
0x59: {  	s28 =	sadd.s32 $0xB708, s2  }
0x5a: {  	s12 =	sadd.s32 $0xFFFFF880, s28;
	s17 =	sadd.s32 $0xFFFFF900, s28;
	s10 =	spop (v2sf);
	(v2sf) =	vpush v1, $0x7  }
0x5b: {  	s18 =	sadd.s32 $0xFFFFF980, s28;
	s11 =	sand.u32 $0x1FFFFFF0, s10;
	s14 =	spop (v2sf)  }
0x5c: {  	(v2sf) =	vpush v1, $0x8;
	s2 =	sadd.s32 s6, s11;
	s15 =	sand.u32 $0x1FFFFFF0, s14;
	s16 =	spop (v2sf)  }
0x5d: {  	[tilespmem:s12], [sflag:$0x9] =	stream.linear.gather [hbm4b:s2+s19], $0x40, $0x38;
	[tilespmem:$0x1EF88] =	vst v63  }
0x5e: {  	s5 =	sadd.s32 $0xFFFFFA00, s28;
	s2 =	sadd.s32 s6, s15;
	s3 =	sand.u32 $0x1FFFFFF0, s16  }
0x5f: {  	(v2sf) =	vpush v1, $0x9;
	[tilespmem:s17], [sflag:$0x9] =	stream.linear.gather [hbm4b:s2+s19], $0x40, $0x38;
	[tilespmem:$0x1EF88] =	vst v63  }
0x60: {  	s7 =	sadd.s32 $0xFFFFFA80, s28;
	s22 =	spop (v2sf);
	s3 =	sadd.s32 s6, s3  }
0x61: {  	(v2sf) =	vpush v1, $0xA;
	[tilespmem:s18], [sflag:$0x9] =	stream.linear.gather [hbm4b:s3+s19], $0x40, $0x38;
	[tilespmem:$0x1EF88] =	vst v63  }
0x62: {  	s11 =	sadd.s32 $0xFFFFFB00, s28;
	s4 =	spop (v2sf);
	(v2sf) =	vpush v1, $0xB;
	s3 =	sand.u32 $0x1FFFFFF0, s22  }
0x63: {  	s8 =	spop (v2sf);
	s2 =	sadd.s32 s6, s3;
	s3 =	sand.u32 $0x1FFFFFF0, s4  }
0x64: {  	(v2sf) =	vpush v1, $0xC;
	[tilespmem:s5], [sflag:$0x9] =	stream.linear.gather [hbm4b:s2+s19], $0x40, $0x38;
	[tilespmem:$0x1EF88] =	vst v63  }
0x65: {  	s9 =	sand.u32 $0x1FFFFFF0, s8;
	s10 =	spop (v2sf);
	s3 =	sadd.s32 s6, s3  }
0x66: {  	(v2sf) =	vpush v1, $0xD;
	[tilespmem:s7], [sflag:$0x9] =	stream.linear.gather [hbm4b:s3+s19], $0x40, $0x38;
	[tilespmem:$0x1EF88] =	vst v63  }
0x67: {  	s12 =	sadd.s32 $0xFFFFFB80, s28;
	s2 =	sadd.s32 s6, s9;
	s3 =	sand.u32 $0x1FFFFFF0, s10  }
0x68: {  	[tilespmem:s11], [sflag:$0x9] =	stream.linear.gather [hbm4b:s2+s19], $0x40, $0x38;
	[tilespmem:$0x1EF88] =	vst v63  }
0x69: {  	s17 =	sadd.s32 $0xFFFFFC00, s28;
	s3 =	sadd.s32 s6, s3;
	s14 =	spop (v2sf)  }
0x6a: {  	[tilespmem:s12], [sflag:$0x9] =	stream.linear.gather [hbm4b:s3+s19], $0x40, $0x38;
	(v2sf) =	vpush v1, $0xE;
	[tilespmem:$0x1EF88] =	vst v63  }
0x6b: {  	s18 =	sadd.s32 $0xFFFFFC80, s28;
	s15 =	sand.u32 $0x1FFFFFF0, s14;
	s16 =	spop (v2sf)  }
0x6c: {  	s5 =	sadd.s32 $0xFFFFFD00, s28;
	(v2sf) =	vpush v1, $0xF;
	s2 =	sadd.s32 s6, s15;
	s3 =	sand.u32 $0x1FFFFFF0, s16  }
0x6d: {  	[tilespmem:s17], [sflag:$0x9] =	stream.linear.gather [hbm4b:s2+s19], $0x40, $0x38;
	[tilespmem:$0x1EF88] =	vst v63  }
0x6e: {  	s7 =	sadd.s32 $0xFFFFFD80, s28;
	s22 =	spop (v2sf);
	s3 =	sadd.s32 s6, s3  }
0x6f: {  	[tilespmem:s18], [sflag:$0x9] =	stream.linear.gather [hbm4b:s3+s19], $0x40, $0x38;
	[tilespmem:$0x1EF88] =	vst v63  }
0x70: {  	s11 =	sadd.s32 $0xFFFFFE00, s28;
	s4 =	spop (v2sf);
	s3 =	sand.u32 $0x1FFFFFF0, s22  }
0x71: {  	s8 =	spop (v2sf);
	s2 =	sadd.s32 s6, s3;
	s3 =	sand.u32 $0x1FFFFFF0, s4  }
0x72: {  	[tilespmem:s5], [sflag:$0x9] =	stream.linear.gather [hbm4b:s2+s19], $0x40, $0x38;
	[tilespmem:$0x1EF88] =	vst v63  }
0x73: {  	s9 =	sand.u32 $0x1FFFFFF0, s8;
	s10 =	spop (v2sf);
	s3 =	sadd.s32 s6, s3  }
0x74: {  	[tilespmem:s7], [sflag:$0x9] =	stream.linear.gather [hbm4b:s3+s19], $0x40, $0x38;
	[tilespmem:$0x1EF88] =	vst v63  }
0x75: {  	s14 =	spop (v2sf);
	s2 =	sadd.s32 s6, s9;
	s3 =	sand.u32 $0x1FFFFFF0, s10  }
0x76: {  	[tilespmem:s11], [sflag:$0x9] =	stream.linear.gather [hbm4b:s2+s19], $0x40, $0x38;
	[tilespmem:$0x1EF88] =	vst v63  }
0x77: {  	s12 =	sadd.s32 $0xFFFFFE80, s28;
	s15 =	sand.u32 $0x1FFFFFF0, s14;
	s3 =	sadd.s32 s6, s3  }
0x78: {  	[tilespmem:s12], [sflag:$0x9] =	stream.linear.gather [hbm4b:s3+s19], $0x40, $0x38;
	[tilespmem:$0x1EF88] =	vst v63  }
0x79: {  	s17 =	sadd.s32 $0xFFFFFF00, s28;
	s2 =	sadd.s32 s6, s15;
	s16 =	spop (v2sf)  }
0x7a: {  	[tilespmem:s17], [sflag:$0x9] =	stream.linear.gather [hbm4b:s2+s19], $0x40, $0x38;
	[tilespmem:$0x1EF88] =	vst v63  }
0x7b: {  	s29 =	simm.s32 $0x0;
	s3 =	sand.u32 $0x1FFFFFF0, s16;
	s18 =	spop (v2sf)  }
0x7c: {  	s22 =	sadd.s32 $0xFFFFFF80, s28;
	s3 =	sadd.s32 s6, s3;
	s2 =	sand.u32 $0x1FFFFFF0, s18  }
0x7d: {  	[tilespmem:s22], [sflag:$0x9] =	stream.linear.gather [hbm4b:s3+s19], $0x40, $0x38;
	[tilespmem:$0x1EF88] =	vst v63  }
0x7e: {  	s31 =	sadd.s32 $0x10, s0;
	s30 =	sadd.s32 $0x800, s28;
	s2 =	sadd.s32 s6, s2  }
.LBB2_5:
0x7f: {  	[tilespmem:s28], [sflag:$0x9] =	stream.linear.gather [hbm4b:s2+s19], $0x40, $0x38;
	[tilespmem:$0x1EF88] =	vst v63  }
0x80: {  	s29 =	sadd.s32 $0x10, s29;
	s28 =	smov.u32 s30  }
0x81: {  	p2 =	slt.u32 s29, $0x130;
	v1 =	vld.msk [tilespmem:s31+$0x0], $0xffff;
	_ =	sdelay $0x4  }
0x82: {  	v1 =	vshll.u32 v1, $0x4  }
0x83: {  	(v2sf) =	vpush v1, $0x0  }
0x84: {  	(v2sf) =	vpush v1, $0x1  }
0x85: {  	(v2sf) =	vpush v1, $0x2;
	_ =	sdelay $0x1  }
0x86: {  	(v2sf) =	vpush v1, $0x3;
	_ =	sdelay $0x1  }
0x87: {  	(v2sf) =	vpush v1, $0x4;
	_ =	sdelay $0x1  }
0x88: {  	(v2sf) =	vpush v1, $0x5;
	_ =	sdelay $0x1  }
0x89: {  	(v2sf) =	vpush v1, $0x6  }
0x8a: {  	s4 =	sadd.s32 $0xFFFFFE80, s30;
	s0 =	sadd.s32 $0xFFFFFF00, s30  }
0x8b: {  	s3 =	sadd.s32 $0xFFFFFD00, s30;
	s2 =	sadd.s32 $0xFFFFFD80, s30;
	s5 =	sadd.s32 $0xFFFFFE00, s30;
	(v2sf) =	vpush v1, $0x7  }
0x8c: {  	s10 =	sadd.s32 $0xFFFFFB80, s30;
	s9 =	sadd.s32 $0xFFFFFC00, s30;
	s16 =	sadd.s32 $0xFFFFFC80, s30  }
0x8d: {  	s11 =	sadd.s32 $0xFFFFFA00, s30;
	s12 =	sadd.s32 $0xFFFFFA80, s30;
	s15 =	sadd.s32 $0xFFFFFB00, s30;
	(v2sf) =	vpush v1, $0x8  }
0x8e: {  	s18 =	sadd.s32 $0xFFFFF900, s30;
	s7 =	sadd.s32 $0xFFFFF980, s30;
	s22 =	spop (v2sf)  }
0x8f: {  	s8 =	sadd.s32 $0xFFFFF880, s30;
	s22 =	sand.u32 $0x1FFFFFF0, s22;
	s14 =	spop (v2sf);
	(v2sf) =	vpush v1, $0x9  }
0x90: {  	s22 =	sadd.s32 s6, s22;
	s14 =	sand.u32 $0x1FFFFFF0, s14;
	s17 =	spop (v2sf)  }
0x91: {  	[tilespmem:s8], [sflag:$0x9] =	stream.linear.gather [hbm4b:s22+s19], $0x40, $0x38;
	(v2sf) =	vpush v1, $0xA;
	[tilespmem:$0x1EF88] =	vst v63  }
0x92: {  	s8 =	sadd.s32 s6, s14;
	s14 =	sand.u32 $0x1FFFFFF0, s17;
	s17 =	spop (v2sf)  }
0x93: {  	[tilespmem:s18], [sflag:$0x9] =	stream.linear.gather [hbm4b:s8+s19], $0x40, $0x38;
	(v2sf) =	vpush v1, $0xB;
	[tilespmem:$0x1EF88] =	vst v63  }
0x94: {  	s8 =	sadd.s32 s6, s14;
	s14 =	sand.u32 $0x1FFFFFF0, s17;
	s17 =	spop (v2sf)  }
0x95: {  	[tilespmem:s7], [sflag:$0x9] =	stream.linear.gather [hbm4b:s8+s19], $0x40, $0x38;
	(v2sf) =	vpush v1, $0xC;
	[tilespmem:$0x1EF88] =	vst v63  }
0x96: {  	s7 =	sadd.s32 s6, s14;
	s8 =	sand.u32 $0x1FFFFFF0, s17;
	s14 =	spop (v2sf)  }
0x97: {  	[tilespmem:s11], [sflag:$0x9] =	stream.linear.gather [hbm4b:s7+s19], $0x40, $0x38;
	(v2sf) =	vpush v1, $0xD;
	[tilespmem:$0x1EF88] =	vst v63  }
0x98: {  	s7 =	sadd.s32 s6, s8;
	s8 =	sand.u32 $0x1FFFFFF0, s14;
	s11 =	spop (v2sf)  }
0x99: {  	[tilespmem:s12], [sflag:$0x9] =	stream.linear.gather [hbm4b:s7+s19], $0x40, $0x38;
	(v2sf) =	vpush v1, $0xE;
	[tilespmem:$0x1EF88] =	vst v63  }
0x9a: {  	s7 =	sadd.s32 s6, s8;
	s8 =	sand.u32 $0x1FFFFFF0, s11;
	s11 =	spop (v2sf)  }
0x9b: {  	[tilespmem:s15], [sflag:$0x9] =	stream.linear.gather [hbm4b:s7+s19], $0x40, $0x38;
	(v2sf) =	vpush v1, $0xF;
	[tilespmem:$0x1EF88] =	vst v63  }
0x9c: {  	s7 =	sadd.s32 s6, s8;
	s8 =	sand.u32 $0x1FFFFFF0, s11;
	s11 =	spop (v2sf)  }
0x9d: {  	[tilespmem:s10], [sflag:$0x9] =	stream.linear.gather [hbm4b:s7+s19], $0x40, $0x38;
	[tilespmem:$0x1EF88] =	vst v63  }
0x9e: {  	s7 =	sadd.s32 s6, s8;
	s8 =	sand.u32 $0x1FFFFFF0, s11;
	s10 =	spop (v2sf)  }
0x9f: {  	[tilespmem:s9], [sflag:$0x9] =	stream.linear.gather [hbm4b:s7+s19], $0x40, $0x38;
	[tilespmem:$0x1EF88] =	vst v63  }
0xa0: {  	s7 =	sadd.s32 s6, s8;
	s8 =	sand.u32 $0x1FFFFFF0, s10;
	s9 =	spop (v2sf)  }
0xa1: {  	[tilespmem:s16], [sflag:$0x9] =	stream.linear.gather [hbm4b:s7+s19], $0x40, $0x38;
	[tilespmem:$0x1EF88] =	vst v63  }
0xa2: {  	s7 =	sadd.s32 s6, s8;
	s8 =	sand.u32 $0x1FFFFFF0, s9;
	s9 =	spop (v2sf)  }
0xa3: {  	[tilespmem:s3], [sflag:$0x9] =	stream.linear.gather [hbm4b:s7+s19], $0x40, $0x38;
	[tilespmem:$0x1EF88] =	vst v63  }
0xa4: {  	s3 =	sadd.s32 s6, s8;
	s7 =	sand.u32 $0x1FFFFFF0, s9;
	s8 =	spop (v2sf)  }
0xa5: {  	[tilespmem:s2], [sflag:$0x9] =	stream.linear.gather [hbm4b:s3+s19], $0x40, $0x38;
	[tilespmem:$0x1EF88] =	vst v63  }
0xa6: {  	s2 =	sadd.s32 s6, s7;
	s3 =	sand.u32 $0x1FFFFFF0, s8;
	s7 =	spop (v2sf)  }
0xa7: {  	[tilespmem:s5], [sflag:$0x9] =	stream.linear.gather [hbm4b:s2+s19], $0x40, $0x38;
	[tilespmem:$0x1EF88] =	vst v63  }
0xa8: {  	s2 =	sadd.s32 s6, s3;
	s3 =	sand.u32 $0x1FFFFFF0, s7;
	s5 =	spop (v2sf)  }
0xa9: {  	[tilespmem:s4], [sflag:$0x9] =	stream.linear.gather [hbm4b:s2+s19], $0x40, $0x38;
	[tilespmem:$0x1EF88] =	vst v63  }
0xaa: {  	s2 =	sadd.s32 s6, s3  }
.Ltmp4:
0xab: {  	s3 =	sand.u32 $0x1FFFFFF0, s5;
	s4 =	spop (v2sf);
	(pc) =	sbr.rel @p2 .LBB2_5-.Ltmp4, $4  }
0xac: {  	[tilespmem:s0], [sflag:$0x9] =	stream.linear.gather [hbm4b:s2+s19], $0x40, $0x38;
	[tilespmem:$0x1EF88] =	vst v63  }
0xad: {  	s0 =	sadd.s32 s6, s3;
	s2 =	sadd.s32 $0xFFFFFF80, s30;
	s3 =	sand.u32 $0x1FFFFFF0, s4  }
0xae: {  	[tilespmem:s2], [sflag:$0x9] =	stream.linear.gather [hbm4b:s0+s19], $0x40, $0x38;
	[tilespmem:$0x1EF88] =	vst v63  }
0xaf: {  	s31 =	sadd.s32 $0x10, s31;
	s30 =	sadd.s32 $0x800, s30;
	s2 =	sadd.s32 s6, s3  }
0xb0: {  	[tilespmem:s28], [sflag:$0x9] =	stream.linear.gather [hbm4b:s2+s19], $0x40, $0x38;
	[tilespmem:$0x1EF88] =	vst v63  }
0xb1: {  	s12 =	rddreg [dreg:$0x5]  }
0xb2: {  	s14 =	rddreg [dreg:$0x6]  }
0xb3: {  	s15 =	rddreg [dreg:$0x7]  }
0xb4: {  	s17 =	rddreg [dreg:$0x8]  }
0xb5: {  	s18 =	rddreg [dreg:$0xa]  }
0xb6: {  	s22 =	rddreg [dreg:$0xb]  }
.LBB2_7:
0xb7: {  	p2 =	slt.u32 s25, $0x2  }
.Ltmp5:
0xb8: {  	_ = 	snop;
	(pc) =	sbr.rel @p2 .LBB2_25-.Ltmp5, $1  }
0xb9: {  	_ =	sdelay $0x3  }
0xba: {  	p2 =	sgt.s32 s26, $0x61940;
	s0 =	smov.u32 s26;
	s2 =	sshra.s32 s26, $0x1F  }
0xbb: {  	s0 =	simm.s32 @!p2 $0x61940;
	s2 =	sand.u32 s2, s26  }
0xbc: {  	s0 =	ssub.s32 s0, s2  }
0xbd: {  	s0 =	sadd.s32 $0xFFF9E6C0, s0  }
0xbe: {  	s3 =	simm.s32 $0x9;
	s29 =	sshll.u32 s0, $0x2  }
0xbf: {  	_ =	swait.ge [sflag:s3], $0x5000;
	s2 =	ssub.s32 $0x500, s29  }
0xc0: {  	[sflag:s3] =	ssyncset.done $0x0;
	p2 =	sgt.s32 s0, $0x13F;
	s0 =	sshrl.u32 s2, $0x2  }
0xc1: {  	s30 =	simm.s32 $0xB;
	[sflag:s3] =	ssyncadd.s32 $0xFFFFB000;
	s0 =	simm.s32 @p2 $0x0  }
0xc2: {  	_ =	swait.ge [sflag:s30], s0  }
0xc3: {  	s0 =	ssub.s32 $0x0, s0;
	[sflag:s30] =	ssyncset.done $0x0  }
0xc4: {  	[sflag:s30] =	ssyncadd.s32 s0  }
0xc5: {  	v1 =	vld [tilespmem:$0xA108];
	_ =	sdelay $0x4  }
0xc6: {  	(v2sf) =	vpush v1, $0x0  }
0xc7: {  	(v2sf) =	vpush v1, $0x1  }
0xc8: {  	(v2sf) =	vpush v1, $0x2;
	_ =	sdelay $0x3  }
0xc9: {  	s0 =	sadd.s32 $0x140, s26  }
0xca: {  	s4 =	ssub.s32 $0xC3500, s26;
	p2 =	slt.s32 s14, s0  }
0xcb: {  	s0 =	smov.u32 @p2 s14;
	p2 =	sgt.s32 s4, $0x0  }
0xcc: {  	s0 =	ssub.s32 s0, s26;
	s4 =	simm.s32 @!p2 $0x0  }
0xcd: {  	p2 =	slt.s32 s4, s0  }
0xce: {  	s0 =	smov.u32 @p2 s4  }
0xcf: {  	s2 =	simm.s32 $0x1;
	p2 =	slt.s32 s0, $0x1  }
.Ltmp6:
0xd0: {  	s2 =	simm.s32 @!p1 $0x0;
	(pc) =	sbr.rel @p2 .LBB2_12-.Ltmp6, $4  }
0xd1: {  	s7 =	smul.u32 $0x500, s2  }
0xd2: {  	s3 =	spop (v2sf)  }
0xd3: {  	s31 =	sshrl.u32 s7, $0x2;
	s5 =	spop (v2sf)  }
0xd4: {  	s28 =	sadd.s32 $0xAD08, s31;
	s26 =	spop (v2sf)  }
0xd5: {  	s4 =	smin.u32 s0, $0x10  }
0xd6: {  	v1 =	vmov s4  }
0xd7: {  	p3 =	sgt.s32 s0, $0x10;
	vm1 =	vgt.u32 v1, v0  }
.Ltmp7:
0xd8: {  	_ = 	snop;
	(pc) =	sbr.rel @!p3 .LBB2_11-.Ltmp7, $2  }
0xd9: {  	_ =	sdelay $0x2  }
0xda: {  	s9 =	simm.s32 $0x10;
	s10 =	sadd.s32 $0xFFFFFFF0, s0;
	s4 =	smov.u32 s28;
	vm0 =	vmmov vm1  }
.LBB2_10:
0xdb: {  	s7 =	smin.u32 s10, $0x10;
	s9 =	sadd.s32 $0x10, s9;
	v1 =	vld.msk [tilespmem:s4+$0x0 ss:$0x1], vm1  }
0xdc: {  	v2 =	vmov s7;
	p3 =	slt.s32 s9, s0  }
0xdd: {  	vm1 =	vgt.u32 v2, v0  }
.Ltmp8:
0xde: {  	(pc) =	sbr.rel @p3 .LBB2_10-.Ltmp8, $3  }
0xdf: {  	_ =	sdelay $0x1  }
0xe0: {  	v1 =	vshll.u32 v1, $0x4  }
0xe1: {  	s10 =	sadd.s32 $0xFFFFFFF0, s10;
	[tilespmem:s4+$0x0] =	vst.msk vm0, v1;
	s4 =	sadd.s32 $0x10, s4;
	vm0 =	vmmov vm1  }
.LBB2_11:
0xe2: {  	_ =	sdelay $0x4  }
0xe3: {  	v1 =	vld.msk [tilespmem:s4+$0x0 ss:$0x1], vm1;
	_ =	sdelay $0x4  }
0xe4: {  	v1 =	vshll.u32 v1, $0x4  }
0xe5: {  	[tilespmem:s4+$0x0] =	vst.msk vm0, v1  }
.LBB2_12:
0xe6: {  	s4 =	sand.u32 $0x1, s25  }
0xe7: {  	s4 =	smul.u32 $0x140, s4  }
0xe8: {  	p3 =	sne.s32 s5, $0xFFFFFFFF  }
0xe9: {  	v1 =	vld.msk @!p3 [tilespmem:s4+$0xAD08], $0x1;
	_ =	sdelay $0x4  }
0xea: {  	(v2sf) =	vpush @!p3 v1, $0x0;
	_ =	sdelay $0xc  }
.Ltmp9:
0xeb: {  	_ = 	snop;
	(pc) =	sbr.rel @p2 .LBB2_23-.Ltmp9, $4  }
0xec: {  	_ = 	snop  }
0xed: {  	s29 =	spop @!p3 (v2sf)  }
0xee: {  	s31 =	simm.s32 $0xC;
	s26 =	simm.s32 @!p3 $0x0;
	s4 =	smov.u32 s29  }
0xef: {  	[sflag:s31] =	ssyncpa.u1 $0x0;
	s29 =	smov.u32 @p3 s3;
	s4 =	smov.u32 @p3 s5  }
0xf0: {  	v1 =	vld.msk [tilespmem:s28+$0x0], $0x1;
	_ =	sdelay $0x4  }
0xf1: {  	(v2sf) =	vpush v1, $0x0;
	_ =	sdelay $0xe  }
0xf2: {  	s2 =	smul.u32 $0x28000, s2;
	s5 =	spop (v2sf)  }
0xf3: {  	s31 =	ssub.s32 $0x0, s0;
	p2 =	seq.s32 s29, s5  }
0xf4: {  	s3 =	smov.u32 s29;
	s2 =	sshrl.u32 s2, $0x2;
	p3 =	sgt.s32 @!p2 s29, $0x0  }
0xf5: {  	s30 =	sadd.s32 $0xAFA8, s2;
	s2 =	sadd.s32 $0x1, s31;
	p3 =	por !p3, p2  }
0xf6: {  	s3 =	simm.s32 @p3 $0x0;
	p3 =	seq.s32 s2, $0x0  }
.Ltmp10:
0xf7: {  	_ = 	snop;
	(pc) =	sbr.rel @p3 .LBB2_15-.Ltmp10, $4  }
0xf8: {  	_ = 	snop  }
0xf9: {  	s0 =	simm.s32 $0x0;
	s9 =	simm.s32 @!p2 $0x1;
	s3 =	smin.u32 @!p2 s3, $0xC34FF8  }
0xfa: {  	s10 =	simm.s32 @!p2 $0x50C8;
	s9 =	smov.u32 @p2 s0;
	s7 =	sand.u32 @!p2 $0xFFFFF8, s3  }
0xfb: {  	s16 =	sand.u32 @!p2 $0x7, s3;
	s3 =	sadd.s32 $0x1, s28;
	s11 =	sadd.s32 @!p2 s1, s7  }
.LBB2_14:
0xfc: {  	s7 =	smov.u32 s9  }
0xfd: {  	[tilespmem:s10], [sflag:$0x2] =	stream.linear.gather @!p2 [hbm4b:s11+s16], $0x40, $0x38;
	[tilespmem:$0x1EF88] =	vst v63  }
0xfe: {  	s2 =	sadd.s32 $0x1, s2;
	s8 =	smov.u32 s5;
	v1 =	vld.msk [tilespmem:s3+$0x0], $0x1  }
0xff: {  	p3 =	seq.s32 s2, $0x0;
	_ =	sdelay $0x3  }
0x100: {  	(v2sf) =	vpush v1, $0x0;
	_ =	sdelay $0xe  }
0x101: {  	s5 =	spop (v2sf)  }
0x102: {  	p2 =	seq.s32 s8, s5  }
0x103: {  	p4 =	sgt.s32 @!p2 s8, $0x0;
	s10 =	sshll.u32 @!p2 s9, $0x8;
	s9 =	sadd.s32 @!p2 $0x1, s9  }
.Ltmp11:
0x104: {  	p4 =	por !p4, p2;
	s10 =	sshra.s32 @!p2 s10, $0x2;
	(pc) =	sbr.rel @!p3 .LBB2_14-.Ltmp11, $4  }
0x105: {  	s9 =	smov.u32 @p2 s7;
	s8 =	simm.s32 @p4 $0x0;
	s10 =	sadd.s32 @!p2 $0x50C8, s10  }
0x106: {  	s7 =	smin.u32 @!p2 s8, $0xC34FF8  }
0x107: {  	s8 =	sand.u32 @!p2 $0xFFFFF8, s7;
	s16 =	sand.u32 @!p2 $0x7, s7  }
0x108: {  	s3 =	sadd.s32 $0x1, s3;
	s11 =	sadd.s32 @!p2 s1, s8  }
.LBB2_15:
0x109: {  	[tilespmem:s10], [sflag:$0x2] =	stream.linear.gather @!p2 [hbm4b:s11+s16], $0x40, $0x38;
	[tilespmem:$0x1EF88] =	vst v63  }
.Ltmp12:
0x10a: {  	s2 =	sshll.u32 s9, $0x6;
	(pc) =	sbr.rel .LBB2_16-.Ltmp12, $4  }
0x10b: {  	s3 =	simm.s32 $0x2;
	s2 =	sand.u32 $0x3FFFFFC0, s2  }
0x10c: {  	_ =	swait.ge [sflag:s3], s2  }
0x10d: {  	s2 =	ssub.s32 $0x0, s2;
	[sflag:s3] =	ssyncset.done $0x0  }
0x10e: {  	[sflag:s3] =	ssyncadd.s32 s2;
	s3 =	simm.s32 $0x0  }
.LBB2_17:
0x10f: {  	v1 =	vld [tilespmem:s30+$0xFFFFFFE0];
	_ =	sdelay $0x4  }
0x110: {  	[tilespmem:s5+$0x88] =	vst.add.f32.msk $0xffff, v1  }
0x111: {  	v1 =	vld [tilespmem:s30+$0xFFFFFFF0];
	_ =	sdelay $0x4  }
0x112: {  	[tilespmem:s5+$0x98] =	vst.add.f32.msk $0xffff, v1  }
0x113: {  	v1 =	vld [tilespmem:s30+$0x0];
	_ =	sdelay $0x4  }
0x114: {  	[tilespmem:s5+$0xA8] =	vst.add.f32.msk $0xffff, v1  }
0x115: {  	v1 =	vld [tilespmem:s30+$0x10];
	_ =	sdelay $0x4  }
0x116: {  	[tilespmem:s5+$0xB8] =	vst.add.f32.msk $0xffff, v1  }
.LBB2_21:
0x117: {  	s31 =	sadd.s32 $0x1, s31  }
0x118: {  	p2 =	seq.s32 s31, $0x0  }
.Ltmp13:
0x119: {  	_ = 	snop;
	(pc) =	sbr.rel @p2 .LBB2_22-.Ltmp13, $2  }
0x11a: {  	_ =	sdelay $0x2  }
0x11b: {  	s30 =	sadd.s32 $0x80, s30;
	s28 =	sadd.s32 $0x1, s28;
	s29 =	smov.u32 s2  }
.LBB2_16:
0x11c: {  	v1 =	vld.msk [tilespmem:s28+$0x0], $0x1;
	_ =	sdelay $0x4  }
0x11d: {  	(v2sf) =	vpush v1, $0x0;
	_ =	sdelay $0xe  }
0x11e: {  	s2 =	spop (v2sf)  }
0x11f: {  	p2 =	sne.s32 s29, s2  }
.Ltmp14:
0x120: {  	_ = 	snop;
	(pc) =	sbr.rel @!p2 .LBB2_17-.Ltmp14, $3  }
0x121: {  	_ =	sdelay $0x1  }
0x122: {  	s5 =	sshll.u32 s26, $0x8  }
0x123: {  	s5 =	sshra.s32 s5, $0x2  }
0x124: {  	p2 =	seq.s32 s29, s4  }
.Ltmp15:
0x125: {  	_ = 	snop;
	(pc) =	sbr.rel @!p2 .LBB2_19-.Ltmp15, $1  }
0x126: {  	_ =	sdelay $0x3  }
.Ltmp16:
0x127: {  	s5 =	sadd.s32 $0x88, s5;
	(pc) =	sbr.rel .LBB2_20-.Ltmp16, $4  }
0x128: {  	[spmem:s18] =	stream.linear.scatter [tilespmem:s5], [sflag:$0x1], $0x40, $0x38;
	[tilespmem:$0x1EF88] =	vst v63  }
0x129: {  	_ =	swait.ge [sflag:s13], $0x40  }
0x12a: {  	[sflag:s13] =	ssyncset.done $0x0  }
0x12b: {  	[sflag:s13] =	ssyncadd.s32 $0xFFFFFFC0  }
.LBB2_19:
0x12c: {  	s7 =	sshll.u32 s0, $0x8  }
0x12d: {  	s7 =	sshra.s32 s7, $0x2  }
0x12e: {  	v1 =	vld [tilespmem:s7+$0x50C8];
	_ =	sdelay $0x4  }
0x12f: {  	[tilespmem:s5+$0x88] =	vst.add.f32.msk $0xffff, v1  }
0x130: {  	v1 =	vld [tilespmem:s7+$0x50D8];
	_ =	sdelay $0x4  }
0x131: {  	[tilespmem:s5+$0x98] =	vst.add.f32.msk $0xffff, v1  }
0x132: {  	v1 =	vld [tilespmem:s7+$0x50E8];
	_ =	sdelay $0x4  }
0x133: {  	[tilespmem:s5+$0xA8] =	vst.add.f32.msk $0xffff, v1  }
0x134: {  	v1 =	vld [tilespmem:s7+$0x50F8];
	_ =	sdelay $0x2  }
0x135: {  	p2 =	sgt.u32 s29, $0xC34FF8  }
0x136: {  	s7 =	sand.u32 @!p2 $0xFFFFF8, s29  }
0x137: {  	s8 =	sadd.s32 $0x88, s5;
	[tilespmem:s5+$0xB8] =	vst.add.f32.msk $0xffff, v1;
	s5 =	sadd.s32 @!p2 s1, s7;
	s7 =	sand.u32 @!p2 $0x7, s29  }
0x138: {  	[hbm4b:s5+s7] =	stream.linear.scatter @!p2 [tilespmem:s8], [sflag:$0xC], $0x40, $0x38;
	[tilespmem:$0x1EF88] =	vst v63  }
0x139: {  	s5 =	simm.s32 $0x0  }
0x13a: {  	s5 =	simm.s32 @!p2 $0x100  }
0x13b: {  	s3 =	sadd.s32 s5, s3  }
.LBB2_20:
0x13c: {  	s5 =	sadd.s32 $0x1, s26  }
0x13d: {  	s7 =	smulhi.u32 $0xCCCCCCCD, s5;
	_ =	sdelay $0x1  }
0x13e: {  	v1 =	vld [tilespmem:s30+$0xFFFFFFE0];
	s7 =	sshrl.u32 s7, $0x8  }
0x13f: {  	s7 =	smul.u32 $0x140, s7;
	_ =	sdelay $0x1  }
0x140: {  	s26 =	ssub.s32 s5, s7  }
0x141: {  	s5 =	sshll.u32 s26, $0x6  }
0x142: {  	[tilespmem:s5+$0x88] =	vst v1  }
0x143: {  	v1 =	vld [tilespmem:s30+$0xFFFFFFF0];
	_ =	sdelay $0x4  }
0x144: {  	[tilespmem:s5+$0x98] =	vst v1  }
0x145: {  	v1 =	vld [tilespmem:s30+$0x0];
	_ =	sdelay $0x4  }
0x146: {  	[tilespmem:s5+$0xA8] =	vst v1  }
0x147: {  	v1 =	vld [tilespmem:s30+$0x10]  }
.Ltmp17:
0x148: {  	_ = 	snop;
	(pc) =	sbr.rel .LBB2_21-.Ltmp17, $2  }
0x149: {  	_ =	sdelay $0x2  }
0x14a: {  	s0 =	sadd.s32 $0x1, s0;
	[tilespmem:s5+$0xB8] =	vst v1  }
.LBB2_23:
.Ltmp18:
0x14b: {  	(pc) =	sbr.rel .LBB2_24-.Ltmp18, $4  }
0x14c: {  	_ = 	snop  }
0x14d: {  	s0 =	simm.s32 $0x2  }
0x14e: {  	_ =	swait.ge [sflag:s0], $0x0  }
0x14f: {  	s2 =	smov.u32 s29;
	[sflag:s0] =	ssyncset.done $0x0;
	s0 =	simm.s32 $0x0  }
.LBB2_26:
0x150: {  	_ =	sfence.sel $0x180000  }
0x151: {  	s0 =	simm.s32 $0x9;
	[bflag:$0x0] =	sbarrier.arrive $0xFFFF  }
0x152: {  	s24 =	simm.s32 $0xA;
	[sflag:s0] =	ssyncpa.u1 $0x1  }
0x153: {  	s25 =	simm.s32 $0xB;
	[sflag:s24] =	ssyncpa.u1 $0x1  }
0x154: {  	s26 =	simm.s32 $0x2;
	[sflag:s25] =	ssyncpa.u1 $0x1  }
0x155: {  	[sflag:s26] =	ssyncpa.u1 $0x1  }
0x156: {  	v0 =	vld [tilespmem:$0xA108];
	_ =	sdelay $0x4  }
0x157: {  	(v2sf) =	vpush v0, $0x0  }
0x158: {  	(v2sf) =	vpush v0, $0x1;
	_ =	sdelay $0x1  }
0x159: {  	(v2sf) =	vpush v0, $0x2;
	_ =	sdelay $0xb  }
0x15a: {  	s0 =	spop (v2sf)  }
0x15b: {  	s2 =	spop (v2sf)  }
0x15c: {  	s3 =	smov.u32 s0;
	p0 =	sne.s32 s0, s2  }
0x15d: {  	s4 =	spop (v2sf);
	s3 =	simm.s32 @!p0 $0xFFFFFFFF  }
0x15e: {  	v2 =	vimm.s32 $0x1;
	v3 =	vlaneseq.u32;
	p0 =	seq.s32 s4, $0xFFFFFFFF;
	v1 =	vmov s3  }
0x15f: {  	s14 =	stileid.u32;
	v0 =	vperm.xlane v0, v2;
	p1 =	sne.s32 @!p0 s0, s2;
	v1 =	vperm.xlane v1, v3  }
0x160: {  	vm0 =	vcmask $0x3F04;
	s6 =	simm.s32 $0xA108;
	s0 =	simm.s32 @!p0 $0x1;
	p1 =	por !p1, p0  }
0x161: {  	s3 =	sshll.u32 s14, $0x1;
	s2 =	sshll.u32 @!p0 s4, $0x8;
	s0 =	simm.s32 @p1 $0x0;
	v0 =	vsel vm0, v1, v0  }
0x162: {  	s5 =	sor.u32 $0x800, s3;
	s2 =	sshra.s32 @!p0 s2, $0x2;
	s0 =	sor.u32 @!p0 s0, s3;
	[tilespmem:$0xA108] =	vst v0  }
0x163: {  	[spmem:s5] =	stream.linear.scatter [tilespmem:s6], [sflag:$0x1], $0x2, $0x38;
	[tilespmem:$0x1EF88] =	vst v63  }
0x164: {  	s2 =	sadd.s32 @!p0 $0x88, s2;
	s0 =	sshll.u32 @!p0 s0, $0x6  }
0x165: {  	[spmem:s0] =	stream.linear.scatter @!p0 [tilespmem:s2], [sflag:$0x1], $0x40, $0x38;
	[tilespmem:$0x1EF88] =	vst v63  }
0x166: {  	s0 =	simm.s32 @!p0 $0x42  }
0x167: {  	s28 =	simm.s32 $0x1;
	s0 =	simm.s32 @p0 $0x2  }
0x168: {  	_ =	swait.ge [sflag:s28], s0  }
0x169: {  	s0 =	ssub.s32 $0x0, s0;
	[sflag:s28] =	ssyncset.done $0x0  }
0x16a: {  	p0 =	sne.s32 s14, $0x0;
	[sflag:s28] =	ssyncadd.s32 s0  }
.Ltmp19:
0x16b: {  	_ =	sfence.stream.spmem;
	(pc) =	sbr.rel @p0 .LBB2_43-.Ltmp19, $4  }
0x16c: {  	s29 =	simm.s32 $0x3;
	[bflag:$0x0] =	sbarrier.arrive $0xFFFF  }
0x16d: {  	s30 =	simm.s32 $0x4;
	[sflag:s29] =	ssyncpa.u1 $0x1  }
0x16e: {  	s31 =	simm.s32 $0x3C;
	[sflag:s30] =	ssyncpa.u1 $0x1  }
0x16f: {  	s13 =	rddreg [dreg:$0x4];
	[sflag:s31] =	ssyncpa.u1 $0x1  }
0x170: {  	_ =	sfence.stream.spmem;
	s0 =	simm.s32 $0x5  }
0x171: {  	s2 =	simm.s32 $0x800;
	s3 =	simm.s32 $0xA118;
	[sflag:s0] =	ssyncpa.u1 $0x0  }
0x172: {  	[tilespmem:s3], [sflag:$0x5] =	stream.linear.gather [spmem:s2], $0x20, $0x38;
	[tilespmem:$0x1EF88] =	vst v63  }
0x173: {  	s26 =	simm.s32 $0x0;
	s28 =	simm.s32 $0xA138  }
0x174: {  	[tilespmem:s28], [sflag:$0x5] =	stream.linear.gather [spmem:s26], $0x800, $0x38;
	[tilespmem:$0x1EF88] =	vst v63  }
0x175: {  	_ =	swait.ge [sflag:s0], $0x820  }
0x176: {  	[sflag:s0] =	ssyncset.done $0x0  }
0x177: {  	s29 =	simm.s32 $0x0;
	[sflag:s0] =	ssyncadd.s32 $0xFFFFF7E0  }
0x178: {  	v0 =	vld.msk [tilespmem:s29+$0xA118], $0x1;
	_ =	sdelay $0x1  }
0x179: {  	s30 =	simm.s32 $0x1  }
0x17a: {  	v1 =	vld.msk [tilespmem:s30+$0xA118], $0x1;
	_ =	sdelay $0x1  }
0x17b: {  	(v2sf) =	vpush v0, $0x0;
	_ =	sdelay $0x2  }
0x17c: {  	(v2sf) =	vpush v1, $0x0;
	_ =	sdelay $0x2  }
0x17d: {  	s31 =	simm.s32 $0x2  }
0x17e: {  	v0 =	vld.msk [tilespmem:s31+$0xA118], $0x1;
	_ =	sdelay $0x2  }
0x17f: {  	s2 =	simm.s32 $0xFFFFFFFF;
	s3 =	simm.s32 $0xFFFFFFFF;
	s0 =	simm.s32 $0xC  }
.LBB2_28:
0x180: {  	s4 =	smov.u32 s3;
	s5 =	smov.u32 s2  }
0x181: {  	s2 =	sshra.s32 s0, $0x2;
	p1 =	sne.s32 s0, $0x7C;
	s0 =	sadd.s32 $0x4, s0;
	(v2sf) =	vpush v0, $0x0  }
0x182: {  	v0 =	vld.msk [tilespmem:s2+$0xA118], $0x1  }
.Ltmp20:
0x183: {  	(pc) =	sbr.rel @p1 .LBB2_28-.Ltmp20, $4  }
0x184: {  	s3 =	spop (v2sf)  }
0x185: {  	p2 =	sne.s32 s5, $0xFFFFFFFF;
	s2 =	smov.u32 s3  }
0x186: {  	p3 =	seq.s32 s3, $0xFFFFFFFF;
	s2 =	smov.u32 @p2 s5  }
0x187: {  	s3 =	smov.u32 @p3 s4;
	s2 =	smov.u32 @p3 s5  }
0x188: {  	(v2sf) =	vpush v0, $0x0;
	_ =	sdelay $0x8  }
0x189: {  	s0 =	spop (v2sf)  }
0x18a: {  	p1 =	sne.s32 s2, $0xFFFFFFFF;
	s4 =	smov.u32 s0  }
0x18b: {  	s6 =	simm.s32 $0x0;
	p2 =	seq.s32 s0, $0xFFFFFFFF;
	s4 =	smov.u32 @p1 s2  }
0x18c: {  	s9 =	simm.s32 $0xA0C8;
	s4 =	smov.u32 @p2 s2;
	s2 =	spop (v2sf)  }
0x18d: {  	s0 =	smov.u32 @p2 s3;
	p1 =	sne.s32 s4, $0xFFFFFFFF;
	s5 =	smov.u32 s2  }
.Ltmp21:
0x18e: {  	p2 =	seq.s32 s2, $0xFFFFFFFF;
	s5 =	smov.u32 @p1 s4;
	(pc) =	sbr.rel .LBB2_30-.Ltmp21, $4  }
0x18f: {  	s10 =	simm.s32 $0x0;
	s5 =	smov.u32 @p2 s4;
	s7 =	spop (v2sf)  }
0x190: {  	s2 =	smov.u32 @p2 s0;
	p1 =	sne.s32 s5, $0xFFFFFFFF;
	s8 =	smov.u32 s7  }
0x191: {  	s0 =	simm.s32 $0x6;
	p2 =	seq.s32 s7, $0xFFFFFFFF;
	s8 =	smov.u32 @p1 s5  }
0x192: {  	[sflag:s0] =	ssyncpa.u1 $0x0;
	s7 =	smov.u32 @p2 s2;
	s8 =	smov.u32 @p2 s5  }
.LBB2_36:
0x193: {  	p1 =	sgt.u32 s2, $0xC34FF8  }
0x194: {  	p2 =	seq.s32 @!p1 s2, s8  }
0x195: {  	p1 =	por p1, p2  }
0x196: {  	p2 =	sne.s32 @!p1 s2, s7  }
0x197: {  	p1 =	por p1, !p2  }
0x198: {  	s2 =	sshll.u32 @p1 s10, $0x8  }
0x199: {  	s3 =	sand.u32 @!p1 $0xFFFFF8, s2  }
0x19a: {  	s2 =	sand.u32 @!p1 $0x7, s2;
	s3 =	sadd.s32 @!p1 s1, s3  }
0x19b: {  	[tilespmem:s9], [sflag:$0x6] =	stream.linear.gather @!p1 [hbm4b:s3+s2], $0x40, $0x38;
	[tilespmem:$0x1EF88] =	vst v63  }
0x19c: {  	_ =	swait.ge @!p1 [sflag:s0], $0x40  }
0x19d: {  	[sflag:s0] =	ssyncset.done @!p1 $0x0  }
0x19e: {  	[sflag:s0] =	ssyncadd.s32 @!p1 $0xFFFFFFC0  }
0x19f: {  	v1 =	vld @!p1 [tilespmem:$0xA0C8];
	_ =	sdelay $0x2  }
0x1a0: {  	s2 =	sshll.u32 @!p1 s10, $0x8  }
0x1a1: {  	s3 =	sshrl.u32 @!p1 s2, $0x2  }
0x1a2: {  	[tilespmem:s3+$0xA138] =	vst.add.f32.msk @!p1 $0xffff, v1  }
0x1a3: {  	v1 =	vld @!p1 [tilespmem:$0xA0D8];
	_ =	sdelay $0x4  }
0x1a4: {  	[tilespmem:s3+$0xA148] =	vst.add.f32.msk @!p1 $0xffff, v1  }
0x1a5: {  	v1 =	vld @!p1 [tilespmem:$0xA0E8];
	_ =	sdelay $0x4  }
0x1a6: {  	[tilespmem:s3+$0xA158] =	vst.add.f32.msk @!p1 $0xffff, v1  }
0x1a7: {  	v1 =	vld @!p1 [tilespmem:$0xA0F8];
	_ =	sdelay $0x4  }
0x1a8: {  	[tilespmem:s3+$0xA168] =	vst.add.f32.msk @!p1 $0xffff, v1  }
0x1a9: {  	s2 =	sshrl.u32 s2, $0x2;
	[tilespmem:s6+$0xA118] =	vst.msk $0x1, v0  }
0x1aa: {  	v0 =	vld [tilespmem:s2+$0xA138];
	_ =	sdelay $0x2  }
0x1ab: {  	s31 =	sshll.u32 s6, $0x8  }
0x1ac: {  	s3 =	sshra.s32 s31, $0x2  }
0x1ad: {  	[tilespmem:s3+$0xA138] =	vst v0  }
0x1ae: {  	v0 =	vld [tilespmem:s2+$0xA148];
	_ =	sdelay $0x4  }
0x1af: {  	[tilespmem:s3+$0xA148] =	vst v0  }
0x1b0: {  	v0 =	vld [tilespmem:s2+$0xA158];
	_ =	sdelay $0x4  }
0x1b1: {  	[tilespmem:s3+$0xA158] =	vst v0  }
0x1b2: {  	v0 =	vld [tilespmem:s2+$0xA168];
	_ =	sdelay $0x4  }
0x1b3: {  	s6 =	sadd.s32 $0x1, s6;
	[tilespmem:s3+$0xA168] =	vst v0  }
.LBB2_37:
0x1b4: {  	s10 =	sadd.s32 $0x1, s10  }
0x1b5: {  	p1 =	sne.s32 s10, $0x20  }
.Ltmp22:
0x1b6: {  	_ = 	snop;
	(pc) =	sbr.rel @!p1 .LBB2_38-.Ltmp22, $1  }
0x1b7: {  	_ =	sdelay $0x3  }
.LBB2_30:
0x1b8: {  	v0 =	vld.msk [tilespmem:s10+$0xA118], $0x1;
	_ =	sdelay $0x4  }
0x1b9: {  	(v2sf) =	vpush v0, $0x0;
	_ =	sdelay $0xe  }
0x1ba: {  	s2 =	spop (v2sf)  }
0x1bb: {  	p1 =	seq.s32 s2, $0xFFFFFFFF  }
.Ltmp23:
0x1bc: {  	_ = 	snop;
	(pc) =	sbr.rel @p1 .LBB2_37-.Ltmp23, $1  }
0x1bd: {  	_ =	sdelay $0x3  }
0x1be: {  	p1 =	slt.s32 s6, $0x1  }
.Ltmp24:
0x1bf: {  	_ = 	snop;
	(pc) =	sbr.rel @p1 .LBB2_36-.Ltmp24, $1  }
0x1c0: {  	_ =	sdelay $0x3  }
0x1c1: {  	s3 =	simm.s32 $0xA118;
	p1 =	por $0x0, $0x0  }
0x1c2: {  	v1 =	vld.msk @!p1 [tilespmem:s3+$0x0], $0x1;
	_ =	sdelay $0x4  }
0x1c3: {  	(v2sf) =	vpush @!p1 v1, $0x0;
	_ =	sdelay $0xd  }
0x1c4: {  	p3 =	sne.s32 s6, $0x1  }
.Ltmp25:
0x1c5: {  	s4 =	spop @!p1 (v2sf);
	(pc) =	sbr.rel @!p3 .LBB2_34-.Ltmp25, $4  }
0x1c6: {  	p2 =	seq.s32 @!p1 s2, s4  }
0x1c7: {  	s4 =	simm.s32 $0x0;
	p2 =	por !p2, p1  }
0x1c8: {  	s11 =	simm.s32 $0xFFFFFFFF;
	s4 =	simm.s32 @p2 $0xFFFFFFFF  }
0x1c9: {  	s5 =	simm.s32 $0x1;
	s4 =	smov.u32 @p1 s11  }
.LBB2_33:
0x1ca: {  	s11 =	smov.u32 s4;
	p1 =	sne.s32 s4, $0xFFFFFFFF  }
0x1cb: {  	s3 =	sadd.s32 $0x1, s3;
	s4 =	smov.u32 s5;
	s5 =	sadd.s32 $0x1, s5  }
0x1cc: {  	p2 =	sne.s32 s6, s5;
	v1 =	vld.msk @!p1 [tilespmem:s3+$0x0], $0x1;
	_ =	sdelay $0x4  }
0x1cd: {  	(v2sf) =	vpush @!p1 v1, $0x0;
	_ =	sdelay $0xe  }
.Ltmp26:
0x1ce: {  	s12 =	spop @!p1 (v2sf);
	(pc) =	sbr.rel @p2 .LBB2_33-.Ltmp26, $4  }
0x1cf: {  	p3 =	seq.s32 @!p1 s2, s12  }
0x1d0: {  	p3 =	por !p3, p1  }
0x1d1: {  	s4 =	simm.s32 @p3 $0xFFFFFFFF  }
0x1d2: {  	s4 =	smov.u32 @p1 s11  }
.LBB2_34:
0x1d3: {  	p1 =	seq.s32 s4, $0xFFFFFFFF  }
.Ltmp27:
0x1d4: {  	_ = 	snop;
	(pc) =	sbr.rel @p1 .LBB2_36-.Ltmp27, $1  }
0x1d5: {  	_ =	sdelay $0x3  }
0x1d6: {  	s2 =	sshll.u32 s10, $0x6  }
0x1d7: {  	s2 =	sand.u32 $0x3FFFFFC0, s2  }
0x1d8: {  	v0 =	vld [tilespmem:s2+$0xA138];
	_ =	sdelay $0x2  }
0x1d9: {  	s3 =	sshll.u32 s4, $0x8  }
0x1da: {  	s3 =	sshra.s32 s3, $0x2  }
0x1db: {  	[tilespmem:s3+$0xA138] =	vst.add.f32.msk $0xffff, v0  }
0x1dc: {  	v0 =	vld [tilespmem:s2+$0xA148];
	_ =	sdelay $0x4  }
0x1dd: {  	[tilespmem:s3+$0xA148] =	vst.add.f32.msk $0xffff, v0  }
0x1de: {  	v0 =	vld [tilespmem:s2+$0xA158];
	_ =	sdelay $0x4  }
0x1df: {  	[tilespmem:s3+$0xA158] =	vst.add.f32.msk $0xffff, v0  }
0x1e0: {  	v0 =	vld [tilespmem:s2+$0xA168]  }
.Ltmp28:
0x1e1: {  	_ = 	snop;
	(pc) =	sbr.rel .LBB2_37-.Ltmp28, $2  }
0x1e2: {  	_ =	sdelay $0x2  }
0x1e3: {  	[tilespmem:s3+$0xA168] =	vst.add.f32.msk $0xffff, v0  }
.LBB2_38:
0x1e4: {  	s0 =	simm.s32 $0x6;
	p1 =	seq.s32 s6, $0x0  }
0x1e5: {  	[sflag:s0] =	ssyncpa.u1 $0x1;
	v0 =	vimm.s32 @p1 $0xFFFFFFFF  }
0x1e6: {  	s0 =	sadd.s32 $0xFFFFFFFF, s6;
	[tilespmem:$0xA938] =	vst @p1 v0  }
0x1e7: {  	v0 =	vld.msk @!p1 [tilespmem:s0+$0xA118], $0x1;
	_ =	sdelay $0x1  }
0x1e8: {  	v1 =	vld.msk @!p1 [tilespmem:$0xA118], $0x1;
	_ =	sdelay $0x2  }
0x1e9: {  	p2 =	seq.s32 @!p1 s0, $0x0;
	v0 =	vbroadcast @!p1 v0, $0x0  }
0x1ea: {  	vm0 =	vmmov @!p1 $0x1;
	p2 =	por !p2, p1  }
0x1eb: {  	v1 =	vnsel @!p1 vm0, $0xFFFFFFFF, v1;
	vm0 =	vcmask @!p1 $0x308;
	v0 =	vpsel !p2, $0xFFFFFFFF, v0  }
0x1ec: {  	p2 =	sne.s32 @!p1 s8, s7;
	v0 =	vsel @!p1 vm0, v1, v0  }
0x1ed: {  	s2 =	simm.s32 @!p1 $0xA138;
	s3 =	simm.s32 @!p1 $0x0;
	p3 =	por !p2, p1;
	[tilespmem:$0xA938] =	vst @!p1 v0  }
0x1ee: {  	[spmem:s3] =	stream.linear.scatter @!p1 [tilespmem:s2], [sflag:$0x1], $0x40, $0x38;
	[tilespmem:$0x1EF88] =	vst v63  }
0x1ef: {  	s2 =	sshll.u32 @!p3 s0, $0x8  }
0x1f0: {  	s2 =	sshra.s32 @!p3 s2, $0x2  }
0x1f1: {  	s3 =	simm.s32 @!p3 $0x40;
	s2 =	sadd.s32 @!p3 $0xA138, s2  }
0x1f2: {  	[spmem:s3] =	stream.linear.scatter @!p3 [tilespmem:s2], [sflag:$0x1], $0x40, $0x38;
	[tilespmem:$0x1EF88] =	vst v63  }
0x1f3: {  	s2 =	simm.s32 @!p3 $0x1  }
0x1f4: {  	_ =	swait.ge @!p3 [sflag:s2], $0x80  }
0x1f5: {  	p1 =	por p2, p1;
	[sflag:s2] =	ssyncset.done @!p3 $0x0  }
0x1f6: {  	[sflag:s2] =	ssyncadd.s32 @!p3 $0xFFFFFF80;
	s2 =	simm.s32 @!p1 $0x1  }
0x1f7: {  	_ =	swait.ge @!p1 [sflag:s2], $0x40  }
0x1f8: {  	s29 =	simm.s32 $0xA938;
	[sflag:s2] =	ssyncset.done @!p1 $0x0  }
0x1f9: {  	s30 =	simm.s32 $0x800;
	s31 =	simm.s32 $0x1;
	[sflag:s2] =	ssyncadd.s32 @!p1 $0xFFFFFFC0  }
0x1fa: {  	[spmem:s30] =	stream.linear.scatter [tilespmem:s29], [sflag:$0x1], $0x10, $0x38;
	[tilespmem:$0x1EF88] =	vst v63  }
0x1fb: {  	_ =	swait.ge [sflag:s31], $0x10  }
0x1fc: {  	[sflag:s31] =	ssyncset.done $0x0  }
0x1fd: {  	p1 =	seq.s32 s13, $0x0;
	s9 =	rddreg [dreg:$0x1];
	[sflag:s31] =	ssyncadd.s32 $0xFFFFFFF0  }
0x1fe: {  	s3 =	sshll.u32 @p1 s9, $0xE;
	s8 =	rddreg [dreg:$0x2]  }
0x1ff: {  	s2 =	sadd.s32 @p1 $0x15C3C, s3;
	s3 =	sshll.u32 @p1 s8, $0x11  }
0x200: {  	_ =	sfence.stream.spmem;
	s2 =	sor.u32 @p1 s3, s2  }
0x201: {  	[sflag:s2] =	ssyncadd.remote.s32 @p1 $0x1;
	s2 =	simm.s32 @p1 $0x4  }
0x202: {  	s4 =	simm.s32 @!p1 $0x3C;
	s3 =	sand.u32 $0xFFFFFFFE, s9;
	_ =	swait.ge @p1 [sflag:s2], $0x12  }
0x203: {  	s5 =	simm.s32 @!p1 $0x0;
	s3 =	sadd.s32 @!p1 $0x4, s3;
	[sflag:s2] =	ssyncset.done @p1 $0x0  }
0x204: {  	s7 =	simm.s32 @!p1 $0x80;
	[sflag:s2] =	ssyncadd.s32 @p1 $0xFFFFFFEE;
	s2 =	sshll.u32 @!p1 s3, $0x1A  }
0x205: {  	s3 =	sshll.u32 @!p1 s3, $0xD;
	s2 =	sor.u32 @!p1 s2, s8;
	_ =	swait.eq @!p1 [sflag:s4], $0x1  }
0x206: {  	s3 =	sor.u32 @!p1 $0x1C04, s3;
	s4 =	simm.s32 @!p1 $0x1C03;
	s2 =	sor.u32 @!p1 $0x80004000, s2  }
0x207: {  	[spmem:s7], [sflag:s3] =	dma.general @!p1 [spmem:s5], [sflag:s4], length:$0x10, [dreg:$0x0], stride_count:$0x0, ici_dest:s2, dma_misc:DstOpCode:WRITE  }
0x208: {  	p2 =	slt.s32 s0, $0x2;
	s5 =	simm.s32 @!p1 $0x100;
	s7 =	simm.s32 @!p1 $0x102  }
0x209: {  	[spmem:s7], [sflag:s3] =	dma.general @!p1 [spmem:s5], [sflag:s4], length:$0x2, [dreg:$0x0], stride_count:$0x0, ici_dest:s2, dma_misc:DstOpCode:WRITE  }
.Ltmp29:
0x20a: {  	s2 =	simm.s32 @!p1 $0x3;
	(pc) =	sbr.rel @p2 .LBB2_42-.Ltmp29, $4  }
0x20b: {  	s3 =	sshll.u32 @!p1 s9, $0xE;
	_ =	swait.ge @!p1 [sflag:s2], $0x12  }
0x20c: {  	s4 =	sshll.u32 @!p1 s8, $0x11;
	s3 =	sadd.s32 @!p1 $0x11C3C, s3;
	[sflag:s2] =	ssyncset.done @!p1 $0x0  }
0x20d: {  	[sflag:s2] =	ssyncadd.s32 @!p1 $0xFFFFFFEE;
	s2 =	sor.u32 @!p1 s4, s3  }
0x20e: {  	s0 =	simm.s32 $0x0;
	[sflag:s2] =	ssyncadd.remote.s32 @!p1 $0xFFFFFFFF  }
0x20f: {  	s0 =	simm.s32 $0xA119  }
0x210: {  	v0 =	vld.msk [tilespmem:s0+$0x0], $0x1;
	_ =	sdelay $0x4  }
0x211: {  	(v2sf) =	vpush v0, $0x0;
	_ =	sdelay $0xc  }
0x212: {  	s2 =	sadd.s32 $0xFFFFFFFE, s6  }
0x213: {  	s2 =	sadd.s32 $0xFFFFFFFF, s2  }
0x214: {  	p2 =	sne.s32 s2, $0x0;
	s3 =	spop (v2sf)  }
.Ltmp30:
0x215: {  	p1 =	sgt.u32 s3, $0xC34FF8;
	(pc) =	sbr.rel @!p2 .LBB2_41-.Ltmp30, $4  }
0x216: {  	s5 =	simm.s32 $0x0;
	s4 =	sand.u32 @!p1 $0xFFFFF8, s3  }
0x217: {  	s0 =	simm.s32 $0xA178;
	s3 =	sand.u32 @!p1 $0x7, s3;
	s4 =	sadd.s32 @!p1 s1, s4  }
0x218: {  	[hbm4b:s4+s3] =	stream.linear.scatter @!p1 [tilespmem:s0], [sflag:$0x5], $0x40, $0x38;
	[tilespmem:$0x1EF88] =	vst v63  }
0x219: {  	s5 =	simm.s32 @!p1 $0x100;
	s3 =	simm.s32 $0x0;
	s4 =	simm.s32 $0xA11A  }
.LBB2_40:
0x21a: {  	v0 =	vld.msk [tilespmem:s4+$0x0], $0x1;
	s2 =	sadd.s32 $0xFFFFFFFF, s2;
	s3 =	sadd.s32 s3, s5  }
0x21b: {  	p1 =	sne.s32 s2, $0x0;
	_ =	sdelay $0x3  }
0x21c: {  	(v2sf) =	vpush v0, $0x0;
	_ =	sdelay $0xe  }
.Ltmp31:
0x21d: {  	s6 =	spop (v2sf);
	(pc) =	sbr.rel @p1 .LBB2_40-.Ltmp31, $4  }
0x21e: {  	s5 =	simm.s32 $0x0;
	p2 =	sgt.u32 s6, $0xC34FF8  }
0x21f: {  	s0 =	sadd.s32 $0x40, s0;
	s5 =	simm.s32 @!p2 $0x100;
	s7 =	sand.u32 @!p2 $0xFFFFF8, s6  }
0x220: {  	s4 =	sadd.s32 $0x1, s4;
	s6 =	sand.u32 @!p2 $0x7, s6;
	s7 =	sadd.s32 @!p2 s1, s7  }
0x221: {  	[hbm4b:s7+s6] =	stream.linear.scatter @!p2 [tilespmem:s0], [sflag:$0x5], $0x40, $0x38;
	[tilespmem:$0x1EF88] =	vst v63  }
.LBB2_41:
0x222: {  	s0 =	sadd.s32 s3, s5  }
0x223: {  	s0 =	sshrl.u32 s0, $0x2  }
.LBB2_42:
0x224: {  	s2 =	simm.s32 $0x5  }
0x225: {  	_ =	swait.ge [sflag:s2], s0  }
0x226: {  	s31 =	ssub.s32 $0x0, s0;
	[sflag:s2] =	ssyncset.done $0x0  }
0x227: {  	[sflag:s2] =	ssyncadd.s32 s31  }
0x228: {  	[sflag:s2] =	ssyncpa.u1 $0x1  }
.LBB2_43:
0x229: {  	s0 =	sor.u32 s13, s14  }
0x22a: {  	p1 =	sne.s32 s0, $0x0  }
.Ltmp32:
0x22b: {  	_ = 	snop;
	(pc) =	sbr.rel @p1 .LBB2_58-.Ltmp32, $3  }
0x22c: {  	_ =	sdelay $0x1  }
0x22d: {  	[bflag:$0x0] =	sbarrier.arrive $0xFFFF  }
0x22e: {  	_ =	sfence  }
0x22f: {  	s2 =	simm.s32 $0x7  }
0x230: {  	s0 =	simm.s32 $0x800;
	s3 =	simm.s32 $0xA118;
	[sflag:s2] =	ssyncpa.u1 $0x0  }
0x231: {  	[tilespmem:s3], [sflag:$0x7] =	stream.linear.gather [spmem:s0], $0x20, $0x38;
	[tilespmem:$0x1EF88] =	vst v63  }
0x232: {  	s30 =	simm.s32 $0xA138;
	s0 =	simm.s32 $0x0  }
0x233: {  	[tilespmem:s30], [sflag:$0x7] =	stream.linear.gather [spmem:s0], $0x800, $0x38;
	[tilespmem:$0x1EF88] =	vst v63  }
.Ltmp33:
0x234: {  	_ = 	snop;
	(pc) =	sbr.rel .LBB2_45-.Ltmp33, $4  }
0x235: {  	_ =	swait.ge [sflag:s2], $0x820  }
0x236: {  	[sflag:s2] =	ssyncset.done $0x0  }
0x237: {  	s31 =	simm.s32 $0x8;
	[sflag:s2] =	ssyncadd.s32 $0xFFFFF7E0  }
0x238: {  	s2 =	simm.s32 $0x0;
	[sflag:s31] =	ssyncpa.u1 $0x0  }
.LBB2_51:
0x239: {  	p1 =	slt.u32 s3, $0xC34FF9  }
0x23a: {  	s4 =	sand.u32 @p1 $0xFFFFF8, s3  }
0x23b: {  	s3 =	sand.u32 @p1 $0x7, s3;
	s5 =	simm.s32 @p1 $0xA0C8;
	s4 =	sadd.s32 @p1 s1, s4  }
0x23c: {  	[tilespmem:s5], [sflag:$0x8] =	stream.linear.gather @p1 [hbm4b:s4+s3], $0x40, $0x38;
	[tilespmem:$0x1EF88] =	vst v63  }
0x23d: {  	s3 =	simm.s32 @p1 $0x8  }
0x23e: {  	_ =	swait.ge @p1 [sflag:s3], $0x40  }
0x23f: {  	[sflag:s3] =	ssyncset.done @p1 $0x0  }
0x240: {  	[sflag:s3] =	ssyncadd.s32 @p1 $0xFFFFFFC0  }
0x241: {  	v1 =	vld @p1 [tilespmem:$0xA0C8];
	_ =	sdelay $0x2  }
0x242: {  	s3 =	sshll.u32 @p1 s2, $0x8  }
0x243: {  	s4 =	sshrl.u32 @p1 s3, $0x2  }
0x244: {  	[tilespmem:s4+$0xA138] =	vst.add.f32.msk @p1 $0xffff, v1  }
0x245: {  	v1 =	vld @p1 [tilespmem:$0xA0D8];
	_ =	sdelay $0x4  }
0x246: {  	[tilespmem:s4+$0xA148] =	vst.add.f32.msk @p1 $0xffff, v1  }
0x247: {  	v1 =	vld @p1 [tilespmem:$0xA0E8];
	_ =	sdelay $0x4  }
0x248: {  	[tilespmem:s4+$0xA158] =	vst.add.f32.msk @p1 $0xffff, v1  }
0x249: {  	v1 =	vld @p1 [tilespmem:$0xA0F8];
	_ =	sdelay $0x3  }
0x24a: {  	s5 =	sshll.u32 @!p1 s2, $0x8  }
0x24b: {  	s5 =	smov.u32 @p1 s3;
	[tilespmem:s4+$0xA168] =	vst.add.f32.msk @p1 $0xffff, v1  }
0x24c: {  	s3 =	sshrl.u32 s5, $0x2;
	[tilespmem:s0+$0xA118] =	vst.msk $0x1, v0  }
0x24d: {  	v0 =	vld [tilespmem:s3+$0xA138];
	_ =	sdelay $0x2  }
0x24e: {  	s31 =	sshll.u32 s0, $0x8  }
0x24f: {  	s4 =	sshra.s32 s31, $0x2  }
0x250: {  	[tilespmem:s4+$0xA138] =	vst v0  }
0x251: {  	v0 =	vld [tilespmem:s3+$0xA148];
	_ =	sdelay $0x4  }
0x252: {  	[tilespmem:s4+$0xA148] =	vst v0  }
0x253: {  	v0 =	vld [tilespmem:s3+$0xA158];
	_ =	sdelay $0x4  }
0x254: {  	[tilespmem:s4+$0xA158] =	vst v0  }
0x255: {  	v0 =	vld [tilespmem:s3+$0xA168];
	_ =	sdelay $0x4  }
0x256: {  	s0 =	sadd.s32 $0x1, s0;
	[tilespmem:s4+$0xA168] =	vst v0  }
.LBB2_52:
0x257: {  	s2 =	sadd.s32 $0x1, s2  }
0x258: {  	p1 =	sne.s32 s2, $0x20  }
.Ltmp34:
0x259: {  	_ = 	snop;
	(pc) =	sbr.rel @!p1 .LBB2_53-.Ltmp34, $1  }
0x25a: {  	_ =	sdelay $0x3  }
.LBB2_45:
0x25b: {  	v0 =	vld.msk [tilespmem:s2+$0xA118], $0x1;
	_ =	sdelay $0x4  }
0x25c: {  	(v2sf) =	vpush v0, $0x0;
	_ =	sdelay $0xe  }
0x25d: {  	s3 =	spop (v2sf)  }
0x25e: {  	p1 =	seq.s32 s3, $0xFFFFFFFF  }
.Ltmp35:
0x25f: {  	_ = 	snop;
	(pc) =	sbr.rel @p1 .LBB2_52-.Ltmp35, $1  }
0x260: {  	_ =	sdelay $0x3  }
0x261: {  	p1 =	slt.s32 s0, $0x1  }
.Ltmp36:
0x262: {  	_ = 	snop;
	(pc) =	sbr.rel @p1 .LBB2_51-.Ltmp36, $1  }
0x263: {  	_ =	sdelay $0x3  }
0x264: {  	s4 =	simm.s32 $0xA118;
	p1 =	por $0x0, $0x0  }
0x265: {  	v1 =	vld.msk @!p1 [tilespmem:s4+$0x0], $0x1;
	_ =	sdelay $0x4  }
0x266: {  	(v2sf) =	vpush @!p1 v1, $0x0;
	_ =	sdelay $0xd  }
0x267: {  	p3 =	sne.s32 s0, $0x1  }
.Ltmp37:
0x268: {  	s5 =	spop @!p1 (v2sf);
	(pc) =	sbr.rel @!p3 .LBB2_49-.Ltmp37, $4  }
0x269: {  	p2 =	seq.s32 @!p1 s3, s5  }
0x26a: {  	s5 =	simm.s32 $0x0;
	p2 =	por !p2, p1  }
0x26b: {  	s7 =	simm.s32 $0xFFFFFFFF;
	s5 =	simm.s32 @p2 $0xFFFFFFFF  }
0x26c: {  	s6 =	simm.s32 $0x1;
	s5 =	smov.u32 @p1 s7  }
.LBB2_48:
0x26d: {  	s7 =	smov.u32 s5;
	p1 =	sne.s32 s5, $0xFFFFFFFF  }
0x26e: {  	s4 =	sadd.s32 $0x1, s4;
	s5 =	smov.u32 s6;
	s6 =	sadd.s32 $0x1, s6  }
0x26f: {  	p2 =	sne.s32 s0, s6;
	v1 =	vld.msk @!p1 [tilespmem:s4+$0x0], $0x1;
	_ =	sdelay $0x4  }
0x270: {  	(v2sf) =	vpush @!p1 v1, $0x0;
	_ =	sdelay $0xe  }
.Ltmp38:
0x271: {  	s8 =	spop @!p1 (v2sf);
	(pc) =	sbr.rel @p2 .LBB2_48-.Ltmp38, $4  }
0x272: {  	p3 =	seq.s32 @!p1 s3, s8  }
0x273: {  	p3 =	por !p3, p1  }
0x274: {  	s5 =	simm.s32 @p3 $0xFFFFFFFF  }
0x275: {  	s5 =	smov.u32 @p1 s7  }
.LBB2_49:
0x276: {  	p1 =	seq.s32 s5, $0xFFFFFFFF  }
.Ltmp39:
0x277: {  	_ = 	snop;
	(pc) =	sbr.rel @p1 .LBB2_51-.Ltmp39, $1  }
0x278: {  	_ =	sdelay $0x3  }
0x279: {  	s3 =	sshll.u32 s2, $0x6  }
0x27a: {  	s3 =	sand.u32 $0x3FFFFFC0, s3  }
0x27b: {  	v0 =	vld [tilespmem:s3+$0xA138];
	_ =	sdelay $0x2  }
0x27c: {  	s4 =	sshll.u32 s5, $0x8  }
0x27d: {  	s4 =	sshra.s32 s4, $0x2  }
0x27e: {  	[tilespmem:s4+$0xA138] =	vst.add.f32.msk $0xffff, v0  }
0x27f: {  	v0 =	vld [tilespmem:s3+$0xA148];
	_ =	sdelay $0x4  }
0x280: {  	[tilespmem:s4+$0xA148] =	vst.add.f32.msk $0xffff, v0  }
0x281: {  	v0 =	vld [tilespmem:s3+$0xA158];
	_ =	sdelay $0x4  }
0x282: {  	[tilespmem:s4+$0xA158] =	vst.add.f32.msk $0xffff, v0  }
0x283: {  	v0 =	vld [tilespmem:s3+$0xA168]  }
.Ltmp40:
0x284: {  	_ = 	snop;
	(pc) =	sbr.rel .LBB2_52-.Ltmp40, $2  }
0x285: {  	_ =	sdelay $0x2  }
0x286: {  	[tilespmem:s4+$0xA168] =	vst.add.f32.msk $0xffff, v0  }
.LBB2_53:
0x287: {  	p1 =	slt.s32 s0, $0x1  }
.Ltmp41:
0x288: {  	_ = 	snop;
	(pc) =	sbr.rel @p1 .LBB2_57-.Ltmp41, $3  }
0x289: {  	_ =	sdelay $0x1  }
0x28a: {  	s2 =	simm.s32 $0x8  }
0x28b: {  	[sflag:s2] =	ssyncpa.u1 $0x1;
	s2 =	simm.s32 $0x0  }
0x28c: {  	s3 =	simm.s32 $0xA118  }
0x28d: {  	v0 =	vld.msk [tilespmem:s3+$0x0], $0x1;
	_ =	sdelay $0x4  }
0x28e: {  	(v2sf) =	vpush v0, $0x0;
	_ =	sdelay $0xe  }
0x28f: {  	s0 =	sadd.s32 $0xFFFFFFFF, s0;
	s4 =	spop (v2sf)  }
0x290: {  	p2 =	sne.s32 s0, $0x0;
	p1 =	sgt.u32 s4, $0xC34FF8  }
.Ltmp42:
0x291: {  	s5 =	sand.u32 @!p1 $0xFFFFF8, s4;
	(pc) =	sbr.rel @!p2 .LBB2_56-.Ltmp42, $4  }
0x292: {  	s3 =	simm.s32 $0xA138;
	s4 =	sand.u32 @!p1 $0x7, s4;
	s5 =	sadd.s32 @!p1 s1, s5  }
0x293: {  	[hbm4b:s5+s4] =	stream.linear.scatter @!p1 [tilespmem:s3], [sflag:$0x7], $0x40, $0x38;
	[tilespmem:$0x1EF88] =	vst v63  }
0x294: {  	s5 =	simm.s32 $0x0  }
0x295: {  	s4 =	simm.s32 $0xA119;
	s5 =	simm.s32 @!p1 $0x100  }
.LBB2_55:
0x296: {  	v0 =	vld.msk [tilespmem:s4+$0x0], $0x1;
	s0 =	sadd.s32 $0xFFFFFFFF, s0;
	s2 =	sadd.s32 s2, s5  }
0x297: {  	p1 =	sne.s32 s0, $0x0;
	_ =	sdelay $0x3  }
0x298: {  	(v2sf) =	vpush v0, $0x0;
	_ =	sdelay $0xe  }
.Ltmp43:
0x299: {  	s6 =	spop (v2sf);
	(pc) =	sbr.rel @p1 .LBB2_55-.Ltmp43, $4  }
0x29a: {  	s5 =	simm.s32 $0x0;
	p2 =	sgt.u32 s6, $0xC34FF8  }
0x29b: {  	s3 =	sadd.s32 $0x40, s3;
	s5 =	simm.s32 @!p2 $0x100;
	s7 =	sand.u32 @!p2 $0xFFFFF8, s6  }
0x29c: {  	s4 =	sadd.s32 $0x1, s4;
	s6 =	sand.u32 @!p2 $0x7, s6;
	s7 =	sadd.s32 @!p2 s1, s7  }
0x29d: {  	[hbm4b:s7+s6] =	stream.linear.scatter @!p2 [tilespmem:s3], [sflag:$0x7], $0x40, $0x38;
	[tilespmem:$0x1EF88] =	vst v63  }
.LBB2_56:
0x29e: {  	s0 =	sadd.s32 s2, s5  }
0x29f: {  	s2 =	sshrl.u32 s0, $0x2  }
.LBB2_57:
0x2a0: {  	s0 =	simm.s32 $0x7  }
0x2a1: {  	_ =	swait.ge [sflag:s0], s2  }
0x2a2: {  	s1 =	ssub.s32 $0x0, s2;
	[sflag:s0] =	ssyncset.done $0x0  }
0x2a3: {  	[sflag:s0] =	ssyncadd.s32 s1  }
0x2a4: {  	[sflag:s0] =	ssyncpa.u1 $0x1  }
.LBB2_58:
0x2a5: {  	_ =	sfence;
	s0 =	simm.s32 $0x1  }
0x2a6: {  	[sflag:s0] =	ssyncpa.u1 $0x1  }
0x2a7: {  	_ =	strace $0x9000004D  }
0x2a8: {  	[bflag:$0x2] =	sbarrier.arrive $0xFFFF  }
0x2a9: {  	s0 =	rddreg [dreg:$0x3]  }
0x2aa: {  	s0 =	sadd.s32 @!p0 $0x100000, s0  }
0x2ab: {  	[sflag:s0] =	ssyncadd.tile.s32 @!p0 $0x1;
	_ =	shalt  }
.Lfunc_end2:
_tile_overlayer_lowered:
.L_overlay_start_2:
0x2ac: {  	(tag) =	ssettag $0x2  }
0x2ad: {  	s0 =	rddreg [dreg:$0x0];
	s2 =	stileid.u32  }
0x2ae: {  	s1 =	rddreg [dreg:$0x1];
	p0 =	sne.s32 s2, $0x0  }
0x2af: {  	s3 =	rddreg [dreg:$0x2];
	[bflag:$0x3] =	sbarrier.arrive $0xFFFF;
	s2 =	simm.s32 @!p0 $0x1C01  }
0x2b0: {  	[timem:s3], [sflag:s2] =	dma.local @!p0 [hbm:s0], s1  }
0x2b1: {  	s0 =	simm.s32 @!p0 $0x1  }
0x2b2: {  	_ =	swait.ge @!p0 [sflag:s0], s1  }
0x2b3: {  	s1 =	ssub.s32 @!p0 $0x0, s1;
	[sflag:s0] =	ssyncset.done @!p0 $0x0  }
0x2b4: {  	[sflag:s0] =	ssyncadd.s32 @!p0 s1  }
0x2b5: {  	[bflag:$0x3] =	sbarrier.arrive $0xFFFF  }
0x2b6: {  	_ =	shalt  }

</sc_bundles>
